<compile_context>
chip_gen: v7x
topology: tpu7x:2x2x1
jax: 0.10.2.dev20260603
libtpu: 0.0.44.dev20260713+nightly
codegen_flags: <defaults>
</compile_context>

<pallas_src>
import functools

import jax
import jax.numpy as jnp
from jax import lax
from jax.experimental import pallas as pl
from jax.experimental.pallas import tpu as pltpu
from jax.experimental.pallas import tpu_sc as plsc

_B = 16384
_D = 64
_NPOS = 20
_NNEG = 50
_NCTX = _NPOS + _NNEG
_PAD = 128
_NC = 2
_NS = 16
_NW = _NC * _NS
_BPW = _B // _NW
_C = 4
_NCHUNK = _BPW // _C
_NG = 5
_ROWS = 296
_CPW = _C * _PAD
_FL = 16
_SCW = _FL * _CPW

_mesh = plsc.VectorSubcoreMesh(core_axis_name="c", subcore_axis_name="s")


@functools.partial(
    pl.kernel,
    mesh=_mesh,
    out_type=jax.ShapeDtypeStruct((_B * _PAD,), jnp.float32),
    scratch_types=[
        pltpu.VMEM((2 * _CPW,), jnp.int32),
        pltpu.VMEM((2 * _CPW,), jnp.float32),
        pltpu.VMEM((2, _ROWS, _D), jnp.float32),
        pltpu.VMEM((_C, 2 * _D), jnp.float32),
        pltpu.VMEM((_SCW,), jnp.float32),
        pltpu.SemaphoreType.DMA,
        pltpu.SemaphoreType.DMA,
    ],
    compiler_params=pltpu.CompilerParams(
        needs_layout_passes=False, use_tc_tiling_on_sc=False),
)
def _scores_kernel(out_tab, idx, vin, out,
                   ibuf, vbuf, rows, v2, scores_acc, gsem, ssem):
    wid = lax.axis_index("s") * _NC + lax.axis_index("c")
    iota = lax.iota(jnp.int32, 16)
    base = wid * _BPW * _PAD

    def stage_pair(c, islot):
        src = pl.ds(base + c * _CPW, _CPW)
        return (pltpu.async_copy(idx.at[src],
                                 ibuf.at[pl.ds(islot * _CPW, _CPW)], ssem),
                pltpu.async_copy(vin.at[src],
                                 vbuf.at[pl.ds(islot * _CPW, _CPW)], ssem))

    def gather_cps(c, buf):
        ib = lax.rem(c, 2) * _CPW
        return [pltpu.async_copy(
            out_tab.at[ibuf.at[pl.ds(ib + b * _PAD, _NCTX)]],
            rows.at[buf, pl.ds(b * _NCTX, _NCTX)], gsem)
            for b in range(_C)]

    for cp in stage_pair(0, 0):
        cp.wait()
    stage_pair(1, 1)
    gather_cps(0, 0)

    def chunk_body(ci, carry):
        buf = lax.rem(ci, 2)
        nxt = 1 - buf

        @pl.when(ci + 1 < _NCHUNK)
        def _():
            pltpu.make_async_copy(
                idx.at[pl.ds(base + (ci + 1) * _CPW, _CPW)],
                ibuf.at[pl.ds(lax.rem(ci + 1, 2) * _CPW, _CPW)],
                ssem).wait()
            pltpu.make_async_copy(
                vin.at[pl.ds(base + (ci + 1) * _CPW, _CPW)],
                vbuf.at[pl.ds(lax.rem(ci + 1, 2) * _CPW, _CPW)],
                ssem).wait()
            gather_cps(ci + 1, nxt)

        ib = lax.rem(ci, 2) * _CPW
        for b in range(_C):
            pltpu.make_async_copy(
                out_tab.at[ibuf.at[pl.ds(ib + b * _PAD, _NCTX)]],
                rows.at[buf, pl.ds(b * _NCTX, _NCTX)], gsem).wait()

        vb = lax.rem(ci, 2) * _CPW
        for b in range(_C):
            for k in range(4):
                c = vbuf[pl.ds(vb + b * _PAD + k * 16, 16)]
                v2[b, pl.ds(k * 16, 16)] = c
                v2[b, pl.ds(_D + k * 16, 16)] = c

        @pl.when(ci + 2 < _NCHUNK)
        def _():
            stage_pair(ci + 2, lax.rem(ci, 2))

        soff = lax.rem(ci, _FL) * _CPW
        for b in range(_C):
            rbases = [(b * _NCTX + g * 16) + iota for g in range(_NG)]

            def d_body(dq, accs, b=b, rbases=rbases):
                accs = list(accs)
                for d4 in range(4):
                    d = dq * 4 + d4
                    civd = lax.bitwise_and(iota + d, jnp.int32(_D - 1))
                    vv = v2[b, pl.ds(d, 16)]
                    for g in range(_NG):
                        u = plsc.load_gather(rows.at[buf],
                                             [rbases[g], civd])
                        accs[g] = accs[g] + u * vv
                return tuple(accs)

            accs = lax.fori_loop(
                0, _D // 4, d_body,
                tuple([jnp.zeros((16,), jnp.float32)] * _NG))
            for g in range(_NG):
                scores_acc[pl.ds(soff + b * _PAD + g * 16, 16)] = accs[g]

        @pl.when(lax.rem(ci, _FL) == _FL - 1)
        def _():
            pltpu.sync_copy(
                scores_acc,
                out.at[pl.ds(base + (ci // _FL) * _SCW, _SCW)])

        return carry

    lax.fori_loop(0, _NCHUNK, chunk_body, 0)


def kernel(target, pos_context, neg_context, in_table, out_table):
    zpad = jnp.zeros((_B, _PAD - _NCTX), jnp.int32)
    idx = jnp.concatenate(
        [pos_context.astype(jnp.int32), neg_context.astype(jnp.int32),
         zpad], axis=1).reshape(_B * _PAD)
    v = jnp.take(in_table, target, axis=0)
    vp = jnp.concatenate(
        [v, jnp.zeros((_B, _PAD - _D), jnp.float32)], axis=1)
    scores = _scores_kernel(out_table, idx, vp.reshape(_B * _PAD))
    s = scores.reshape(_B, _PAD)
    return s[:, :_NPOS], s[:, _NPOS:_NCTX]

# --- scband reference (transcript-rebuilt; emitter-appended) ---
"""Pipeline reference for scband-skip-gram-40982577938694 (READ-ONLY COPY).

The authoritative reference and input builder live on the scoring server;
editing this copy changes nothing except your own understanding.
"""

import jax, jax.numpy as jnp
import numpy as np

VOCAB = 1000000
EMBED = 64
B = 16384
N_POS = 20
N_NEG = 50

def setup_inputs(seed: int = 0) -> dict:
    key = jax.random.key(seed)
    k1, k2, k3, k4, k5 = jax.random.split(key, 5)
    target = jax.random.randint(k1, (B,), 0, VOCAB)
    pos_context = jax.random.randint(k2, (B, N_POS), 0, VOCAB)
    neg_context = jax.random.randint(k3, (B, N_NEG), 0, VOCAB)
    in_table = jax.random.normal(k4, (VOCAB, EMBED), dtype=jnp.float32) * 0.02
    out_table = jax.random.normal(k5, (VOCAB, EMBED), dtype=jnp.float32) * 0.02
    return {"target": target, "pos_context": pos_context, "neg_context": neg_context,
            "in_table": in_table, "out_table": out_table}

def reference(target, pos_context, neg_context, in_table, out_table):
    # v = in_embed(target): [B, d]
    v = jnp.take(in_table, target, axis=0)
    # pos_u = out_embed(pos_context): [B, n, d]; neg_u: [B, m, d]
    pos_u = jnp.take(out_table, pos_context, axis=0)
    neg_u = jnp.take(out_table, neg_context, axis=0)
    # bmm(pos_u, v.unsqueeze(2)) -> [B, n, 1]; sum over dim=2 -> [B, n]
    pos_score = jnp.einsum('bnd,bd->bn', pos_u, v)
    neg_score = jnp.einsum('bmd,bd->bm', neg_u, v)
    return (pos_score, neg_score)

if __name__ == "__main__":
    import jax
    _d = setup_inputs()
    print(jax.jit(kernel)(*tuple(_d.values())))

</pallas_src>

<mosaic_0001>
#map = affine_map<(d0, d1) -> (0, 0)>
#map1 = affine_map<(d0, d1) -> (0)>
module attributes {stable_mosaic.version = 14 : i64} {
  func.func @_scores_kernel(%arg0: i32, %arg1: i32, %arg2: memref<1000000x64xf32, #tpu.memory_space<hbm>>, %arg3: memref<2097152xi32, #tpu.memory_space<hbm>>, %arg4: memref<2097152xf32, #tpu.memory_space<hbm>>, %arg5: memref<2097152xf32, #tpu.memory_space<hbm>>, %arg6: memref<1024xi32, #tpu.memory_space<vmem>>, %arg7: memref<1024xf32, #tpu.memory_space<vmem>>, %arg8: memref<2x296x64xf32, #tpu.memory_space<vmem>>, %arg9: memref<4x128xf32, #tpu.memory_space<vmem>>, %arg10: memref<8192xf32, #tpu.memory_space<vmem>>, %arg11: memref<!tpu.dma_semaphore, #tpu.memory_space<semaphore_mem>>, %arg12: memref<!tpu.dma_semaphore, #tpu.memory_space<semaphore_mem>>) attributes {dimension_semantics = [#tpu.dimension_semantics<core_parallel>, #tpu.dimension_semantics<subcore_parallel>], iteration_bounds = array<i64: 2, 16>, scalar_prefetch = 0 : i64, scratch_operands = 7 : i64, tpu.core_type = #tpu.core_type<sc_vector_subcore>, window_params = [{transform_indices = #map}, {transform_indices = #map1}, {transform_indices = #map1}, {transform_indices = #map1}]} {
    %mul3A = arith.constant 2 : i32
    %mul3A_0 = arith.muli %arg1, %mul3A : i32
    %add3A = arith.addi %mul3A_0, %arg0 : i32
    %iota3A = tpu.iota {dimensions = array<i32: 0>} : vector<16xi32>
    %mul3A_1 = arith.constant 512 : i32
    %mul3A_2 = arith.muli %add3A, %mul3A_1 : i32
    %mul3A_3 = arith.constant 128 : i32
    %mul3A_4 = arith.muli %mul3A_2, %mul3A_3 : i32
    %add3A_5 = arith.constant 0 : i32
    %add3A_6 = arith.addi %mul3A_4, %add3A_5 : i32
    %dma_start3A = arith.constant 0 : i32
    %dma_start3A_7 = tpu.memref_slice %arg6[%dma_start3A] : memref<1024xi32, #tpu.memory_space<vmem>> -> memref<512xi32, #tpu.memory_space<vmem>>
    %dma_start3A_8 = tpu.memref_slice %arg3[%add3A_6] : memref<2097152xi32, #tpu.memory_space<hbm>> -> memref<512xi32, #tpu.memory_space<hbm>>
    %dma_start3A_9 = arith.constant 0 : i32
    %dma_start3A_10 = tpu.memref_slice %arg6[%dma_start3A_9] : memref<1024xi32, #tpu.memory_space<vmem>> -> memref<512xi32, #tpu.memory_space<vmem>>
    %dma_start3A_11 = tpu.memref_slice %arg3[%add3A_6] : memref<2097152xi32, #tpu.memory_space<hbm>> -> memref<512xi32, #tpu.memory_space<hbm>>
    tpu.enqueue_dma source(%dma_start3A_11 : memref<512xi32, #tpu.memory_space<hbm>>) target(%dma_start3A_10 : memref<512xi32, #tpu.memory_space<vmem>>) target_semaphore(%arg12 : memref<!tpu.dma_semaphore, #tpu.memory_space<semaphore_mem>>)
    %dma_start3A_12 = arith.constant 0 : i32
    %dma_start3A_13 = tpu.memref_slice %arg7[%dma_start3A_12] : memref<1024xf32, #tpu.memory_space<vmem>> -> memref<512xf32, #tpu.memory_space<vmem>>
    %dma_start3A_14 = tpu.memref_slice %arg4[%add3A_6] : memref<2097152xf32, #tpu.memory_space<hbm>> -> memref<512xf32, #tpu.memory_space<hbm>>
    %dma_start3A_15 = arith.constant 0 : i32
    %dma_start3A_16 = tpu.memref_slice %arg7[%dma_start3A_15] : memref<1024xf32, #tpu.memory_space<vmem>> -> memref<512xf32, #tpu.memory_space<vmem>>
    %dma_start3A_17 = tpu.memref_slice %arg4[%add3A_6] : memref<2097152xf32, #tpu.memory_space<hbm>> -> memref<512xf32, #tpu.memory_space<hbm>>
    tpu.enqueue_dma source(%dma_start3A_17 : memref<512xf32, #tpu.memory_space<hbm>>) target(%dma_start3A_16 : memref<512xf32, #tpu.memory_space<vmem>>) target_semaphore(%arg12 : memref<!tpu.dma_semaphore, #tpu.memory_space<semaphore_mem>>)
    %dma_wait3A = arith.constant 0 : i32
    %dma_wait3A_18 = tpu.memref_slice %arg6[%dma_wait3A] : memref<1024xi32, #tpu.memory_space<vmem>> -> memref<512xi32, #tpu.memory_space<vmem>>
    %dma_wait3A_19 = tpu.memref_slice %arg3[%add3A_6] : memref<2097152xi32, #tpu.memory_space<hbm>> -> memref<512xi32, #tpu.memory_space<hbm>>
    %dma_wait3A_20 = arith.constant 0 : i32
    %dma_wait3A_21 = tpu.memref_slice %arg6[%dma_wait3A_20] : memref<1024xi32, #tpu.memory_space<vmem>> -> memref<512xi32, #tpu.memory_space<vmem>>
    %dma_wait3A_22 = tpu.memref_slice %arg3[%add3A_6] : memref<2097152xi32, #tpu.memory_space<hbm>> -> memref<512xi32, #tpu.memory_space<hbm>>
    tpu.wait_dma2 semaphore(%arg12 : memref<!tpu.dma_semaphore, #tpu.memory_space<semaphore_mem>>) src(%dma_wait3A_22 : memref<512xi32, #tpu.memory_space<hbm>>) dst(%dma_wait3A_21 : memref<512xi32, #tpu.memory_space<vmem>>)
    %dma_wait3A_23 = arith.constant 0 : i32
    %dma_wait3A_24 = tpu.memref_slice %arg7[%dma_wait3A_23] : memref<1024xf32, #tpu.memory_space<vmem>> -> memref<512xf32, #tpu.memory_space<vmem>>
    %dma_wait3A_25 = tpu.memref_slice %arg4[%add3A_6] : memref<2097152xf32, #tpu.memory_space<hbm>> -> memref<512xf32, #tpu.memory_space<hbm>>
    %dma_wait3A_26 = arith.constant 0 : i32
    %dma_wait3A_27 = tpu.memref_slice %arg7[%dma_wait3A_26] : memref<1024xf32, #tpu.memory_space<vmem>> -> memref<512xf32, #tpu.memory_space<vmem>>
    %dma_wait3A_28 = tpu.memref_slice %arg4[%add3A_6] : memref<2097152xf32, #tpu.memory_space<hbm>> -> memref<512xf32, #tpu.memory_space<hbm>>
    tpu.wait_dma2 semaphore(%arg12 : memref<!tpu.dma_semaphore, #tpu.memory_space<semaphore_mem>>) src(%dma_wait3A_28 : memref<512xf32, #tpu.memory_space<hbm>>) dst(%dma_wait3A_27 : memref<512xf32, #tpu.memory_space<vmem>>)
    %add3A_29 = arith.constant 512 : i32
    %add3A_30 = arith.addi %mul3A_4, %add3A_29 : i32
    %dma_start3A_31 = arith.constant 512 : i32
    %dma_start3A_32 = tpu.memref_slice %arg6[%dma_start3A_31] : memref<1024xi32, #tpu.memory_space<vmem>> -> memref<512xi32, #tpu.memory_space<vmem>>
    %dma_start3A_33 = tpu.memref_slice %arg3[%add3A_30] : memref<2097152xi32, #tpu.memory_space<hbm>> -> memref<512xi32, #tpu.memory_space<hbm>>
    %dma_start3A_34 = arith.constant 512 : i32
    %dma_start3A_35 = tpu.memref_slice %arg6[%dma_start3A_34] : memref<1024xi32, #tpu.memory_space<vmem>> -> memref<512xi32, #tpu.memory_space<vmem>>
    %dma_start3A_36 = tpu.memref_slice %arg3[%add3A_30] : memref<2097152xi32, #tpu.memory_space<hbm>> -> memref<512xi32, #tpu.memory_space<hbm>>
    tpu.enqueue_dma source(%dma_start3A_36 : memref<512xi32, #tpu.memory_space<hbm>>) target(%dma_start3A_35 : memref<512xi32, #tpu.memory_space<vmem>>) target_semaphore(%arg12 : memref<!tpu.dma_semaphore, #tpu.memory_space<semaphore_mem>>)
    %dma_start3A_37 = arith.constant 512 : i32
    %dma_start3A_38 = tpu.memref_slice %arg7[%dma_start3A_37] : memref<1024xf32, #tpu.memory_space<vmem>> -> memref<512xf32, #tpu.memory_space<vmem>>
    %dma_start3A_39 = tpu.memref_slice %arg4[%add3A_30] : memref<2097152xf32, #tpu.memory_space<hbm>> -> memref<512xf32, #tpu.memory_space<hbm>>
    %dma_start3A_40 = arith.constant 512 : i32
    %dma_start3A_41 = tpu.memref_slice %arg7[%dma_start3A_40] : memref<1024xf32, #tpu.memory_space<vmem>> -> memref<512xf32, #tpu.memory_space<vmem>>
    %dma_start3A_42 = tpu.memref_slice %arg4[%add3A_30] : memref<2097152xf32, #tpu.memory_space<hbm>> -> memref<512xf32, #tpu.memory_space<hbm>>
    tpu.enqueue_dma source(%dma_start3A_42 : memref<512xf32, #tpu.memory_space<hbm>>) target(%dma_start3A_41 : memref<512xf32, #tpu.memory_space<vmem>>) target_semaphore(%arg12 : memref<!tpu.dma_semaphore, #tpu.memory_space<semaphore_mem>>)
    %rem3A = arith.constant 0 : i32
    %rem3A_43 = arith.constant 2 : i32
    %rem3A_44 = arith.remsi %rem3A, %rem3A_43 : i32
    %mul3A_45 = arith.constant 512 : i32
    %mul3A_46 = arith.muli %rem3A_44, %mul3A_45 : i32
    %add3A_47 = arith.constant 0 : i32
    %add3A_48 = arith.addi %mul3A_46, %add3A_47 : i32
    %dma_start3A_49 = arith.constant 0 : i32
    %dma_start3A_50 = arith.constant 0 : i32
    %dma_start3A_51 = arith.constant 0 : i32
    %dma_start3A_52 = tpu.memref_slice %arg8[%dma_start3A_49, %dma_start3A_50, %dma_start3A_51] : memref<2x296x64xf32, #tpu.memory_space<vmem>> -> memref<1x70x64xf32, #tpu.memory_space<vmem>>
    %dma_start3A_53 = tpu.memref_squeeze %dma_start3A_52 : memref<1x70x64xf32, #tpu.memory_space<vmem>> -> memref<70x64xf32, #tpu.memory_space<vmem>>
    %dma_start3A_54 = tpu.memref_slice %arg6[%add3A_48] : memref<1024xi32, #tpu.memory_space<vmem>> -> memref<70xi32, #tpu.memory_space<vmem>>
    %dma_start3A_55 = arith.constant 0 : i32
    %dma_start3A_56 = arith.constant 0 : i32
    %dma_start3A_57 = tpu.memref_slice %arg2[%dma_start3A_55, %dma_start3A_56] : memref<1000000x64xf32, #tpu.memory_space<hbm>> -> memref<1000000x64xf32, #tpu.memory_space<hbm>>
    tpu.enqueue_indirect_dma source(%dma_start3A_57 : memref<1000000x64xf32, #tpu.memory_space<hbm>>) target(%dma_start3A_53 : memref<70x64xf32, #tpu.memory_space<vmem>>) offsets(%dma_start3A_54 : memref<70xi32, #tpu.memory_space<vmem>>) semaphore(%arg11 : memref<!tpu.dma_semaphore, #tpu.memory_space<semaphore_mem>>)
    %add3A_58 = arith.constant 128 : i32
    %add3A_59 = arith.addi %mul3A_46, %add3A_58 : i32
    %dma_start3A_60 = arith.constant 0 : i32
    %dma_start3A_61 = arith.constant 70 : i32
    %dma_start3A_62 = arith.constant 0 : i32
    %dma_start3A_63 = tpu.memref_slice %arg8[%dma_start3A_60, %dma_start3A_61, %dma_start3A_62] : memref<2x296x64xf32, #tpu.memory_space<vmem>> -> memref<1x70x64xf32, #tpu.memory_space<vmem>>
    %dma_start3A_64 = tpu.memref_squeeze %dma_start3A_63 : memref<1x70x64xf32, #tpu.memory_space<vmem>> -> memref<70x64xf32, #tpu.memory_space<vmem>>
    %dma_start3A_65 = tpu.memref_slice %arg6[%add3A_59] : memref<1024xi32, #tpu.memory_space<vmem>> -> memref<70xi32, #tpu.memory_space<vmem>>
    %dma_start3A_66 = arith.constant 0 : i32
    %dma_start3A_67 = arith.constant 0 : i32
    %dma_start3A_68 = tpu.memref_slice %arg2[%dma_start3A_66, %dma_start3A_67] : memref<1000000x64xf32, #tpu.memory_space<hbm>> -> memref<1000000x64xf32, #tpu.memory_space<hbm>>
    tpu.enqueue_indirect_dma source(%dma_start3A_68 : memref<1000000x64xf32, #tpu.memory_space<hbm>>) target(%dma_start3A_64 : memref<70x64xf32, #tpu.memory_space<vmem>>) offsets(%dma_start3A_65 : memref<70xi32, #tpu.memory_space<vmem>>) semaphore(%arg11 : memref<!tpu.dma_semaphore, #tpu.memory_space<semaphore_mem>>)
    %add3A_69 = arith.constant 256 : i32
    %add3A_70 = arith.addi %mul3A_46, %add3A_69 : i32
    %dma_start3A_71 = arith.constant 0 : i32
    %dma_start3A_72 = arith.constant 140 : i32
    %dma_start3A_73 = arith.constant 0 : i32
    %dma_start3A_74 = tpu.memref_slice %arg8[%dma_start3A_71, %dma_start3A_72, %dma_start3A_73] : memref<2x296x64xf32, #tpu.memory_space<vmem>> -> memref<1x70x64xf32, #tpu.memory_space<vmem>>
    %dma_start3A_75 = tpu.memref_squeeze %dma_start3A_74 : memref<1x70x64xf32, #tpu.memory_space<vmem>> -> memref<70x64xf32, #tpu.memory_space<vmem>>
    %dma_start3A_76 = tpu.memref_slice %arg6[%add3A_70] : memref<1024xi32, #tpu.memory_space<vmem>> -> memref<70xi32, #tpu.memory_space<vmem>>
    %dma_start3A_77 = arith.constant 0 : i32
    %dma_start3A_78 = arith.constant 0 : i32
    %dma_start3A_79 = tpu.memref_slice %arg2[%dma_start3A_77, %dma_start3A_78] : memref<1000000x64xf32, #tpu.memory_space<hbm>> -> memref<1000000x64xf32, #tpu.memory_space<hbm>>
    tpu.enqueue_indirect_dma source(%dma_start3A_79 : memref<1000000x64xf32, #tpu.memory_space<hbm>>) target(%dma_start3A_75 : memref<70x64xf32, #tpu.memory_space<vmem>>) offsets(%dma_start3A_76 : memref<70xi32, #tpu.memory_space<vmem>>) semaphore(%arg11 : memref<!tpu.dma_semaphore, #tpu.memory_space<semaphore_mem>>)
    %add3A_80 = arith.constant 384 : i32
    %add3A_81 = arith.addi %mul3A_46, %add3A_80 : i32
    %dma_start3A_82 = arith.constant 0 : i32
    %dma_start3A_83 = arith.constant 210 : i32
    %dma_start3A_84 = arith.constant 0 : i32
    %dma_start3A_85 = tpu.memref_slice %arg8[%dma_start3A_82, %dma_start3A_83, %dma_start3A_84] : memref<2x296x64xf32, #tpu.memory_space<vmem>> -> memref<1x70x64xf32, #tpu.memory_space<vmem>>
    %dma_start3A_86 = tpu.memref_squeeze %dma_start3A_85 : memref<1x70x64xf32, #tpu.memory_space<vmem>> -> memref<70x64xf32, #tpu.memory_space<vmem>>
    %dma_start3A_87 = tpu.memref_slice %arg6[%add3A_81] : memref<1024xi32, #tpu.memory_space<vmem>> -> memref<70xi32, #tpu.memory_space<vmem>>
    %dma_start3A_88 = arith.constant 0 : i32
    %dma_start3A_89 = arith.constant 0 : i32
    %dma_start3A_90 = tpu.memref_slice %arg2[%dma_start3A_88, %dma_start3A_89] : memref<1000000x64xf32, #tpu.memory_space<hbm>> -> memref<1000000x64xf32, #tpu.memory_space<hbm>>
    tpu.enqueue_indirect_dma source(%dma_start3A_90 : memref<1000000x64xf32, #tpu.memory_space<hbm>>) target(%dma_start3A_86 : memref<70x64xf32, #tpu.memory_space<vmem>>) offsets(%dma_start3A_87 : memref<70xi32, #tpu.memory_space<vmem>>) semaphore(%arg11 : memref<!tpu.dma_semaphore, #tpu.memory_space<semaphore_mem>>)
    %scan3A = arith.constant 0 : i32
    %scan3A_91 = arith.constant 0 : i32
    %scan3A_92 = arith.constant 128 : i32
    %scan3A_93 = arith.addi %scan3A_91, %scan3A_92 : i32
    %scan3A_94 = arith.constant 1 : i32
    scf.for %scan3A_96 = %scan3A_91 to %scan3A_93 step %scan3A_94  : i32 {
      %rem3A_97 = arith.constant 2 : i32
      %rem3A_98 = arith.remsi %scan3A_96, %rem3A_97 : i32
      %sub3A = arith.constant 1 : i32
      %sub3A_99 = arith.subi %sub3A, %rem3A_98 : i32
      %add3A_100 = arith.constant 1 : i32
      %add3A_101 = arith.addi %scan3A_96, %add3A_100 : i32
      %lt3A = arith.constant 128 : i32
      %lt3A_102 = arith.cmpi slt, %add3A_101, %lt3A : i32
      %convert_element_type3A = arith.extui %lt3A_102 : i1 to i32
      %cond3A = arith.constant 0 : i32
      %cond3A_103 = arith.cmpi ne, %convert_element_type3A, %cond3A : i32
      scf.if %cond3A_103 {
        %add3A_602 = arith.constant 1 : i32
        %add3A_603 = arith.addi %scan3A_96, %add3A_602 : i32
        %mul3A_604 = arith.constant 512 : i32
        %mul3A_605 = arith.muli %add3A_603, %mul3A_604 : i32
        %add3A_606 = arith.addi %mul3A_4, %mul3A_605 : i32
        %add3A_607 = arith.constant 1 : i32
        %add3A_608 = arith.addi %scan3A_96, %add3A_607 : i32
        %rem3A_609 = arith.constant 2 : i32
        %rem3A_610 = arith.remsi %add3A_608, %rem3A_609 : i32
        %mul3A_611 = arith.constant 512 : i32
        %mul3A_612 = arith.muli %rem3A_610, %mul3A_611 : i32
        %dma_wait3A_613 = tpu.memref_slice %arg6[%mul3A_612] : memref<1024xi32, #tpu.memory_space<vmem>> -> memref<512xi32, #tpu.memory_space<vmem>>
        %dma_wait3A_614 = tpu.memref_slice %arg3[%add3A_606] : memref<2097152xi32, #tpu.memory_space<hbm>> -> memref<512xi32, #tpu.memory_space<hbm>>
        %dma_wait3A_615 = tpu.memref_slice %arg6[%mul3A_612] : memref<1024xi32, #tpu.memory_space<vmem>> -> memref<512xi32, #tpu.memory_space<vmem>>
        %dma_wait3A_616 = tpu.memref_slice %arg3[%add3A_606] : memref<2097152xi32, #tpu.memory_space<hbm>> -> memref<512xi32, #tpu.memory_space<hbm>>
        tpu.wait_dma2 semaphore(%arg12 : memref<!tpu.dma_semaphore, #tpu.memory_space<semaphore_mem>>) src(%dma_wait3A_616 : memref<512xi32, #tpu.memory_space<hbm>>) dst(%dma_wait3A_615 : memref<512xi32, #tpu.memory_space<vmem>>)
        %add3A_617 = arith.constant 1 : i32
        %add3A_618 = arith.addi %scan3A_96, %add3A_617 : i32
        %mul3A_619 = arith.constant 512 : i32
        %mul3A_620 = arith.muli %add3A_618, %mul3A_619 : i32
        %add3A_621 = arith.addi %mul3A_4, %mul3A_620 : i32
        %add3A_622 = arith.constant 1 : i32
        %add3A_623 = arith.addi %scan3A_96, %add3A_622 : i32
        %rem3A_624 = arith.constant 2 : i32
        %rem3A_625 = arith.remsi %add3A_623, %rem3A_624 : i32
        %mul3A_626 = arith.constant 512 : i32
        %mul3A_627 = arith.muli %rem3A_625, %mul3A_626 : i32
        %dma_wait3A_628 = tpu.memref_slice %arg7[%mul3A_627] : memref<1024xf32, #tpu.memory_space<vmem>> -> memref<512xf32, #tpu.memory_space<vmem>>
        %dma_wait3A_629 = tpu.memref_slice %arg4[%add3A_621] : memref<2097152xf32, #tpu.memory_space<hbm>> -> memref<512xf32, #tpu.memory_space<hbm>>
        %dma_wait3A_630 = tpu.memref_slice %arg7[%mul3A_627] : memref<1024xf32, #tpu.memory_space<vmem>> -> memref<512xf32, #tpu.memory_space<vmem>>
        %dma_wait3A_631 = tpu.memref_slice %arg4[%add3A_621] : memref<2097152xf32, #tpu.memory_space<hbm>> -> memref<512xf32, #tpu.memory_space<hbm>>
        tpu.wait_dma2 semaphore(%arg12 : memref<!tpu.dma_semaphore, #tpu.memory_space<semaphore_mem>>) src(%dma_wait3A_631 : memref<512xf32, #tpu.memory_space<hbm>>) dst(%dma_wait3A_630 : memref<512xf32, #tpu.memory_space<vmem>>)
        %add3A_632 = arith.constant 1 : i32
        %add3A_633 = arith.addi %scan3A_96, %add3A_632 : i32
        %rem3A_634 = arith.constant 2 : i32
        %rem3A_635 = arith.remsi %add3A_633, %rem3A_634 : i32
        %mul3A_636 = arith.constant 512 : i32
        %mul3A_637 = arith.muli %rem3A_635, %mul3A_636 : i32
        %add3A_638 = arith.constant 0 : i32
        %add3A_639 = arith.addi %mul3A_637, %add3A_638 : i32
        %dma_start3A_640 = arith.constant 0 : i32
        %dma_start3A_641 = arith.constant 0 : i32
        %dma_start3A_642 = tpu.memref_slice %arg8[%sub3A_99, %dma_start3A_640, %dma_start3A_641] : memref<2x296x64xf32, #tpu.memory_space<vmem>> -> memref<1x70x64xf32, #tpu.memory_space<vmem>>
        %dma_start3A_643 = tpu.memref_squeeze %dma_start3A_642 : memref<1x70x64xf32, #tpu.memory_space<vmem>> -> memref<70x64xf32, #tpu.memory_space<vmem>>
        %dma_start3A_644 = tpu.memref_slice %arg6[%add3A_639] : memref<1024xi32, #tpu.memory_space<vmem>> -> memref<70xi32, #tpu.memory_space<vmem>>
        %dma_start3A_645 = arith.constant 0 : i32
        %dma_start3A_646 = arith.constant 0 : i32
        %dma_start3A_647 = tpu.memref_slice %arg2[%dma_start3A_645, %dma_start3A_646] : memref<1000000x64xf32, #tpu.memory_space<hbm>> -> memref<1000000x64xf32, #tpu.memory_space<hbm>>
        tpu.enqueue_indirect_dma source(%dma_start3A_647 : memref<1000000x64xf32, #tpu.memory_space<hbm>>) target(%dma_start3A_643 : memref<70x64xf32, #tpu.memory_space<vmem>>) offsets(%dma_start3A_644 : memref<70xi32, #tpu.memory_space<vmem>>) semaphore(%arg11 : memref<!tpu.dma_semaphore, #tpu.memory_space<semaphore_mem>>)
        %add3A_648 = arith.constant 128 : i32
        %add3A_649 = arith.addi %mul3A_637, %add3A_648 : i32
        %dma_start3A_650 = arith.constant 70 : i32
        %dma_start3A_651 = arith.constant 0 : i32
        %dma_start3A_652 = tpu.memref_slice %arg8[%sub3A_99, %dma_start3A_650, %dma_start3A_651] : memref<2x296x64xf32, #tpu.memory_space<vmem>> -> memref<1x70x64xf32, #tpu.memory_space<vmem>>
        %dma_start3A_653 = tpu.memref_squeeze %dma_start3A_652 : memref<1x70x64xf32, #tpu.memory_space<vmem>> -> memref<70x64xf32, #tpu.memory_space<vmem>>
        %dma_start3A_654 = tpu.memref_slice %arg6[%add3A_649] : memref<1024xi32, #tpu.memory_space<vmem>> -> memref<70xi32, #tpu.memory_space<vmem>>
        %dma_start3A_655 = arith.constant 0 : i32
        %dma_start3A_656 = arith.constant 0 : i32
        %dma_start3A_657 = tpu.memref_slice %arg2[%dma_start3A_655, %dma_start3A_656] : memref<1000000x64xf32, #tpu.memory_space<hbm>> -> memref<1000000x64xf32, #tpu.memory_space<hbm>>
        tpu.enqueue_indirect_dma source(%dma_start3A_657 : memref<1000000x64xf32, #tpu.memory_space<hbm>>) target(%dma_start3A_653 : memref<70x64xf32, #tpu.memory_space<vmem>>) offsets(%dma_start3A_654 : memref<70xi32, #tpu.memory_space<vmem>>) semaphore(%arg11 : memref<!tpu.dma_semaphore, #tpu.memory_space<semaphore_mem>>)
        %add3A_658 = arith.constant 256 : i32
        %add3A_659 = arith.addi %mul3A_637, %add3A_658 : i32
        %dma_start3A_660 = arith.constant 140 : i32
        %dma_start3A_661 = arith.constant 0 : i32
        %dma_start3A_662 = tpu.memref_slice %arg8[%sub3A_99, %dma_start3A_660, %dma_start3A_661] : memref<2x296x64xf32, #tpu.memory_space<vmem>> -> memref<1x70x64xf32, #tpu.memory_space<vmem>>
        %dma_start3A_663 = tpu.memref_squeeze %dma_start3A_662 : memref<1x70x64xf32, #tpu.memory_space<vmem>> -> memref<70x64xf32, #tpu.memory_space<vmem>>
        %dma_start3A_664 = tpu.memref_slice %arg6[%add3A_659] : memref<1024xi32, #tpu.memory_space<vmem>> -> memref<70xi32, #tpu.memory_space<vmem>>
        %dma_start3A_665 = arith.constant 0 : i32
        %dma_start3A_666 = arith.constant 0 : i32
        %dma_start3A_667 = tpu.memref_slice %arg2[%dma_start3A_665, %dma_start3A_666] : memref<1000000x64xf32, #tpu.memory_space<hbm>> -> memref<1000000x64xf32, #tpu.memory_space<hbm>>
        tpu.enqueue_indirect_dma source(%dma_start3A_667 : memref<1000000x64xf32, #tpu.memory_space<hbm>>) target(%dma_start3A_663 : memref<70x64xf32, #tpu.memory_space<vmem>>) offsets(%dma_start3A_664 : memref<70xi32, #tpu.memory_space<vmem>>) semaphore(%arg11 : memref<!tpu.dma_semaphore, #tpu.memory_space<semaphore_mem>>)
        %add3A_668 = arith.constant 384 : i32
        %add3A_669 = arith.addi %mul3A_637, %add3A_668 : i32
        %dma_start3A_670 = arith.constant 210 : i32
        %dma_start3A_671 = arith.constant 0 : i32
        %dma_start3A_672 = tpu.memref_slice %arg8[%sub3A_99, %dma_start3A_670, %dma_start3A_671] : memref<2x296x64xf32, #tpu.memory_space<vmem>> -> memref<1x70x64xf32, #tpu.memory_space<vmem>>
        %dma_start3A_673 = tpu.memref_squeeze %dma_start3A_672 : memref<1x70x64xf32, #tpu.memory_space<vmem>> -> memref<70x64xf32, #tpu.memory_space<vmem>>
        %dma_start3A_674 = tpu.memref_slice %arg6[%add3A_669] : memref<1024xi32, #tpu.memory_space<vmem>> -> memref<70xi32, #tpu.memory_space<vmem>>
        %dma_start3A_675 = arith.constant 0 : i32
        %dma_start3A_676 = arith.constant 0 : i32
        %dma_start3A_677 = tpu.memref_slice %arg2[%dma_start3A_675, %dma_start3A_676] : memref<1000000x64xf32, #tpu.memory_space<hbm>> -> memref<1000000x64xf32, #tpu.memory_space<hbm>>
        tpu.enqueue_indirect_dma source(%dma_start3A_677 : memref<1000000x64xf32, #tpu.memory_space<hbm>>) target(%dma_start3A_673 : memref<70x64xf32, #tpu.memory_space<vmem>>) offsets(%dma_start3A_674 : memref<70xi32, #tpu.memory_space<vmem>>) semaphore(%arg11 : memref<!tpu.dma_semaphore, #tpu.memory_space<semaphore_mem>>)
      } else {
      }
      %rem3A_104 = arith.constant 2 : i32
      %rem3A_105 = arith.remsi %scan3A_96, %rem3A_104 : i32
      %mul3A_106 = arith.constant 512 : i32
      %mul3A_107 = arith.muli %rem3A_105, %mul3A_106 : i32
      %add3A_108 = arith.constant 0 : i32
      %add3A_109 = arith.addi %mul3A_107, %add3A_108 : i32
      %dma_wait3A_110 = arith.constant 0 : i32
      %dma_wait3A_111 = arith.constant 0 : i32
      %dma_wait3A_112 = tpu.memref_slice %arg8[%rem3A_98, %dma_wait3A_110, %dma_wait3A_111] : memref<2x296x64xf32, #tpu.memory_space<vmem>> -> memref<1x70x64xf32, #tpu.memory_space<vmem>>
      %dma_wait3A_113 = tpu.memref_squeeze %dma_wait3A_112 : memref<1x70x64xf32, #tpu.memory_space<vmem>> -> memref<70x64xf32, #tpu.memory_space<vmem>>
      %dma_wait3A_114 = tpu.memref_slice %arg6[%add3A_109] : memref<1024xi32, #tpu.memory_space<vmem>> -> memref<70xi32, #tpu.memory_space<vmem>>
      %dma_wait3A_115 = arith.constant 0 : i32
      %dma_wait3A_116 = arith.constant 0 : i32
      %dma_wait3A_117 = tpu.memref_slice %arg2[%dma_wait3A_115, %dma_wait3A_116] : memref<1000000x64xf32, #tpu.memory_space<hbm>> -> memref<1000000x64xf32, #tpu.memory_space<hbm>>
      tpu.wait_indirect_dma semaphore(%arg11 : memref<!tpu.dma_semaphore, #tpu.memory_space<semaphore_mem>>) src(%dma_wait3A_117 : memref<1000000x64xf32, #tpu.memory_space<hbm>>) dst(%dma_wait3A_113 : memref<70x64xf32, #tpu.memory_space<vmem>>)
      %add3A_118 = arith.constant 128 : i32
      %add3A_119 = arith.addi %mul3A_107, %add3A_118 : i32
      %dma_wait3A_120 = arith.constant 70 : i32
      %dma_wait3A_121 = arith.constant 0 : i32
      %dma_wait3A_122 = tpu.memref_slice %arg8[%rem3A_98, %dma_wait3A_120, %dma_wait3A_121] : memref<2x296x64xf32, #tpu.memory_space<vmem>> -> memref<1x70x64xf32, #tpu.memory_space<vmem>>
      %dma_wait3A_123 = tpu.memref_squeeze %dma_wait3A_122 : memref<1x70x64xf32, #tpu.memory_space<vmem>> -> memref<70x64xf32, #tpu.memory_space<vmem>>
      %dma_wait3A_124 = tpu.memref_slice %arg6[%add3A_119] : memref<1024xi32, #tpu.memory_space<vmem>> -> memref<70xi32, #tpu.memory_space<vmem>>
      %dma_wait3A_125 = arith.constant 0 : i32
      %dma_wait3A_126 = arith.constant 0 : i32
      %dma_wait3A_127 = tpu.memref_slice %arg2[%dma_wait3A_125, %dma_wait3A_126] : memref<1000000x64xf32, #tpu.memory_space<hbm>> -> memref<1000000x64xf32, #tpu.memory_space<hbm>>
      tpu.wait_indirect_dma semaphore(%arg11 : memref<!tpu.dma_semaphore, #tpu.memory_space<semaphore_mem>>) src(%dma_wait3A_127 : memref<1000000x64xf32, #tpu.memory_space<hbm>>) dst(%dma_wait3A_123 : memref<70x64xf32, #tpu.memory_space<vmem>>)
      %add3A_128 = arith.constant 256 : i32
      %add3A_129 = arith.addi %mul3A_107, %add3A_128 : i32
      %dma_wait3A_130 = arith.constant 140 : i32
      %dma_wait3A_131 = arith.constant 0 : i32
      %dma_wait3A_132 = tpu.memref_slice %arg8[%rem3A_98, %dma_wait3A_130, %dma_wait3A_131] : memref<2x296x64xf32, #tpu.memory_space<vmem>> -> memref<1x70x64xf32, #tpu.memory_space<vmem>>
      %dma_wait3A_133 = tpu.memref_squeeze %dma_wait3A_132 : memref<1x70x64xf32, #tpu.memory_space<vmem>> -> memref<70x64xf32, #tpu.memory_space<vmem>>
      %dma_wait3A_134 = tpu.memref_slice %arg6[%add3A_129] : memref<1024xi32, #tpu.memory_space<vmem>> -> memref<70xi32, #tpu.memory_space<vmem>>
      %dma_wait3A_135 = arith.constant 0 : i32
      %dma_wait3A_136 = arith.constant 0 : i32
      %dma_wait3A_137 = tpu.memref_slice %arg2[%dma_wait3A_135, %dma_wait3A_136] : memref<1000000x64xf32, #tpu.memory_space<hbm>> -> memref<1000000x64xf32, #tpu.memory_space<hbm>>
      tpu.wait_indirect_dma semaphore(%arg11 : memref<!tpu.dma_semaphore, #tpu.memory_space<semaphore_mem>>) src(%dma_wait3A_137 : memref<1000000x64xf32, #tpu.memory_space<hbm>>) dst(%dma_wait3A_133 : memref<70x64xf32, #tpu.memory_space<vmem>>)
      %add3A_138 = arith.constant 384 : i32
      %add3A_139 = arith.addi %mul3A_107, %add3A_138 : i32
      %dma_wait3A_140 = arith.constant 210 : i32
      %dma_wait3A_141 = arith.constant 0 : i32
      %dma_wait3A_142 = tpu.memref_slice %arg8[%rem3A_98, %dma_wait3A_140, %dma_wait3A_141] : memref<2x296x64xf32, #tpu.memory_space<vmem>> -> memref<1x70x64xf32, #tpu.memory_space<vmem>>
      %dma_wait3A_143 = tpu.memref_squeeze %dma_wait3A_142 : memref<1x70x64xf32, #tpu.memory_space<vmem>> -> memref<70x64xf32, #tpu.memory_space<vmem>>
      %dma_wait3A_144 = tpu.memref_slice %arg6[%add3A_139] : memref<1024xi32, #tpu.memory_space<vmem>> -> memref<70xi32, #tpu.memory_space<vmem>>
      %dma_wait3A_145 = arith.constant 0 : i32
      %dma_wait3A_146 = arith.constant 0 : i32
      %dma_wait3A_147 = tpu.memref_slice %arg2[%dma_wait3A_145, %dma_wait3A_146] : memref<1000000x64xf32, #tpu.memory_space<hbm>> -> memref<1000000x64xf32, #tpu.memory_space<hbm>>
      tpu.wait_indirect_dma semaphore(%arg11 : memref<!tpu.dma_semaphore, #tpu.memory_space<semaphore_mem>>) src(%dma_wait3A_147 : memref<1000000x64xf32, #tpu.memory_space<hbm>>) dst(%dma_wait3A_143 : memref<70x64xf32, #tpu.memory_space<vmem>>)
      %rem3A_148 = arith.constant 2 : i32
      %rem3A_149 = arith.remsi %scan3A_96, %rem3A_148 : i32
      %mul3A_150 = arith.constant 512 : i32
      %mul3A_151 = arith.muli %rem3A_149, %mul3A_150 : i32
      %add3A_152 = arith.constant 0 : i32
      %add3A_153 = arith.addi %mul3A_151, %add3A_152 : i32
      %add3A_154 = arith.constant 0 : i32
      %add3A_155 = arith.addi %add3A_153, %add3A_154 : i32
      %get3A = arith.index_cast %add3A_155 : i32 to index
      %get3A_156 = tpu.vector_load %arg7[%get3A] {strides = array<i32>} : memref<1024xf32, #tpu.memory_space<vmem>>, vector<16xf32>,
      %swap3A = arith.constant 0 : i32
      %swap3A_157 = arith.index_cast %swap3A : i32 to index
      %swap3A_158 = arith.constant 0 : index
      %swap3A_159 = tpu.vector_load %arg9[%swap3A_157, %swap3A_158] {strides = array<i32>} : memref<4x128xf32, #tpu.memory_space<vmem>>, vector<16xf32>,
      tpu.vector_store %arg9[%swap3A_157, %swap3A_158], %get3A_156 {strides = array<i32>} : memref<4x128xf32, #tpu.memory_space<vmem>>, vector<16xf32>,
      %swap3A_160 = arith.constant 0 : i32
      %swap3A_161 = arith.index_cast %swap3A_160 : i32 to index
      %swap3A_162 = arith.constant 64 : index
      %swap3A_163 = tpu.vector_load %arg9[%swap3A_161, %swap3A_162] {strides = array<i32>} : memref<4x128xf32, #tpu.memory_space<vmem>>, vector<16xf32>,
      tpu.vector_store %arg9[%swap3A_161, %swap3A_162], %get3A_156 {strides = array<i32>} : memref<4x128xf32, #tpu.memory_space<vmem>>, vector<16xf32>,
      %add3A_164 = arith.constant 0 : i32
      %add3A_165 = arith.addi %mul3A_151, %add3A_164 : i32
      %add3A_166 = arith.constant 16 : i32
      %add3A_167 = arith.addi %add3A_165, %add3A_166 : i32
      %get3A_168 = arith.index_cast %add3A_167 : i32 to index
      %get3A_169 = tpu.vector_load %arg7[%get3A_168] {strides = array<i32>} : memref<1024xf32, #tpu.memory_space<vmem>>, vector<16xf32>,
      %swap3A_170 = arith.constant 0 : i32
      %swap3A_171 = arith.index_cast %swap3A_170 : i32 to index
      %swap3A_172 = arith.constant 16 : index
      %swap3A_173 = tpu.vector_load %arg9[%swap3A_171, %swap3A_172] {strides = array<i32>} : memref<4x128xf32, #tpu.memory_space<vmem>>, vector<16xf32>,
      tpu.vector_store %arg9[%swap3A_171, %swap3A_172], %get3A_169 {strides = array<i32>} : memref<4x128xf32, #tpu.memory_space<vmem>>, vector<16xf32>,
      %swap3A_174 = arith.constant 0 : i32
      %swap3A_175 = arith.index_cast %swap3A_174 : i32 to index
      %swap3A_176 = arith.constant 80 : index
      %swap3A_177 = tpu.vector_load %arg9[%swap3A_175, %swap3A_176] {strides = array<i32>} : memref<4x128xf32, #tpu.memory_space<vmem>>, vector<16xf32>,
      tpu.vector_store %arg9[%swap3A_175, %swap3A_176], %get3A_169 {strides = array<i32>} : memref<4x128xf32, #tpu.memory_space<vmem>>, vector<16xf32>,
      %add3A_178 = arith.constant 0 : i32
      %add3A_179 = arith.addi %mul3A_151, %add3A_178 : i32
      %add3A_180 = arith.constant 32 : i32
      %add3A_181 = arith.addi %add3A_179, %add3A_180 : i32
      %get3A_182 = arith.index_cast %add3A_181 : i32 to index
      %get3A_183 = tpu.vector_load %arg7[%get3A_182] {strides = array<i32>} : memref<1024xf32, #tpu.memory_space<vmem>>, vector<16xf32>,
      %swap3A_184 = arith.constant 0 : i32
      %swap3A_185 = arith.index_cast %swap3A_184 : i32 to index
      %swap3A_186 = arith.constant 32 : index
      %swap3A_187 = tpu.vector_load %arg9[%swap3A_185, %swap3A_186] {strides = array<i32>} : memref<4x128xf32, #tpu.memory_space<vmem>>, vector<16xf32>,
      tpu.vector_store %arg9[%swap3A_185, %swap3A_186], %get3A_183 {strides = array<i32>} : memref<4x128xf32, #tpu.memory_space<vmem>>, vector<16xf32>,
      %swap3A_188 = arith.constant 0 : i32
      %swap3A_189 = arith.index_cast %swap3A_188 : i32 to index
      %swap3A_190 = arith.constant 96 : index
      %swap3A_191 = tpu.vector_load %arg9[%swap3A_189, %swap3A_190] {strides = array<i32>} : memref<4x128xf32, #tpu.memory_space<vmem>>, vector<16xf32>,
      tpu.vector_store %arg9[%swap3A_189, %swap3A_190], %get3A_183 {strides = array<i32>} : memref<4x128xf32, #tpu.memory_space<vmem>>, vector<16xf32>,
      %add3A_192 = arith.constant 0 : i32
      %add3A_193 = arith.addi %mul3A_151, %add3A_192 : i32
      %add3A_194 = arith.constant 48 : i32
      %add3A_195 = arith.addi %add3A_193, %add3A_194 : i32
      %get3A_196 = arith.index_cast %add3A_195 : i32 to index
      %get3A_197 = tpu.vector_load %arg7[%get3A_196] {strides = array<i32>} : memref<1024xf32, #tpu.memory_space<vmem>>, vector<16xf32>,
      %swap3A_198 = arith.constant 0 : i32
      %swap3A_199 = arith.index_cast %swap3A_198 : i32 to index
      %swap3A_200 = arith.constant 48 : index
      %swap3A_201 = tpu.vector_load %arg9[%swap3A_199, %swap3A_200] {strides = array<i32>} : memref<4x128xf32, #tpu.memory_space<vmem>>, vector<16xf32>,
      tpu.vector_store %arg9[%swap3A_199, %swap3A_200], %get3A_197 {strides = array<i32>} : memref<4x128xf32, #tpu.memory_space<vmem>>, vector<16xf32>,
      %swap3A_202 = arith.constant 0 : i32
      %swap3A_203 = arith.index_cast %swap3A_202 : i32 to index
      %swap3A_204 = arith.constant 112 : index
      %swap3A_205 = tpu.vector_load %arg9[%swap3A_203, %swap3A_204] {strides = array<i32>} : memref<4x128xf32, #tpu.memory_space<vmem>>, vector<16xf32>,
      tpu.vector_store %arg9[%swap3A_203, %swap3A_204], %get3A_197 {strides = array<i32>} : memref<4x128xf32, #tpu.memory_space<vmem>>, vector<16xf32>,
      %add3A_206 = arith.constant 128 : i32
      %add3A_207 = arith.addi %mul3A_151, %add3A_206 : i32
      %add3A_208 = arith.constant 0 : i32
      %add3A_209 = arith.addi %add3A_207, %add3A_208 : i32
      %get3A_210 = arith.index_cast %add3A_209 : i32 to index
      %get3A_211 = tpu.vector_load %arg7[%get3A_210] {strides = array<i32>} : memref<1024xf32, #tpu.memory_space<vmem>>, vector<16xf32>,
      %swap3A_212 = arith.constant 1 : i32
      %swap3A_213 = arith.index_cast %swap3A_212 : i32 to index
      %swap3A_214 = arith.constant 0 : index
      %swap3A_215 = tpu.vector_load %arg9[%swap3A_213, %swap3A_214] {strides = array<i32>} : memref<4x128xf32, #tpu.memory_space<vmem>>, vector<16xf32>,
      tpu.vector_store %arg9[%swap3A_213, %swap3A_214], %get3A_211 {strides = array<i32>} : memref<4x128xf32, #tpu.memory_space<vmem>>, vector<16xf32>,
      %swap3A_216 = arith.constant 1 : i32
      %swap3A_217 = arith.index_cast %swap3A_216 : i32 to index
      %swap3A_218 = arith.constant 64 : index
      %swap3A_219 = tpu.vector_load %arg9[%swap3A_217, %swap3A_218] {strides = array<i32>} : memref<4x128xf32, #tpu.memory_space<vmem>>, vector<16xf32>,
      tpu.vector_store %arg9[%swap3A_217, %swap3A_218], %get3A_211 {strides = array<i32>} : memref<4x128xf32, #tpu.memory_space<vmem>>, vector<16xf32>,
      %add3A_220 = arith.constant 128 : i32
      %add3A_221 = arith.addi %mul3A_151, %add3A_220 : i32
      %add3A_222 = arith.constant 16 : i32
      %add3A_223 = arith.addi %add3A_221, %add3A_222 : i32
      %get3A_224 = arith.index_cast %add3A_223 : i32 to index
      %get3A_225 = tpu.vector_load %arg7[%get3A_224] {strides = array<i32>} : memref<1024xf32, #tpu.memory_space<vmem>>, vector<16xf32>,
      %swap3A_226 = arith.constant 1 : i32
      %swap3A_227 = arith.index_cast %swap3A_226 : i32 to index
      %swap3A_228 = arith.constant 16 : index
      %swap3A_229 = tpu.vector_load %arg9[%swap3A_227, %swap3A_228] {strides = array<i32>} : memref<4x128xf32, #tpu.memory_space<vmem>>, vector<16xf32>,
      tpu.vector_store %arg9[%swap3A_227, %swap3A_228], %get3A_225 {strides = array<i32>} : memref<4x128xf32, #tpu.memory_space<vmem>>, vector<16xf32>,
      %swap3A_230 = arith.constant 1 : i32
      %swap3A_231 = arith.index_cast %swap3A_230 : i32 to index
      %swap3A_232 = arith.constant 80 : index
      %swap3A_233 = tpu.vector_load %arg9[%swap3A_231, %swap3A_232] {strides = array<i32>} : memref<4x128xf32, #tpu.memory_space<vmem>>, vector<16xf32>,
      tpu.vector_store %arg9[%swap3A_231, %swap3A_232], %get3A_225 {strides = array<i32>} : memref<4x128xf32, #tpu.memory_space<vmem>>, vector<16xf32>,
      %add3A_234 = arith.constant 128 : i32
      %add3A_235 = arith.addi %mul3A_151, %add3A_234 : i32
      %add3A_236 = arith.constant 32 : i32
      %add3A_237 = arith.addi %add3A_235, %add3A_236 : i32
      %get3A_238 = arith.index_cast %add3A_237 : i32 to index
      %get3A_239 = tpu.vector_load %arg7[%get3A_238] {strides = array<i32>} : memref<1024xf32, #tpu.memory_space<vmem>>, vector<16xf32>,
      %swap3A_240 = arith.constant 1 : i32
      %swap3A_241 = arith.index_cast %swap3A_240 : i32 to index
      %swap3A_242 = arith.constant 32 : index
      %swap3A_243 = tpu.vector_load %arg9[%swap3A_241, %swap3A_242] {strides = array<i32>} : memref<4x128xf32, #tpu.memory_space<vmem>>, vector<16xf32>,
      tpu.vector_store %arg9[%swap3A_241, %swap3A_242], %get3A_239 {strides = array<i32>} : memref<4x128xf32, #tpu.memory_space<vmem>>, vector<16xf32>,
      %swap3A_244 = arith.constant 1 : i32
      %swap3A_245 = arith.index_cast %swap3A_244 : i32 to index
      %swap3A_246 = arith.constant 96 : index
      %swap3A_247 = tpu.vector_load %arg9[%swap3A_245, %swap3A_246] {strides = array<i32>} : memref<4x128xf32, #tpu.memory_space<vmem>>, vector<16xf32>,
      tpu.vector_store %arg9[%swap3A_245, %swap3A_246], %get3A_239 {strides = array<i32>} : memref<4x128xf32, #tpu.memory_space<vmem>>, vector<16xf32>,
      %add3A_248 = arith.constant 128 : i32
      %add3A_249 = arith.addi %mul3A_151, %add3A_248 : i32
      %add3A_250 = arith.constant 48 : i32
      %add3A_251 = arith.addi %add3A_249, %add3A_250 : i32
      %get3A_252 = arith.index_cast %add3A_251 : i32 to index
      %get3A_253 = tpu.vector_load %arg7[%get3A_252] {strides = array<i32>} : memref<1024xf32, #tpu.memory_space<vmem>>, vector<16xf32>,
      %swap3A_254 = arith.constant 1 : i32
      %swap3A_255 = arith.index_cast %swap3A_254 : i32 to index
      %swap3A_256 = arith.constant 48 : index
      %swap3A_257 = tpu.vector_load %arg9[%swap3A_255, %swap3A_256] {strides = array<i32>} : memref<4x128xf32, #tpu.memory_space<vmem>>, vector<16xf32>,
      tpu.vector_store %arg9[%swap3A_255, %swap3A_256], %get3A_253 {strides = array<i32>} : memref<4x128xf32, #tpu.memory_space<vmem>>, vector<16xf32>,
      %swap3A_258 = arith.constant 1 : i32
      %swap3A_259 = arith.index_cast %swap3A_258 : i32 to index
      %swap3A_260 = arith.constant 112 : index
      %swap3A_261 = tpu.vector_load %arg9[%swap3A_259, %swap3A_260] {strides = array<i32>} : memref<4x128xf32, #tpu.memory_space<vmem>>, vector<16xf32>,
      tpu.vector_store %arg9[%swap3A_259, %swap3A_260], %get3A_253 {strides = array<i32>} : memref<4x128xf32, #tpu.memory_space<vmem>>, vector<16xf32>,
      %add3A_262 = arith.constant 256 : i32
      %add3A_263 = arith.addi %mul3A_151, %add3A_262 : i32
      %add3A_264 = arith.constant 0 : i32
      %add3A_265 = arith.addi %add3A_263, %add3A_264 : i32
      %get3A_266 = arith.index_cast %add3A_265 : i32 to index
      %get3A_267 = tpu.vector_load %arg7[%get3A_266] {strides = array<i32>} : memref<1024xf32, #tpu.memory_space<vmem>>, vector<16xf32>,
      %swap3A_268 = arith.constant 2 : i32
      %swap3A_269 = arith.index_cast %swap3A_268 : i32 to index
      %swap3A_270 = arith.constant 0 : index
      %swap3A_271 = tpu.vector_load %arg9[%swap3A_269, %swap3A_270] {strides = array<i32>} : memref<4x128xf32, #tpu.memory_space<vmem>>, vector<16xf32>,
      tpu.vector_store %arg9[%swap3A_269, %swap3A_270], %get3A_267 {strides = array<i32>} : memref<4x128xf32, #tpu.memory_space<vmem>>, vector<16xf32>,
      %swap3A_272 = arith.constant 2 : i32
      %swap3A_273 = arith.index_cast %swap3A_272 : i32 to index
      %swap3A_274 = arith.constant 64 : index
      %swap3A_275 = tpu.vector_load %arg9[%swap3A_273, %swap3A_274] {strides = array<i32>} : memref<4x128xf32, #tpu.memory_space<vmem>>, vector<16xf32>,
      tpu.vector_store %arg9[%swap3A_273, %swap3A_274], %get3A_267 {strides = array<i32>} : memref<4x128xf32, #tpu.memory_space<vmem>>, vector<16xf32>,
      %add3A_276 = arith.constant 256 : i32
      %add3A_277 = arith.addi %mul3A_151, %add3A_276 : i32
      %add3A_278 = arith.constant 16 : i32
      %add3A_279 = arith.addi %add3A_277, %add3A_278 : i32
      %get3A_280 = arith.index_cast %add3A_279 : i32 to index
      %get3A_281 = tpu.vector_load %arg7[%get3A_280] {strides = array<i32>} : memref<1024xf32, #tpu.memory_space<vmem>>, vector<16xf32>,
      %swap3A_282 = arith.constant 2 : i32
      %swap3A_283 = arith.index_cast %swap3A_282 : i32 to index
      %swap3A_284 = arith.constant 16 : index
      %swap3A_285 = tpu.vector_load %arg9[%swap3A_283, %swap3A_284] {strides = array<i32>} : memref<4x128xf32, #tpu.memory_space<vmem>>, vector<16xf32>,
      tpu.vector_store %arg9[%swap3A_283, %swap3A_284], %get3A_281 {strides = array<i32>} : memref<4x128xf32, #tpu.memory_space<vmem>>, vector<16xf32>,
      %swap3A_286 = arith.constant 2 : i32
      %swap3A_287 = arith.index_cast %swap3A_286 : i32 to index
      %swap3A_288 = arith.constant 80 : index
      %swap3A_289 = tpu.vector_load %arg9[%swap3A_287, %swap3A_288] {strides = array<i32>} : memref<4x128xf32, #tpu.memory_space<vmem>>, vector<16xf32>,
      tpu.vector_store %arg9[%swap3A_287, %swap3A_288], %get3A_281 {strides = array<i32>} : memref<4x128xf32, #tpu.memory_space<vmem>>, vector<16xf32>,
      %add3A_290 = arith.constant 256 : i32
      %add3A_291 = arith.addi %mul3A_151, %add3A_290 : i32
      %add3A_292 = arith.constant 32 : i32
      %add3A_293 = arith.addi %add3A_291, %add3A_292 : i32
      %get3A_294 = arith.index_cast %add3A_293 : i32 to index
      %get3A_295 = tpu.vector_load %arg7[%get3A_294] {strides = array<i32>} : memref<1024xf32, #tpu.memory_space<vmem>>, vector<16xf32>,
      %swap3A_296 = arith.constant 2 : i32
      %swap3A_297 = arith.index_cast %swap3A_296 : i32 to index
      %swap3A_298 = arith.constant 32 : index
      %swap3A_299 = tpu.vector_load %arg9[%swap3A_297, %swap3A_298] {strides = array<i32>} : memref<4x128xf32, #tpu.memory_space<vmem>>, vector<16xf32>,
      tpu.vector_store %arg9[%swap3A_297, %swap3A_298], %get3A_295 {strides = array<i32>} : memref<4x128xf32, #tpu.memory_space<vmem>>, vector<16xf32>,
      %swap3A_300 = arith.constant 2 : i32
      %swap3A_301 = arith.index_cast %swap3A_300 : i32 to index
      %swap3A_302 = arith.constant 96 : index
      %swap3A_303 = tpu.vector_load %arg9[%swap3A_301, %swap3A_302] {strides = array<i32>} : memref<4x128xf32, #tpu.memory_space<vmem>>, vector<16xf32>,
      tpu.vector_store %arg9[%swap3A_301, %swap3A_302], %get3A_295 {strides = array<i32>} : memref<4x128xf32, #tpu.memory_space<vmem>>, vector<16xf32>,
      %add3A_304 = arith.constant 256 : i32
      %add3A_305 = arith.addi %mul3A_151, %add3A_304 : i32
      %add3A_306 = arith.constant 48 : i32
      %add3A_307 = arith.addi %add3A_305, %add3A_306 : i32
      %get3A_308 = arith.index_cast %add3A_307 : i32 to index
      %get3A_309 = tpu.vector_load %arg7[%get3A_308] {strides = array<i32>} : memref<1024xf32, #tpu.memory_space<vmem>>, vector<16xf32>,
      %swap3A_310 = arith.constant 2 : i32
      %swap3A_311 = arith.index_cast %swap3A_310 : i32 to index
      %swap3A_312 = arith.constant 48 : index
      %swap3A_313 = tpu.vector_load %arg9[%swap3A_311, %swap3A_312] {strides = array<i32>} : memref<4x128xf32, #tpu.memory_space<vmem>>, vector<16xf32>,
      tpu.vector_store %arg9[%swap3A_311, %swap3A_312], %get3A_309 {strides = array<i32>} : memref<4x128xf32, #tpu.memory_space<vmem>>, vector<16xf32>,
      %swap3A_314 = arith.constant 2 : i32
      %swap3A_315 = arith.index_cast %swap3A_314 : i32 to index
      %swap3A_316 = arith.constant 112 : index
      %swap3A_317 = tpu.vector_load %arg9[%swap3A_315, %swap3A_316] {strides = array<i32>} : memref<4x128xf32, #tpu.memory_space<vmem>>, vector<16xf32>,
      tpu.vector_store %arg9[%swap3A_315, %swap3A_316], %get3A_309 {strides = array<i32>} : memref<4x128xf32, #tpu.memory_space<vmem>>, vector<16xf32>,
      %add3A_318 = arith.constant 384 : i32
      %add3A_319 = arith.addi %mul3A_151, %add3A_318 : i32
      %add3A_320 = arith.constant 0 : i32
      %add3A_321 = arith.addi %add3A_319, %add3A_320 : i32
      %get3A_322 = arith.index_cast %add3A_321 : i32 to index
      %get3A_323 = tpu.vector_load %arg7[%get3A_322] {strides = array<i32>} : memref<1024xf32, #tpu.memory_space<vmem>>, vector<16xf32>,
      %swap3A_324 = arith.constant 3 : i32
      %swap3A_325 = arith.index_cast %swap3A_324 : i32 to index
      %swap3A_326 = arith.constant 0 : index
      %swap3A_327 = tpu.vector_load %arg9[%swap3A_325, %swap3A_326] {strides = array<i32>} : memref<4x128xf32, #tpu.memory_space<vmem>>, vector<16xf32>,
      tpu.vector_store %arg9[%swap3A_325, %swap3A_326], %get3A_323 {strides = array<i32>} : memref<4x128xf32, #tpu.memory_space<vmem>>, vector<16xf32>,
      %swap3A_328 = arith.constant 3 : i32
      %swap3A_329 = arith.index_cast %swap3A_328 : i32 to index
      %swap3A_330 = arith.constant 64 : index
      %swap3A_331 = tpu.vector_load %arg9[%swap3A_329, %swap3A_330] {strides = array<i32>} : memref<4x128xf32, #tpu.memory_space<vmem>>, vector<16xf32>,
      tpu.vector_store %arg9[%swap3A_329, %swap3A_330], %get3A_323 {strides = array<i32>} : memref<4x128xf32, #tpu.memory_space<vmem>>, vector<16xf32>,
      %add3A_332 = arith.constant 384 : i32
      %add3A_333 = arith.addi %mul3A_151, %add3A_332 : i32
      %add3A_334 = arith.constant 16 : i32
      %add3A_335 = arith.addi %add3A_333, %add3A_334 : i32
      %get3A_336 = arith.index_cast %add3A_335 : i32 to index
      %get3A_337 = tpu.vector_load %arg7[%get3A_336] {strides = array<i32>} : memref<1024xf32, #tpu.memory_space<vmem>>, vector<16xf32>,
      %swap3A_338 = arith.constant 3 : i32
      %swap3A_339 = arith.index_cast %swap3A_338 : i32 to index
      %swap3A_340 = arith.constant 16 : index
      %swap3A_341 = tpu.vector_load %arg9[%swap3A_339, %swap3A_340] {strides = array<i32>} : memref<4x128xf32, #tpu.memory_space<vmem>>, vector<16xf32>,
      tpu.vector_store %arg9[%swap3A_339, %swap3A_340], %get3A_337 {strides = array<i32>} : memref<4x128xf32, #tpu.memory_space<vmem>>, vector<16xf32>,
      %swap3A_342 = arith.constant 3 : i32
      %swap3A_343 = arith.index_cast %swap3A_342 : i32 to index
      %swap3A_344 = arith.constant 80 : index
      %swap3A_345 = tpu.vector_load %arg9[%swap3A_343, %swap3A_344] {strides = array<i32>} : memref<4x128xf32, #tpu.memory_space<vmem>>, vector<16xf32>,
      tpu.vector_store %arg9[%swap3A_343, %swap3A_344], %get3A_337 {strides = array<i32>} : memref<4x128xf32, #tpu.memory_space<vmem>>, vector<16xf32>,
      %add3A_346 = arith.constant 384 : i32
      %add3A_347 = arith.addi %mul3A_151, %add3A_346 : i32
      %add3A_348 = arith.constant 32 : i32
      %add3A_349 = arith.addi %add3A_347, %add3A_348 : i32
      %get3A_350 = arith.index_cast %add3A_349 : i32 to index
      %get3A_351 = tpu.vector_load %arg7[%get3A_350] {strides = array<i32>} : memref<1024xf32, #tpu.memory_space<vmem>>, vector<16xf32>,
      %swap3A_352 = arith.constant 3 : i32
      %swap3A_353 = arith.index_cast %swap3A_352 : i32 to index
      %swap3A_354 = arith.constant 32 : index
      %swap3A_355 = tpu.vector_load %arg9[%swap3A_353, %swap3A_354] {strides = array<i32>} : memref<4x128xf32, #tpu.memory_space<vmem>>, vector<16xf32>,
      tpu.vector_store %arg9[%swap3A_353, %swap3A_354], %get3A_351 {strides = array<i32>} : memref<4x128xf32, #tpu.memory_space<vmem>>, vector<16xf32>,
      %swap3A_356 = arith.constant 3 : i32
      %swap3A_357 = arith.index_cast %swap3A_356 : i32 to index
      %swap3A_358 = arith.constant 96 : index
      %swap3A_359 = tpu.vector_load %arg9[%swap3A_357, %swap3A_358] {strides = array<i32>} : memref<4x128xf32, #tpu.memory_space<vmem>>, vector<16xf32>,
      tpu.vector_store %arg9[%swap3A_357, %swap3A_358], %get3A_351 {strides = array<i32>} : memref<4x128xf32, #tpu.memory_space<vmem>>, vector<16xf32>,
      %add3A_360 = arith.constant 384 : i32
      %add3A_361 = arith.addi %mul3A_151, %add3A_360 : i32
      %add3A_362 = arith.constant 48 : i32
      %add3A_363 = arith.addi %add3A_361, %add3A_362 : i32
      %get3A_364 = arith.index_cast %add3A_363 : i32 to index
      %get3A_365 = tpu.vector_load %arg7[%get3A_364] {strides = array<i32>} : memref<1024xf32, #tpu.memory_space<vmem>>, vector<16xf32>,
      %swap3A_366 = arith.constant 3 : i32
      %swap3A_367 = arith.index_cast %swap3A_366 : i32 to index
      %swap3A_368 = arith.constant 48 : index
      %swap3A_369 = tpu.vector_load %arg9[%swap3A_367, %swap3A_368] {strides = array<i32>} : memref<4x128xf32, #tpu.memory_space<vmem>>, vector<16xf32>,
      tpu.vector_store %arg9[%swap3A_367, %swap3A_368], %get3A_365 {strides = array<i32>} : memref<4x128xf32, #tpu.memory_space<vmem>>, vector<16xf32>,
      %swap3A_370 = arith.constant 3 : i32
      %swap3A_371 = arith.index_cast %swap3A_370 : i32 to index
      %swap3A_372 = arith.constant 112 : index
      %swap3A_373 = tpu.vector_load %arg9[%swap3A_371, %swap3A_372] {strides = array<i32>} : memref<4x128xf32, #tpu.memory_space<vmem>>, vector<16xf32>,
      tpu.vector_store %arg9[%swap3A_371, %swap3A_372], %get3A_365 {strides = array<i32>} : memref<4x128xf32, #tpu.memory_space<vmem>>, vector<16xf32>,
      %add3A_374 = arith.constant 2 : i32
      %add3A_375 = arith.addi %scan3A_96, %add3A_374 : i32
      %lt3A_376 = arith.constant 128 : i32
      %lt3A_377 = arith.cmpi slt, %add3A_375, %lt3A_376 : i32
      %convert_element_type3A_378 = arith.extui %lt3A_377 : i1 to i32
      %cond3A_379 = arith.constant 0 : i32
      %cond3A_380 = arith.cmpi ne, %convert_element_type3A_378, %cond3A_379 : i32
      scf.if %cond3A_380 {
        %add3A_602 = arith.constant 2 : i32
        %add3A_603 = arith.addi %scan3A_96, %add3A_602 : i32
        %rem3A_604 = arith.constant 2 : i32
        %rem3A_605 = arith.remsi %scan3A_96, %rem3A_604 : i32
        %mul3A_606 = arith.constant 512 : i32
        %mul3A_607 = arith.muli %add3A_603, %mul3A_606 : i32
        %add3A_608 = arith.addi %mul3A_4, %mul3A_607 : i32
        %mul3A_609 = arith.constant 512 : i32
        %mul3A_610 = arith.muli %rem3A_605, %mul3A_609 : i32
        %dma_start3A_611 = tpu.memref_slice %arg6[%mul3A_610] : memref<1024xi32, #tpu.memory_space<vmem>> -> memref<512xi32, #tpu.memory_space<vmem>>
        %dma_start3A_612 = tpu.memref_slice %arg3[%add3A_608] : memref<2097152xi32, #tpu.memory_space<hbm>> -> memref<512xi32, #tpu.memory_space<hbm>>
        %dma_start3A_613 = tpu.memref_slice %arg6[%mul3A_610] : memref<1024xi32, #tpu.memory_space<vmem>> -> memref<512xi32, #tpu.memory_space<vmem>>
        %dma_start3A_614 = tpu.memref_slice %arg3[%add3A_608] : memref<2097152xi32, #tpu.memory_space<hbm>> -> memref<512xi32, #tpu.memory_space<hbm>>
        tpu.enqueue_dma source(%dma_start3A_614 : memref<512xi32, #tpu.memory_space<hbm>>) target(%dma_start3A_613 : memref<512xi32, #tpu.memory_space<vmem>>) target_semaphore(%arg12 : memref<!tpu.dma_semaphore, #tpu.memory_space<semaphore_mem>>)
        %mul3A_615 = arith.constant 512 : i32
        %mul3A_616 = arith.muli %rem3A_605, %mul3A_615 : i32
        %dma_start3A_617 = tpu.memref_slice %arg7[%mul3A_616] : memref<1024xf32, #tpu.memory_space<vmem>> -> memref<512xf32, #tpu.memory_space<vmem>>
        %dma_start3A_618 = tpu.memref_slice %arg4[%add3A_608] : memref<2097152xf32, #tpu.memory_space<hbm>> -> memref<512xf32, #tpu.memory_space<hbm>>
        %dma_start3A_619 = tpu.memref_slice %arg7[%mul3A_616] : memref<1024xf32, #tpu.memory_space<vmem>> -> memref<512xf32, #tpu.memory_space<vmem>>
        %dma_start3A_620 = tpu.memref_slice %arg4[%add3A_608] : memref<2097152xf32, #tpu.memory_space<hbm>> -> memref<512xf32, #tpu.memory_space<hbm>>
        tpu.enqueue_dma source(%dma_start3A_620 : memref<512xf32, #tpu.memory_space<hbm>>) target(%dma_start3A_619 : memref<512xf32, #tpu.memory_space<vmem>>) target_semaphore(%arg12 : memref<!tpu.dma_semaphore, #tpu.memory_space<semaphore_mem>>)
      } else {
      }
      %rem3A_381 = arith.constant 16 : i32
      %rem3A_382 = arith.remsi %scan3A_96, %rem3A_381 : i32
      %mul3A_383 = arith.constant 512 : i32
      %mul3A_384 = arith.muli %rem3A_382, %mul3A_383 : i32
      %add3A_385 = arith.constant 0 : i32
      %add3A_386 = vector.broadcast %add3A_385 : i32 to vector<16xi32>
      %add3A_387 = arith.addi %add3A_386, %iota3A : vector<16xi32>
      %add3A_388 = arith.constant 16 : i32
      %add3A_389 = vector.broadcast %add3A_388 : i32 to vector<16xi32>
      %add3A_390 = arith.addi %add3A_389, %iota3A : vector<16xi32>
      %add3A_391 = arith.constant 32 : i32
      %add3A_392 = vector.broadcast %add3A_391 : i32 to vector<16xi32>
      %add3A_393 = arith.addi %add3A_392, %iota3A : vector<16xi32>
      %add3A_394 = arith.constant 48 : i32
      %add3A_395 = vector.broadcast %add3A_394 : i32 to vector<16xi32>
      %add3A_396 = arith.addi %add3A_395, %iota3A : vector<16xi32>
      %add3A_397 = arith.constant 64 : i32
      %add3A_398 = vector.broadcast %add3A_397 : i32 to vector<16xi32>
      %add3A_399 = arith.addi %add3A_398, %iota3A : vector<16xi32>
      %broadcast_in_dim3A = arith.constant 0.000000e+00 : f32
      %broadcast_in_dim3A_400 = vector.broadcast %broadcast_in_dim3A : f32 to vector<16xf32>
      %scan3A_401 = arith.constant 0 : i32
      %scan3A_402 = arith.constant 16 : i32
      %scan3A_403 = arith.addi %scan3A_401, %scan3A_402 : i32
      %scan3A_404 = arith.constant 1 : i32
      %scan3A_405:5 = scf.for %scan3A_602 = %scan3A_401 to %scan3A_403 step %scan3A_404 iter_args(%scan3A_603 = %broadcast_in_dim3A_400, %scan3A_604 = %broadcast_in_dim3A_400, %scan3A_605 = %broadcast_in_dim3A_400, %scan3A_606 = %broadcast_in_dim3A_400, %scan3A_607 = %broadcast_in_dim3A_400) -> (vector<16xf32>, vector<16xf32>, vector<16xf32>, vector<16xf32>, vector<16xf32>)  : i32 {
        %mul3A_608 = arith.constant 4 : i32
        %mul3A_609 = arith.muli %scan3A_602, %mul3A_608 : i32
        %add3A_610 = arith.constant 0 : i32
        %add3A_611 = arith.addi %mul3A_609, %add3A_610 : i32
        %add3A_612 = vector.broadcast %add3A_611 : i32 to vector<16xi32>
        %add3A_613 = arith.addi %iota3A, %add3A_612 : vector<16xi32>
        %and3A = arith.constant 63 : i32
        %and3A_614 = vector.broadcast %and3A : i32 to vector<16xi32>
        %and3A_615 = arith.andi %add3A_613, %and3A_614 : vector<16xi32>
        %get3A_616 = arith.constant 0 : i32
        %get3A_617 = arith.index_cast %get3A_616 : i32 to index
        %get3A_618 = arith.index_cast %add3A_611 : i32 to index
        %get3A_619 = tpu.vector_load %arg9[%get3A_617, %get3A_618] {strides = array<i32>} : memref<4x128xf32, #tpu.memory_space<vmem>>, vector<16xf32>,
        %gather3A = arith.constant 0 : i32
        %gather3A_620 = arith.constant 0 : i32
        %gather3A_621 = tpu.memref_slice %arg8[%rem3A_98, %gather3A, %gather3A_620] : memref<2x296x64xf32, #tpu.memory_space<vmem>> -> memref<1x296x64xf32, #tpu.memory_space<vmem>>
        %gather3A_622 = tpu.memref_squeeze %gather3A_621 : memref<1x296x64xf32, #tpu.memory_space<vmem>> -> memref<296x64xf32, #tpu.memory_space<vmem>>
        %gather3A_623 = tpu.vector_load_idx %gather3A_622[%add3A_387, %and3A_615] : memref<296x64xf32, #tpu.memory_space<vmem>>[vector<16xi32>, vector<16xi32>], vector<16xf32>,
        %mul3A_624 = arith.mulf %gather3A_623, %get3A_619 : vector<16xf32>
        %add3A_625 = arith.addf %scan3A_603, %mul3A_624 : vector<16xf32>
        %gather3A_626 = arith.constant 0 : i32
        %gather3A_627 = arith.constant 0 : i32
        %gather3A_628 = tpu.memref_slice %arg8[%rem3A_98, %gather3A_626, %gather3A_627] : memref<2x296x64xf32, #tpu.memory_space<vmem>> -> memref<1x296x64xf32, #tpu.memory_space<vmem>>
        %gather3A_629 = tpu.memref_squeeze %gather3A_628 : memref<1x296x64xf32, #tpu.memory_space<vmem>> -> memref<296x64xf32, #tpu.memory_space<vmem>>
        %gather3A_630 = tpu.vector_load_idx %gather3A_629[%add3A_390, %and3A_615] : memref<296x64xf32, #tpu.memory_space<vmem>>[vector<16xi32>, vector<16xi32>], vector<16xf32>,
        %mul3A_631 = arith.mulf %gather3A_630, %get3A_619 : vector<16xf32>
        %add3A_632 = arith.addf %scan3A_604, %mul3A_631 : vector<16xf32>
        %gather3A_633 = arith.constant 0 : i32
        %gather3A_634 = arith.constant 0 : i32
        %gather3A_635 = tpu.memref_slice %arg8[%rem3A_98, %gather3A_633, %gather3A_634] : memref<2x296x64xf32, #tpu.memory_space<vmem>> -> memref<1x296x64xf32, #tpu.memory_space<vmem>>
        %gather3A_636 = tpu.memref_squeeze %gather3A_635 : memref<1x296x64xf32, #tpu.memory_space<vmem>> -> memref<296x64xf32, #tpu.memory_space<vmem>>
        %gather3A_637 = tpu.vector_load_idx %gather3A_636[%add3A_393, %and3A_615] : memref<296x64xf32, #tpu.memory_space<vmem>>[vector<16xi32>, vector<16xi32>], vector<16xf32>,
        %mul3A_638 = arith.mulf %gather3A_637, %get3A_619 : vector<16xf32>
        %add3A_639 = arith.addf %scan3A_605, %mul3A_638 : vector<16xf32>
        %gather3A_640 = arith.constant 0 : i32
        %gather3A_641 = arith.constant 0 : i32
        %gather3A_642 = tpu.memref_slice %arg8[%rem3A_98, %gather3A_640, %gather3A_641] : memref<2x296x64xf32, #tpu.memory_space<vmem>> -> memref<1x296x64xf32, #tpu.memory_space<vmem>>
        %gather3A_643 = tpu.memref_squeeze %gather3A_642 : memref<1x296x64xf32, #tpu.memory_space<vmem>> -> memref<296x64xf32, #tpu.memory_space<vmem>>
        %gather3A_644 = tpu.vector_load_idx %gather3A_643[%add3A_396, %and3A_615] : memref<296x64xf32, #tpu.memory_space<vmem>>[vector<16xi32>, vector<16xi32>], vector<16xf32>,
        %mul3A_645 = arith.mulf %gather3A_644, %get3A_619 : vector<16xf32>
        %add3A_646 = arith.addf %scan3A_606, %mul3A_645 : vector<16xf32>
        %gather3A_647 = arith.constant 0 : i32
        %gather3A_648 = arith.constant 0 : i32
        %gather3A_649 = tpu.memref_slice %arg8[%rem3A_98, %gather3A_647, %gather3A_648] : memref<2x296x64xf32, #tpu.memory_space<vmem>> -> memref<1x296x64xf32, #tpu.memory_space<vmem>>
        %gather3A_650 = tpu.memref_squeeze %gather3A_649 : memref<1x296x64xf32, #tpu.memory_space<vmem>> -> memref<296x64xf32, #tpu.memory_space<vmem>>
        %gather3A_651 = tpu.vector_load_idx %gather3A_650[%add3A_399, %and3A_615] : memref<296x64xf32, #tpu.memory_space<vmem>>[vector<16xi32>, vector<16xi32>], vector<16xf32>,
        %mul3A_652 = arith.mulf %gather3A_651, %get3A_619 : vector<16xf32>
        %add3A_653 = arith.addf %scan3A_607, %mul3A_652 : vector<16xf32>
        %mul3A_654 = arith.constant 4 : i32
        %mul3A_655 = arith.muli %scan3A_602, %mul3A_654 : i32
        %add3A_656 = arith.constant 1 : i32
        %add3A_657 = arith.addi %mul3A_655, %add3A_656 : i32
        %add3A_658 = vector.broadcast %add3A_657 : i32 to vector<16xi32>
        %add3A_659 = arith.addi %iota3A, %add3A_658 : vector<16xi32>
        %and3A_660 = arith.constant 63 : i32
        %and3A_661 = vector.broadcast %and3A_660 : i32 to vector<16xi32>
        %and3A_662 = arith.andi %add3A_659, %and3A_661 : vector<16xi32>
        %get3A_663 = arith.constant 0 : i32
        %get3A_664 = arith.index_cast %get3A_663 : i32 to index
        %get3A_665 = arith.index_cast %add3A_657 : i32 to index
        %get3A_666 = tpu.vector_load %arg9[%get3A_664, %get3A_665] {strides = array<i32>} : memref<4x128xf32, #tpu.memory_space<vmem>>, vector<16xf32>,
        %gather3A_667 = arith.constant 0 : i32
        %gather3A_668 = arith.constant 0 : i32
        %gather3A_669 = tpu.memref_slice %arg8[%rem3A_98, %gather3A_667, %gather3A_668] : memref<2x296x64xf32, #tpu.memory_space<vmem>> -> memref<1x296x64xf32, #tpu.memory_space<vmem>>
        %gather3A_670 = tpu.memref_squeeze %gather3A_669 : memref<1x296x64xf32, #tpu.memory_space<vmem>> -> memref<296x64xf32, #tpu.memory_space<vmem>>
        %gather3A_671 = tpu.vector_load_idx %gather3A_670[%add3A_387, %and3A_662] : memref<296x64xf32, #tpu.memory_space<vmem>>[vector<16xi32>, vector<16xi32>], vector<16xf32>,
        %mul3A_672 = arith.mulf %gather3A_671, %get3A_666 : vector<16xf32>
        %add3A_673 = arith.addf %add3A_625, %mul3A_672 : vector<16xf32>
        %gather3A_674 = arith.constant 0 : i32
        %gather3A_675 = arith.constant 0 : i32
        %gather3A_676 = tpu.memref_slice %arg8[%rem3A_98, %gather3A_674, %gather3A_675] : memref<2x296x64xf32, #tpu.memory_space<vmem>> -> memref<1x296x64xf32, #tpu.memory_space<vmem>>
        %gather3A_677 = tpu.memref_squeeze %gather3A_676 : memref<1x296x64xf32, #tpu.memory_space<vmem>> -> memref<296x64xf32, #tpu.memory_space<vmem>>
        %gather3A_678 = tpu.vector_load_idx %gather3A_677[%add3A_390, %and3A_662] : memref<296x64xf32, #tpu.memory_space<vmem>>[vector<16xi32>, vector<16xi32>], vector<16xf32>,
        %mul3A_679 = arith.mulf %gather3A_678, %get3A_666 : vector<16xf32>
        %add3A_680 = arith.addf %add3A_632, %mul3A_679 : vector<16xf32>
        %gather3A_681 = arith.constant 0 : i32
        %gather3A_682 = arith.constant 0 : i32
        %gather3A_683 = tpu.memref_slice %arg8[%rem3A_98, %gather3A_681, %gather3A_682] : memref<2x296x64xf32, #tpu.memory_space<vmem>> -> memref<1x296x64xf32, #tpu.memory_space<vmem>>
        %gather3A_684 = tpu.memref_squeeze %gather3A_683 : memref<1x296x64xf32, #tpu.memory_space<vmem>> -> memref<296x64xf32, #tpu.memory_space<vmem>>
        %gather3A_685 = tpu.vector_load_idx %gather3A_684[%add3A_393, %and3A_662] : memref<296x64xf32, #tpu.memory_space<vmem>>[vector<16xi32>, vector<16xi32>], vector<16xf32>,
        %mul3A_686 = arith.mulf %gather3A_685, %get3A_666 : vector<16xf32>
        %add3A_687 = arith.addf %add3A_639, %mul3A_686 : vector<16xf32>
        %gather3A_688 = arith.constant 0 : i32
        %gather3A_689 = arith.constant 0 : i32
        %gather3A_690 = tpu.memref_slice %arg8[%rem3A_98, %gather3A_688, %gather3A_689] : memref<2x296x64xf32, #tpu.memory_space<vmem>> -> memref<1x296x64xf32, #tpu.memory_space<vmem>>
        %gather3A_691 = tpu.memref_squeeze %gather3A_690 : memref<1x296x64xf32, #tpu.memory_space<vmem>> -> memref<296x64xf32, #tpu.memory_space<vmem>>
        %gather3A_692 = tpu.vector_load_idx %gather3A_691[%add3A_396, %and3A_662] : memref<296x64xf32, #tpu.memory_space<vmem>>[vector<16xi32>, vector<16xi32>], vector<16xf32>,
        %mul3A_693 = arith.mulf %gather3A_692, %get3A_666 : vector<16xf32>
        %add3A_694 = arith.addf %add3A_646, %mul3A_693 : vector<16xf32>
        %gather3A_695 = arith.constant 0 : i32
        %gather3A_696 = arith.constant 0 : i32
        %gather3A_697 = tpu.memref_slice %arg8[%rem3A_98, %gather3A_695, %gather3A_696] : memref<2x296x64xf32, #tpu.memory_space<vmem>> -> memref<1x296x64xf32, #tpu.memory_space<vmem>>
        %gather3A_698 = tpu.memref_squeeze %gather3A_697 : memref<1x296x64xf32, #tpu.memory_space<vmem>> -> memref<296x64xf32, #tpu.memory_space<vmem>>
        %gather3A_699 = tpu.vector_load_idx %gather3A_698[%add3A_399, %and3A_662] : memref<296x64xf32, #tpu.memory_space<vmem>>[vector<16xi32>, vector<16xi32>], vector<16xf32>,
        %mul3A_700 = arith.mulf %gather3A_699, %get3A_666 : vector<16xf32>
        %add3A_701 = arith.addf %add3A_653, %mul3A_700 : vector<16xf32>
        %mul3A_702 = arith.constant 4 : i32
        %mul3A_703 = arith.muli %scan3A_602, %mul3A_702 : i32
        %add3A_704 = arith.constant 2 : i32
        %add3A_705 = arith.addi %mul3A_703, %add3A_704 : i32
        %add3A_706 = vector.broadcast %add3A_705 : i32 to vector<16xi32>
        %add3A_707 = arith.addi %iota3A, %add3A_706 : vector<16xi32>
        %and3A_708 = arith.constant 63 : i32
        %and3A_709 = vector.broadcast %and3A_708 : i32 to vector<16xi32>
        %and3A_710 = arith.andi %add3A_707, %and3A_709 : vector<16xi32>
        %get3A_711 = arith.constant 0 : i32
        %get3A_712 = arith.index_cast %get3A_711 : i32 to index
        %get3A_713 = arith.index_cast %add3A_705 : i32 to index
        %get3A_714 = tpu.vector_load %arg9[%get3A_712, %get3A_713] {strides = array<i32>} : memref<4x128xf32, #tpu.memory_space<vmem>>, vector<16xf32>,
        %gather3A_715 = arith.constant 0 : i32
        %gather3A_716 = arith.constant 0 : i32
        %gather3A_717 = tpu.memref_slice %arg8[%rem3A_98, %gather3A_715, %gather3A_716] : memref<2x296x64xf32, #tpu.memory_space<vmem>> -> memref<1x296x64xf32, #tpu.memory_space<vmem>>
        %gather3A_718 = tpu.memref_squeeze %gather3A_717 : memref<1x296x64xf32, #tpu.memory_space<vmem>> -> memref<296x64xf32, #tpu.memory_space<vmem>>
        %gather3A_719 = tpu.vector_load_idx %gather3A_718[%add3A_387, %and3A_710] : memref<296x64xf32, #tpu.memory_space<vmem>>[vector<16xi32>, vector<16xi32>], vector<16xf32>,
        %mul3A_720 = arith.mulf %gather3A_719, %get3A_714 : vector<16xf32>
        %add3A_721 = arith.addf %add3A_673, %mul3A_720 : vector<16xf32>
        %gather3A_722 = arith.constant 0 : i32
        %gather3A_723 = arith.constant 0 : i32
        %gather3A_724 = tpu.memref_slice %arg8[%rem3A_98, %gather3A_722, %gather3A_723] : memref<2x296x64xf32, #tpu.memory_space<vmem>> -> memref<1x296x64xf32, #tpu.memory_space<vmem>>
        %gather3A_725 = tpu.memref_squeeze %gather3A_724 : memref<1x296x64xf32, #tpu.memory_space<vmem>> -> memref<296x64xf32, #tpu.memory_space<vmem>>
        %gather3A_726 = tpu.vector_load_idx %gather3A_725[%add3A_390, %and3A_710] : memref<296x64xf32, #tpu.memory_space<vmem>>[vector<16xi32>, vector<16xi32>], vector<16xf32>,
        %mul3A_727 = arith.mulf %gather3A_726, %get3A_714 : vector<16xf32>
        %add3A_728 = arith.addf %add3A_680, %mul3A_727 : vector<16xf32>
        %gather3A_729 = arith.constant 0 : i32
        %gather3A_730 = arith.constant 0 : i32
        %gather3A_731 = tpu.memref_slice %arg8[%rem3A_98, %gather3A_729, %gather3A_730] : memref<2x296x64xf32, #tpu.memory_space<vmem>> -> memref<1x296x64xf32, #tpu.memory_space<vmem>>
        %gather3A_732 = tpu.memref_squeeze %gather3A_731 : memref<1x296x64xf32, #tpu.memory_space<vmem>> -> memref<296x64xf32, #tpu.memory_space<vmem>>
        %gather3A_733 = tpu.vector_load_idx %gather3A_732[%add3A_393, %and3A_710] : memref<296x64xf32, #tpu.memory_space<vmem>>[vector<16xi32>, vector<16xi32>], vector<16xf32>,
        %mul3A_734 = arith.mulf %gather3A_733, %get3A_714 : vector<16xf32>
        %add3A_735 = arith.addf %add3A_687, %mul3A_734 : vector<16xf32>
        %gather3A_736 = arith.constant 0 : i32
        %gather3A_737 = arith.constant 0 : i32
        %gather3A_738 = tpu.memref_slice %arg8[%rem3A_98, %gather3A_736, %gather3A_737] : memref<2x296x64xf32, #tpu.memory_space<vmem>> -> memref<1x296x64xf32, #tpu.memory_space<vmem>>
        %gather3A_739 = tpu.memref_squeeze %gather3A_738 : memref<1x296x64xf32, #tpu.memory_space<vmem>> -> memref<296x64xf32, #tpu.memory_space<vmem>>
        %gather3A_740 = tpu.vector_load_idx %gather3A_739[%add3A_396, %and3A_710] : memref<296x64xf32, #tpu.memory_space<vmem>>[vector<16xi32>, vector<16xi32>], vector<16xf32>,
        %mul3A_741 = arith.mulf %gather3A_740, %get3A_714 : vector<16xf32>
        %add3A_742 = arith.addf %add3A_694, %mul3A_741 : vector<16xf32>
        %gather3A_743 = arith.constant 0 : i32
        %gather3A_744 = arith.constant 0 : i32
        %gather3A_745 = tpu.memref_slice %arg8[%rem3A_98, %gather3A_743, %gather3A_744] : memref<2x296x64xf32, #tpu.memory_space<vmem>> -> memref<1x296x64xf32, #tpu.memory_space<vmem>>
        %gather3A_746 = tpu.memref_squeeze %gather3A_745 : memref<1x296x64xf32, #tpu.memory_space<vmem>> -> memref<296x64xf32, #tpu.memory_space<vmem>>
        %gather3A_747 = tpu.vector_load_idx %gather3A_746[%add3A_399, %and3A_710] : memref<296x64xf32, #tpu.memory_space<vmem>>[vector<16xi32>, vector<16xi32>], vector<16xf32>,
        %mul3A_748 = arith.mulf %gather3A_747, %get3A_714 : vector<16xf32>
        %add3A_749 = arith.addf %add3A_701, %mul3A_748 : vector<16xf32>
        %mul3A_750 = arith.constant 4 : i32
        %mul3A_751 = arith.muli %scan3A_602, %mul3A_750 : i32
        %add3A_752 = arith.constant 3 : i32
        %add3A_753 = arith.addi %mul3A_751, %add3A_752 : i32
        %add3A_754 = vector.broadcast %add3A_753 : i32 to vector<16xi32>
        %add3A_755 = arith.addi %iota3A, %add3A_754 : vector<16xi32>
        %and3A_756 = arith.constant 63 : i32
        %and3A_757 = vector.broadcast %and3A_756 : i32 to vector<16xi32>
        %and3A_758 = arith.andi %add3A_755, %and3A_757 : vector<16xi32>
        %get3A_759 = arith.constant 0 : i32
        %get3A_760 = arith.index_cast %get3A_759 : i32 to index
        %get3A_761 = arith.index_cast %add3A_753 : i32 to index
        %get3A_762 = tpu.vector_load %arg9[%get3A_760, %get3A_761] {strides = array<i32>} : memref<4x128xf32, #tpu.memory_space<vmem>>, vector<16xf32>,
        %gather3A_763 = arith.constant 0 : i32
        %gather3A_764 = arith.constant 0 : i32
        %gather3A_765 = tpu.memref_slice %arg8[%rem3A_98, %gather3A_763, %gather3A_764] : memref<2x296x64xf32, #tpu.memory_space<vmem>> -> memref<1x296x64xf32, #tpu.memory_space<vmem>>
        %gather3A_766 = tpu.memref_squeeze %gather3A_765 : memref<1x296x64xf32, #tpu.memory_space<vmem>> -> memref<296x64xf32, #tpu.memory_space<vmem>>
        %gather3A_767 = tpu.vector_load_idx %gather3A_766[%add3A_387, %and3A_758] : memref<296x64xf32, #tpu.memory_space<vmem>>[vector<16xi32>, vector<16xi32>], vector<16xf32>,
        %mul3A_768 = arith.mulf %gather3A_767, %get3A_762 : vector<16xf32>
        %add3A_769 = arith.addf %add3A_721, %mul3A_768 : vector<16xf32>
        %gather3A_770 = arith.constant 0 : i32
        %gather3A_771 = arith.constant 0 : i32
        %gather3A_772 = tpu.memref_slice %arg8[%rem3A_98, %gather3A_770, %gather3A_771] : memref<2x296x64xf32, #tpu.memory_space<vmem>> -> memref<1x296x64xf32, #tpu.memory_space<vmem>>
        %gather3A_773 = tpu.memref_squeeze %gather3A_772 : memref<1x296x64xf32, #tpu.memory_space<vmem>> -> memref<296x64xf32, #tpu.memory_space<vmem>>
        %gather3A_774 = tpu.vector_load_idx %gather3A_773[%add3A_390, %and3A_758] : memref<296x64xf32, #tpu.memory_space<vmem>>[vector<16xi32>, vector<16xi32>], vector<16xf32>,
        %mul3A_775 = arith.mulf %gather3A_774, %get3A_762 : vector<16xf32>
        %add3A_776 = arith.addf %add3A_728, %mul3A_775 : vector<16xf32>
        %gather3A_777 = arith.constant 0 : i32
        %gather3A_778 = arith.constant 0 : i32
        %gather3A_779 = tpu.memref_slice %arg8[%rem3A_98, %gather3A_777, %gather3A_778] : memref<2x296x64xf32, #tpu.memory_space<vmem>> -> memref<1x296x64xf32, #tpu.memory_space<vmem>>
        %gather3A_780 = tpu.memref_squeeze %gather3A_779 : memref<1x296x64xf32, #tpu.memory_space<vmem>> -> memref<296x64xf32, #tpu.memory_space<vmem>>
        %gather3A_781 = tpu.vector_load_idx %gather3A_780[%add3A_393, %and3A_758] : memref<296x64xf32, #tpu.memory_space<vmem>>[vector<16xi32>, vector<16xi32>], vector<16xf32>,
        %mul3A_782 = arith.mulf %gather3A_781, %get3A_762 : vector<16xf32>
        %add3A_783 = arith.addf %add3A_735, %mul3A_782 : vector<16xf32>
        %gather3A_784 = arith.constant 0 : i32
        %gather3A_785 = arith.constant 0 : i32
        %gather3A_786 = tpu.memref_slice %arg8[%rem3A_98, %gather3A_784, %gather3A_785] : memref<2x296x64xf32, #tpu.memory_space<vmem>> -> memref<1x296x64xf32, #tpu.memory_space<vmem>>
        %gather3A_787 = tpu.memref_squeeze %gather3A_786 : memref<1x296x64xf32, #tpu.memory_space<vmem>> -> memref<296x64xf32, #tpu.memory_space<vmem>>
        %gather3A_788 = tpu.vector_load_idx %gather3A_787[%add3A_396, %and3A_758] : memref<296x64xf32, #tpu.memory_space<vmem>>[vector<16xi32>, vector<16xi32>], vector<16xf32>,
        %mul3A_789 = arith.mulf %gather3A_788, %get3A_762 : vector<16xf32>
        %add3A_790 = arith.addf %add3A_742, %mul3A_789 : vector<16xf32>
        %gather3A_791 = arith.constant 0 : i32
        %gather3A_792 = arith.constant 0 : i32
        %gather3A_793 = tpu.memref_slice %arg8[%rem3A_98, %gather3A_791, %gather3A_792] : memref<2x296x64xf32, #tpu.memory_space<vmem>> -> memref<1x296x64xf32, #tpu.memory_space<vmem>>
        %gather3A_794 = tpu.memref_squeeze %gather3A_793 : memref<1x296x64xf32, #tpu.memory_space<vmem>> -> memref<296x64xf32, #tpu.memory_space<vmem>>
        %gather3A_795 = tpu.vector_load_idx %gather3A_794[%add3A_399, %and3A_758] : memref<296x64xf32, #tpu.memory_space<vmem>>[vector<16xi32>, vector<16xi32>], vector<16xf32>,
        %mul3A_796 = arith.mulf %gather3A_795, %get3A_762 : vector<16xf32>
        %add3A_797 = arith.addf %add3A_749, %mul3A_796 : vector<16xf32>
        scf.yield %add3A_769, %add3A_776, %add3A_783, %add3A_790, %add3A_797 : vector<16xf32>, vector<16xf32>, vector<16xf32>, vector<16xf32>, vector<16xf32>
      }
      %scan3A_406 = arith.constant 16 : i32
      %add3A_407 = arith.constant 0 : i32
      %add3A_408 = arith.addi %mul3A_384, %add3A_407 : i32
      %add3A_409 = arith.constant 0 : i32
      %add3A_410 = arith.addi %add3A_408, %add3A_409 : i32
      %swap3A_411 = arith.index_cast %add3A_410 : i32 to index
      %swap3A_412 = tpu.vector_load %arg10[%swap3A_411] {strides = array<i32>} : memref<8192xf32, #tpu.memory_space<vmem>>, vector<16xf32>,
      tpu.vector_store %arg10[%swap3A_411], %scan3A_405#0 {strides = array<i32>} : memref<8192xf32, #tpu.memory_space<vmem>>, vector<16xf32>,
      %add3A_413 = arith.constant 0 : i32
      %add3A_414 = arith.addi %mul3A_384, %add3A_413 : i32
      %add3A_415 = arith.constant 16 : i32
      %add3A_416 = arith.addi %add3A_414, %add3A_415 : i32
      %swap3A_417 = arith.index_cast %add3A_416 : i32 to index
      %swap3A_418 = tpu.vector_load %arg10[%swap3A_417] {strides = array<i32>} : memref<8192xf32, #tpu.memory_space<vmem>>, vector<16xf32>,
      tpu.vector_store %arg10[%swap3A_417], %scan3A_405#1 {strides = array<i32>} : memref<8192xf32, #tpu.memory_space<vmem>>, vector<16xf32>,
      %add3A_419 = arith.constant 0 : i32
      %add3A_420 = arith.addi %mul3A_384, %add3A_419 : i32
      %add3A_421 = arith.constant 32 : i32
      %add3A_422 = arith.addi %add3A_420, %add3A_421 : i32
      %swap3A_423 = arith.index_cast %add3A_422 : i32 to index
      %swap3A_424 = tpu.vector_load %arg10[%swap3A_423] {strides = array<i32>} : memref<8192xf32, #tpu.memory_space<vmem>>, vector<16xf32>,
      tpu.vector_store %arg10[%swap3A_423], %scan3A_405#2 {strides = array<i32>} : memref<8192xf32, #tpu.memory_space<vmem>>, vector<16xf32>,
      %add3A_425 = arith.constant 0 : i32
      %add3A_426 = arith.addi %mul3A_384, %add3A_425 : i32
      %add3A_427 = arith.constant 48 : i32
      %add3A_428 = arith.addi %add3A_426, %add3A_427 : i32
      %swap3A_429 = arith.index_cast %add3A_428 : i32 to index
      %swap3A_430 = tpu.vector_load %arg10[%swap3A_429] {strides = array<i32>} : memref<8192xf32, #tpu.memory_space<vmem>>, vector<16xf32>,
      tpu.vector_store %arg10[%swap3A_429], %scan3A_405#3 {strides = array<i32>} : memref<8192xf32, #tpu.memory_space<vmem>>, vector<16xf32>,
      %add3A_431 = arith.constant 0 : i32
      %add3A_432 = arith.addi %mul3A_384, %add3A_431 : i32
      %add3A_433 = arith.constant 64 : i32
      %add3A_434 = arith.addi %add3A_432, %add3A_433 : i32
      %swap3A_435 = arith.index_cast %add3A_434 : i32 to index
      %swap3A_436 = tpu.vector_load %arg10[%swap3A_435] {strides = array<i32>} : memref<8192xf32, #tpu.memory_space<vmem>>, vector<16xf32>,
      tpu.vector_store %arg10[%swap3A_435], %scan3A_405#4 {strides = array<i32>} : memref<8192xf32, #tpu.memory_space<vmem>>, vector<16xf32>,
      %add3A_437 = arith.constant 70 : i32
      %add3A_438 = vector.broadcast %add3A_437 : i32 to vector<16xi32>
      %add3A_439 = arith.addi %add3A_438, %iota3A : vector<16xi32>
      %add3A_440 = arith.constant 86 : i32
      %add3A_441 = vector.broadcast %add3A_440 : i32 to vector<16xi32>
      %add3A_442 = arith.addi %add3A_441, %iota3A : vector<16xi32>
      %add3A_443 = arith.constant 102 : i32
      %add3A_444 = vector.broadcast %add3A_443 : i32 to vector<16xi32>
      %add3A_445 = arith.addi %add3A_444, %iota3A : vector<16xi32>
      %add3A_446 = arith.constant 118 : i32
      %add3A_447 = vector.broadcast %add3A_446 : i32 to vector<16xi32>
      %add3A_448 = arith.addi %add3A_447, %iota3A : vector<16xi32>
      %add3A_449 = arith.constant 134 : i32
      %add3A_450 = vector.broadcast %add3A_449 : i32 to vector<16xi32>
      %add3A_451 = arith.addi %add3A_450, %iota3A : vector<16xi32>
      %broadcast_in_dim3A_452 = arith.constant 0.000000e+00 : f32
      %broadcast_in_dim3A_453 = vector.broadcast %broadcast_in_dim3A_452 : f32 to vector<16xf32>
      %scan3A_454 = arith.constant 0 : i32
      %scan3A_455 = arith.constant 16 : i32
      %scan3A_456 = arith.addi %scan3A_454, %scan3A_455 : i32
      %scan3A_457 = arith.constant 1 : i32
      %scan3A_458:5 = scf.for %scan3A_602 = %scan3A_454 to %scan3A_456 step %scan3A_457 iter_args(%scan3A_603 = %broadcast_in_dim3A_453, %scan3A_604 = %broadcast_in_dim3A_453, %scan3A_605 = %broadcast_in_dim3A_453, %scan3A_606 = %broadcast_in_dim3A_453, %scan3A_607 = %broadcast_in_dim3A_453) -> (vector<16xf32>, vector<16xf32>, vector<16xf32>, vector<16xf32>, vector<16xf32>)  : i32 {
        %mul3A_608 = arith.constant 4 : i32
        %mul3A_609 = arith.muli %scan3A_602, %mul3A_608 : i32
        %add3A_610 = arith.constant 0 : i32
        %add3A_611 = arith.addi %mul3A_609, %add3A_610 : i32
        %add3A_612 = vector.broadcast %add3A_611 : i32 to vector<16xi32>
        %add3A_613 = arith.addi %iota3A, %add3A_612 : vector<16xi32>
        %and3A = arith.constant 63 : i32
        %and3A_614 = vector.broadcast %and3A : i32 to vector<16xi32>
        %and3A_615 = arith.andi %add3A_613, %and3A_614 : vector<16xi32>
        %get3A_616 = arith.constant 1 : i32
        %get3A_617 = arith.index_cast %get3A_616 : i32 to index
        %get3A_618 = arith.index_cast %add3A_611 : i32 to index
        %get3A_619 = tpu.vector_load %arg9[%get3A_617, %get3A_618] {strides = array<i32>} : memref<4x128xf32, #tpu.memory_space<vmem>>, vector<16xf32>,
        %gather3A = arith.constant 0 : i32
        %gather3A_620 = arith.constant 0 : i32
        %gather3A_621 = tpu.memref_slice %arg8[%rem3A_98, %gather3A, %gather3A_620] : memref<2x296x64xf32, #tpu.memory_space<vmem>> -> memref<1x296x64xf32, #tpu.memory_space<vmem>>
        %gather3A_622 = tpu.memref_squeeze %gather3A_621 : memref<1x296x64xf32, #tpu.memory_space<vmem>> -> memref<296x64xf32, #tpu.memory_space<vmem>>
        %gather3A_623 = tpu.vector_load_idx %gather3A_622[%add3A_439, %and3A_615] : memref<296x64xf32, #tpu.memory_space<vmem>>[vector<16xi32>, vector<16xi32>], vector<16xf32>,
        %mul3A_624 = arith.mulf %gather3A_623, %get3A_619 : vector<16xf32>
        %add3A_625 = arith.addf %scan3A_603, %mul3A_624 : vector<16xf32>
        %gather3A_626 = arith.constant 0 : i32
        %gather3A_627 = arith.constant 0 : i32
        %gather3A_628 = tpu.memref_slice %arg8[%rem3A_98, %gather3A_626, %gather3A_627] : memref<2x296x64xf32, #tpu.memory_space<vmem>> -> memref<1x296x64xf32, #tpu.memory_space<vmem>>
        %gather3A_629 = tpu.memref_squeeze %gather3A_628 : memref<1x296x64xf32, #tpu.memory_space<vmem>> -> memref<296x64xf32, #tpu.memory_space<vmem>>
        %gather3A_630 = tpu.vector_load_idx %gather3A_629[%add3A_442, %and3A_615] : memref<296x64xf32, #tpu.memory_space<vmem>>[vector<16xi32>, vector<16xi32>], vector<16xf32>,
        %mul3A_631 = arith.mulf %gather3A_630, %get3A_619 : vector<16xf32>
        %add3A_632 = arith.addf %scan3A_604, %mul3A_631 : vector<16xf32>
        %gather3A_633 = arith.constant 0 : i32
        %gather3A_634 = arith.constant 0 : i32
        %gather3A_635 = tpu.memref_slice %arg8[%rem3A_98, %gather3A_633, %gather3A_634] : memref<2x296x64xf32, #tpu.memory_space<vmem>> -> memref<1x296x64xf32, #tpu.memory_space<vmem>>
        %gather3A_636 = tpu.memref_squeeze %gather3A_635 : memref<1x296x64xf32, #tpu.memory_space<vmem>> -> memref<296x64xf32, #tpu.memory_space<vmem>>
        %gather3A_637 = tpu.vector_load_idx %gather3A_636[%add3A_445, %and3A_615] : memref<296x64xf32, #tpu.memory_space<vmem>>[vector<16xi32>, vector<16xi32>], vector<16xf32>,
        %mul3A_638 = arith.mulf %gather3A_637, %get3A_619 : vector<16xf32>
        %add3A_639 = arith.addf %scan3A_605, %mul3A_638 : vector<16xf32>
        %gather3A_640 = arith.constant 0 : i32
        %gather3A_641 = arith.constant 0 : i32
        %gather3A_642 = tpu.memref_slice %arg8[%rem3A_98, %gather3A_640, %gather3A_641] : memref<2x296x64xf32, #tpu.memory_space<vmem>> -> memref<1x296x64xf32, #tpu.memory_space<vmem>>
        %gather3A_643 = tpu.memref_squeeze %gather3A_642 : memref<1x296x64xf32, #tpu.memory_space<vmem>> -> memref<296x64xf32, #tpu.memory_space<vmem>>
        %gather3A_644 = tpu.vector_load_idx %gather3A_643[%add3A_448, %and3A_615] : memref<296x64xf32, #tpu.memory_space<vmem>>[vector<16xi32>, vector<16xi32>], vector<16xf32>,
        %mul3A_645 = arith.mulf %gather3A_644, %get3A_619 : vector<16xf32>
        %add3A_646 = arith.addf %scan3A_606, %mul3A_645 : vector<16xf32>
        %gather3A_647 = arith.constant 0 : i32
        %gather3A_648 = arith.constant 0 : i32
        %gather3A_649 = tpu.memref_slice %arg8[%rem3A_98, %gather3A_647, %gather3A_648] : memref<2x296x64xf32, #tpu.memory_space<vmem>> -> memref<1x296x64xf32, #tpu.memory_space<vmem>>
        %gather3A_650 = tpu.memref_squeeze %gather3A_649 : memref<1x296x64xf32, #tpu.memory_space<vmem>> -> memref<296x64xf32, #tpu.memory_space<vmem>>
        %gather3A_651 = tpu.vector_load_idx %gather3A_650[%add3A_451, %and3A_615] : memref<296x64xf32, #tpu.memory_space<vmem>>[vector<16xi32>, vector<16xi32>], vector<16xf32>,
        %mul3A_652 = arith.mulf %gather3A_651, %get3A_619 : vector<16xf32>
        %add3A_653 = arith.addf %scan3A_607, %mul3A_652 : vector<16xf32>
        %mul3A_654 = arith.constant 4 : i32
        %mul3A_655 = arith.muli %scan3A_602, %mul3A_654 : i32
        %add3A_656 = arith.constant 1 : i32
        %add3A_657 = arith.addi %mul3A_655, %add3A_656 : i32
        %add3A_658 = vector.broadcast %add3A_657 : i32 to vector<16xi32>
        %add3A_659 = arith.addi %iota3A, %add3A_658 : vector<16xi32>
        %and3A_660 = arith.constant 63 : i32
        %and3A_661 = vector.broadcast %and3A_660 : i32 to vector<16xi32>
        %and3A_662 = arith.andi %add3A_659, %and3A_661 : vector<16xi32>
        %get3A_663 = arith.constant 1 : i32
        %get3A_664 = arith.index_cast %get3A_663 : i32 to index
        %get3A_665 = arith.index_cast %add3A_657 : i32 to index
        %get3A_666 = tpu.vector_load %arg9[%get3A_664, %get3A_665] {strides = array<i32>} : memref<4x128xf32, #tpu.memory_space<vmem>>, vector<16xf32>,
        %gather3A_667 = arith.constant 0 : i32
        %gather3A_668 = arith.constant 0 : i32
        %gather3A_669 = tpu.memref_slice %arg8[%rem3A_98, %gather3A_667, %gather3A_668] : memref<2x296x64xf32, #tpu.memory_space<vmem>> -> memref<1x296x64xf32, #tpu.memory_space<vmem>>
        %gather3A_670 = tpu.memref_squeeze %gather3A_669 : memref<1x296x64xf32, #tpu.memory_space<vmem>> -> memref<296x64xf32, #tpu.memory_space<vmem>>
        %gather3A_671 = tpu.vector_load_idx %gather3A_670[%add3A_439, %and3A_662] : memref<296x64xf32, #tpu.memory_space<vmem>>[vector<16xi32>, vector<16xi32>], vector<16xf32>,
        %mul3A_672 = arith.mulf %gather3A_671, %get3A_666 : vector<16xf32>
        %add3A_673 = arith.addf %add3A_625, %mul3A_672 : vector<16xf32>
        %gather3A_674 = arith.constant 0 : i32
        %gather3A_675 = arith.constant 0 : i32
        %gather3A_676 = tpu.memref_slice %arg8[%rem3A_98, %gather3A_674, %gather3A_675] : memref<2x296x64xf32, #tpu.memory_space<vmem>> -> memref<1x296x64xf32, #tpu.memory_space<vmem>>
        %gather3A_677 = tpu.memref_squeeze %gather3A_676 : memref<1x296x64xf32, #tpu.memory_space<vmem>> -> memref<296x64xf32, #tpu.memory_space<vmem>>
        %gather3A_678 = tpu.vector_load_idx %gather3A_677[%add3A_442, %and3A_662] : memref<296x64xf32, #tpu.memory_space<vmem>>[vector<16xi32>, vector<16xi32>], vector<16xf32>,
        %mul3A_679 = arith.mulf %gather3A_678, %get3A_666 : vector<16xf32>
        %add3A_680 = arith.addf %add3A_632, %mul3A_679 : vector<16xf32>
        %gather3A_681 = arith.constant 0 : i32
        %gather3A_682 = arith.constant 0 : i32
        %gather3A_683 = tpu.memref_slice %arg8[%rem3A_98, %gather3A_681, %gather3A_682] : memref<2x296x64xf32, #tpu.memory_space<vmem>> -> memref<1x296x64xf32, #tpu.memory_space<vmem>>
        %gather3A_684 = tpu.memref_squeeze %gather3A_683 : memref<1x296x64xf32, #tpu.memory_space<vmem>> -> memref<296x64xf32, #tpu.memory_space<vmem>>
        %gather3A_685 = tpu.vector_load_idx %gather3A_684[%add3A_445, %and3A_662] : memref<296x64xf32, #tpu.memory_space<vmem>>[vector<16xi32>, vector<16xi32>], vector<16xf32>,
        %mul3A_686 = arith.mulf %gather3A_685, %get3A_666 : vector<16xf32>
        %add3A_687 = arith.addf %add3A_639, %mul3A_686 : vector<16xf32>
        %gather3A_688 = arith.constant 0 : i32
        %gather3A_689 = arith.constant 0 : i32
        %gather3A_690 = tpu.memref_slice %arg8[%rem3A_98, %gather3A_688, %gather3A_689] : memref<2x296x64xf32, #tpu.memory_space<vmem>> -> memref<1x296x64xf32, #tpu.memory_space<vmem>>
        %gather3A_691 = tpu.memref_squeeze %gather3A_690 : memref<1x296x64xf32, #tpu.memory_space<vmem>> -> memref<296x64xf32, #tpu.memory_space<vmem>>
        %gather3A_692 = tpu.vector_load_idx %gather3A_691[%add3A_448, %and3A_662] : memref<296x64xf32, #tpu.memory_space<vmem>>[vector<16xi32>, vector<16xi32>], vector<16xf32>,
        %mul3A_693 = arith.mulf %gather3A_692, %get3A_666 : vector<16xf32>
        %add3A_694 = arith.addf %add3A_646, %mul3A_693 : vector<16xf32>
        %gather3A_695 = arith.constant 0 : i32
        %gather3A_696 = arith.constant 0 : i32
        %gather3A_697 = tpu.memref_slice %arg8[%rem3A_98, %gather3A_695, %gather3A_696] : memref<2x296x64xf32, #tpu.memory_space<vmem>> -> memref<1x296x64xf32, #tpu.memory_space<vmem>>
        %gather3A_698 = tpu.memref_squeeze %gather3A_697 : memref<1x296x64xf32, #tpu.memory_space<vmem>> -> memref<296x64xf32, #tpu.memory_space<vmem>>
        %gather3A_699 = tpu.vector_load_idx %gather3A_698[%add3A_451, %and3A_662] : memref<296x64xf32, #tpu.memory_space<vmem>>[vector<16xi32>, vector<16xi32>], vector<16xf32>,
        %mul3A_700 = arith.mulf %gather3A_699, %get3A_666 : vector<16xf32>
        %add3A_701 = arith.addf %add3A_653, %mul3A_700 : vector<16xf32>
        %mul3A_702 = arith.constant 4 : i32
        %mul3A_703 = arith.muli %scan3A_602, %mul3A_702 : i32
        %add3A_704 = arith.constant 2 : i32
        %add3A_705 = arith.addi %mul3A_703, %add3A_704 : i32
        %add3A_706 = vector.broadcast %add3A_705 : i32 to vector<16xi32>
        %add3A_707 = arith.addi %iota3A, %add3A_706 : vector<16xi32>
        %and3A_708 = arith.constant 63 : i32
        %and3A_709 = vector.broadcast %and3A_708 : i32 to vector<16xi32>
        %and3A_710 = arith.andi %add3A_707, %and3A_709 : vector<16xi32>
        %get3A_711 = arith.constant 1 : i32
        %get3A_712 = arith.index_cast %get3A_711 : i32 to index
        %get3A_713 = arith.index_cast %add3A_705 : i32 to index
        %get3A_714 = tpu.vector_load %arg9[%get3A_712, %get3A_713] {strides = array<i32>} : memref<4x128xf32, #tpu.memory_space<vmem>>, vector<16xf32>,
        %gather3A_715 = arith.constant 0 : i32
        %gather3A_716 = arith.constant 0 : i32
        %gather3A_717 = tpu.memref_slice %arg8[%rem3A_98, %gather3A_715, %gather3A_716] : memref<2x296x64xf32, #tpu.memory_space<vmem>> -> memref<1x296x64xf32, #tpu.memory_space<vmem>>
        %gather3A_718 = tpu.memref_squeeze %gather3A_717 : memref<1x296x64xf32, #tpu.memory_space<vmem>> -> memref<296x64xf32, #tpu.memory_space<vmem>>
        %gather3A_719 = tpu.vector_load_idx %gather3A_718[%add3A_439, %and3A_710] : memref<296x64xf32, #tpu.memory_space<vmem>>[vector<16xi32>, vector<16xi32>], vector<16xf32>,
        %mul3A_720 = arith.mulf %gather3A_719, %get3A_714 : vector<16xf32>
        %add3A_721 = arith.addf %add3A_673, %mul3A_720 : vector<16xf32>
        %gather3A_722 = arith.constant 0 : i32
        %gather3A_723 = arith.constant 0 : i32
        %gather3A_724 = tpu.memref_slice %arg8[%rem3A_98, %gather3A_722, %gather3A_723] : memref<2x296x64xf32, #tpu.memory_space<vmem>> -> memref<1x296x64xf32, #tpu.memory_space<vmem>>
        %gather3A_725 = tpu.memref_squeeze %gather3A_724 : memref<1x296x64xf32, #tpu.memory_space<vmem>> -> memref<296x64xf32, #tpu.memory_space<vmem>>
        %gather3A_726 = tpu.vector_load_idx %gather3A_725[%add3A_442, %and3A_710] : memref<296x64xf32, #tpu.memory_space<vmem>>[vector<16xi32>, vector<16xi32>], vector<16xf32>,
        %mul3A_727 = arith.mulf %gather3A_726, %get3A_714 : vector<16xf32>
        %add3A_728 = arith.addf %add3A_680, %mul3A_727 : vector<16xf32>
        %gather3A_729 = arith.constant 0 : i32
        %gather3A_730 = arith.constant 0 : i32
        %gather3A_731 = tpu.memref_slice %arg8[%rem3A_98, %gather3A_729, %gather3A_730] : memref<2x296x64xf32, #tpu.memory_space<vmem>> -> memref<1x296x64xf32, #tpu.memory_space<vmem>>
        %gather3A_732 = tpu.memref_squeeze %gather3A_731 : memref<1x296x64xf32, #tpu.memory_space<vmem>> -> memref<296x64xf32, #tpu.memory_space<vmem>>
        %gather3A_733 = tpu.vector_load_idx %gather3A_732[%add3A_445, %and3A_710] : memref<296x64xf32, #tpu.memory_space<vmem>>[vector<16xi32>, vector<16xi32>], vector<16xf32>,
        %mul3A_734 = arith.mulf %gather3A_733, %get3A_714 : vector<16xf32>
        %add3A_735 = arith.addf %add3A_687, %mul3A_734 : vector<16xf32>
        %gather3A_736 = arith.constant 0 : i32
        %gather3A_737 = arith.constant 0 : i32
        %gather3A_738 = tpu.memref_slice %arg8[%rem3A_98, %gather3A_736, %gather3A_737] : memref<2x296x64xf32, #tpu.memory_space<vmem>> -> memref<1x296x64xf32, #tpu.memory_space<vmem>>
        %gather3A_739 = tpu.memref_squeeze %gather3A_738 : memref<1x296x64xf32, #tpu.memory_space<vmem>> -> memref<296x64xf32, #tpu.memory_space<vmem>>
        %gather3A_740 = tpu.vector_load_idx %gather3A_739[%add3A_448, %and3A_710] : memref<296x64xf32, #tpu.memory_space<vmem>>[vector<16xi32>, vector<16xi32>], vector<16xf32>,
        %mul3A_741 = arith.mulf %gather3A_740, %get3A_714 : vector<16xf32>
        %add3A_742 = arith.addf %add3A_694, %mul3A_741 : vector<16xf32>
        %gather3A_743 = arith.constant 0 : i32
        %gather3A_744 = arith.constant 0 : i32
        %gather3A_745 = tpu.memref_slice %arg8[%rem3A_98, %gather3A_743, %gather3A_744] : memref<2x296x64xf32, #tpu.memory_space<vmem>> -> memref<1x296x64xf32, #tpu.memory_space<vmem>>
        %gather3A_746 = tpu.memref_squeeze %gather3A_745 : memref<1x296x64xf32, #tpu.memory_space<vmem>> -> memref<296x64xf32, #tpu.memory_space<vmem>>
        %gather3A_747 = tpu.vector_load_idx %gather3A_746[%add3A_451, %and3A_710] : memref<296x64xf32, #tpu.memory_space<vmem>>[vector<16xi32>, vector<16xi32>], vector<16xf32>,
        %mul3A_748 = arith.mulf %gather3A_747, %get3A_714 : vector<16xf32>
        %add3A_749 = arith.addf %add3A_701, %mul3A_748 : vector<16xf32>
        %mul3A_750 = arith.constant 4 : i32
        %mul3A_751 = arith.muli %scan3A_602, %mul3A_750 : i32
        %add3A_752 = arith.constant 3 : i32
        %add3A_753 = arith.addi %mul3A_751, %add3A_752 : i32
        %add3A_754 = vector.broadcast %add3A_753 : i32 to vector<16xi32>
        %add3A_755 = arith.addi %iota3A, %add3A_754 : vector<16xi32>
        %and3A_756 = arith.constant 63 : i32
        %and3A_757 = vector.broadcast %and3A_756 : i32 to vector<16xi32>
        %and3A_758 = arith.andi %add3A_755, %and3A_757 : vector<16xi32>
        %get3A_759 = arith.constant 1 : i32
        %get3A_760 = arith.index_cast %get3A_759 : i32 to index
        %get3A_761 = arith.index_cast %add3A_753 : i32 to index
        %get3A_762 = tpu.vector_load %arg9[%get3A_760, %get3A_761] {strides = array<i32>} : memref<4x128xf32, #tpu.memory_space<vmem>>, vector<16xf32>,
        %gather3A_763 = arith.constant 0 : i32
        %gather3A_764 = arith.constant 0 : i32
        %gather3A_765 = tpu.memref_slice %arg8[%rem3A_98, %gather3A_763, %gather3A_764] : memref<2x296x64xf32, #tpu.memory_space<vmem>> -> memref<1x296x64xf32, #tpu.memory_space<vmem>>
        %gather3A_766 = tpu.memref_squeeze %gather3A_765 : memref<1x296x64xf32, #tpu.memory_space<vmem>> -> memref<296x64xf32, #tpu.memory_space<vmem>>
        %gather3A_767 = tpu.vector_load_idx %gather3A_766[%add3A_439, %and3A_758] : memref<296x64xf32, #tpu.memory_space<vmem>>[vector<16xi32>, vector<16xi32>], vector<16xf32>,
        %mul3A_768 = arith.mulf %gather3A_767, %get3A_762 : vector<16xf32>
        %add3A_769 = arith.addf %add3A_721, %mul3A_768 : vector<16xf32>
        %gather3A_770 = arith.constant 0 : i32
        %gather3A_771 = arith.constant 0 : i32
        %gather3A_772 = tpu.memref_slice %arg8[%rem3A_98, %gather3A_770, %gather3A_771] : memref<2x296x64xf32, #tpu.memory_space<vmem>> -> memref<1x296x64xf32, #tpu.memory_space<vmem>>
        %gather3A_773 = tpu.memref_squeeze %gather3A_772 : memref<1x296x64xf32, #tpu.memory_space<vmem>> -> memref<296x64xf32, #tpu.memory_space<vmem>>
        %gather3A_774 = tpu.vector_load_idx %gather3A_773[%add3A_442, %and3A_758] : memref<296x64xf32, #tpu.memory_space<vmem>>[vector<16xi32>, vector<16xi32>], vector<16xf32>,
        %mul3A_775 = arith.mulf %gather3A_774, %get3A_762 : vector<16xf32>
        %add3A_776 = arith.addf %add3A_728, %mul3A_775 : vector<16xf32>
        %gather3A_777 = arith.constant 0 : i32
        %gather3A_778 = arith.constant 0 : i32
        %gather3A_779 = tpu.memref_slice %arg8[%rem3A_98, %gather3A_777, %gather3A_778] : memref<2x296x64xf32, #tpu.memory_space<vmem>> -> memref<1x296x64xf32, #tpu.memory_space<vmem>>
        %gather3A_780 = tpu.memref_squeeze %gather3A_779 : memref<1x296x64xf32, #tpu.memory_space<vmem>> -> memref<296x64xf32, #tpu.memory_space<vmem>>
        %gather3A_781 = tpu.vector_load_idx %gather3A_780[%add3A_445, %and3A_758] : memref<296x64xf32, #tpu.memory_space<vmem>>[vector<16xi32>, vector<16xi32>], vector<16xf32>,
        %mul3A_782 = arith.mulf %gather3A_781, %get3A_762 : vector<16xf32>
        %add3A_783 = arith.addf %add3A_735, %mul3A_782 : vector<16xf32>
        %gather3A_784 = arith.constant 0 : i32
        %gather3A_785 = arith.constant 0 : i32
        %gather3A_786 = tpu.memref_slice %arg8[%rem3A_98, %gather3A_784, %gather3A_785] : memref<2x296x64xf32, #tpu.memory_space<vmem>> -> memref<1x296x64xf32, #tpu.memory_space<vmem>>
        %gather3A_787 = tpu.memref_squeeze %gather3A_786 : memref<1x296x64xf32, #tpu.memory_space<vmem>> -> memref<296x64xf32, #tpu.memory_space<vmem>>
        %gather3A_788 = tpu.vector_load_idx %gather3A_787[%add3A_448, %and3A_758] : memref<296x64xf32, #tpu.memory_space<vmem>>[vector<16xi32>, vector<16xi32>], vector<16xf32>,
        %mul3A_789 = arith.mulf %gather3A_788, %get3A_762 : vector<16xf32>
        %add3A_790 = arith.addf %add3A_742, %mul3A_789 : vector<16xf32>
        %gather3A_791 = arith.constant 0 : i32
        %gather3A_792 = arith.constant 0 : i32
        %gather3A_793 = tpu.memref_slice %arg8[%rem3A_98, %gather3A_791, %gather3A_792] : memref<2x296x64xf32, #tpu.memory_space<vmem>> -> memref<1x296x64xf32, #tpu.memory_space<vmem>>
        %gather3A_794 = tpu.memref_squeeze %gather3A_793 : memref<1x296x64xf32, #tpu.memory_space<vmem>> -> memref<296x64xf32, #tpu.memory_space<vmem>>
        %gather3A_795 = tpu.vector_load_idx %gather3A_794[%add3A_451, %and3A_758] : memref<296x64xf32, #tpu.memory_space<vmem>>[vector<16xi32>, vector<16xi32>], vector<16xf32>,
        %mul3A_796 = arith.mulf %gather3A_795, %get3A_762 : vector<16xf32>
        %add3A_797 = arith.addf %add3A_749, %mul3A_796 : vector<16xf32>
        scf.yield %add3A_769, %add3A_776, %add3A_783, %add3A_790, %add3A_797 : vector<16xf32>, vector<16xf32>, vector<16xf32>, vector<16xf32>, vector<16xf32>
      }
      %scan3A_459 = arith.constant 16 : i32
      %add3A_460 = arith.constant 128 : i32
      %add3A_461 = arith.addi %mul3A_384, %add3A_460 : i32
      %add3A_462 = arith.constant 0 : i32
      %add3A_463 = arith.addi %add3A_461, %add3A_462 : i32
      %swap3A_464 = arith.index_cast %add3A_463 : i32 to index
      %swap3A_465 = tpu.vector_load %arg10[%swap3A_464] {strides = array<i32>} : memref<8192xf32, #tpu.memory_space<vmem>>, vector<16xf32>,
      tpu.vector_store %arg10[%swap3A_464], %scan3A_458#0 {strides = array<i32>} : memref<8192xf32, #tpu.memory_space<vmem>>, vector<16xf32>,
      %add3A_466 = arith.constant 128 : i32
      %add3A_467 = arith.addi %mul3A_384, %add3A_466 : i32
      %add3A_468 = arith.constant 16 : i32
      %add3A_469 = arith.addi %add3A_467, %add3A_468 : i32
      %swap3A_470 = arith.index_cast %add3A_469 : i32 to index
      %swap3A_471 = tpu.vector_load %arg10[%swap3A_470] {strides = array<i32>} : memref<8192xf32, #tpu.memory_space<vmem>>, vector<16xf32>,
      tpu.vector_store %arg10[%swap3A_470], %scan3A_458#1 {strides = array<i32>} : memref<8192xf32, #tpu.memory_space<vmem>>, vector<16xf32>,
      %add3A_472 = arith.constant 128 : i32
      %add3A_473 = arith.addi %mul3A_384, %add3A_472 : i32
      %add3A_474 = arith.constant 32 : i32
      %add3A_475 = arith.addi %add3A_473, %add3A_474 : i32
      %swap3A_476 = arith.index_cast %add3A_475 : i32 to index
      %swap3A_477 = tpu.vector_load %arg10[%swap3A_476] {strides = array<i32>} : memref<8192xf32, #tpu.memory_space<vmem>>, vector<16xf32>,
      tpu.vector_store %arg10[%swap3A_476], %scan3A_458#2 {strides = array<i32>} : memref<8192xf32, #tpu.memory_space<vmem>>, vector<16xf32>,
      %add3A_478 = arith.constant 128 : i32
      %add3A_479 = arith.addi %mul3A_384, %add3A_478 : i32
      %add3A_480 = arith.constant 48 : i32
      %add3A_481 = arith.addi %add3A_479, %add3A_480 : i32
      %swap3A_482 = arith.index_cast %add3A_481 : i32 to index
      %swap3A_483 = tpu.vector_load %arg10[%swap3A_482] {strides = array<i32>} : memref<8192xf32, #tpu.memory_space<vmem>>, vector<16xf32>,
      tpu.vector_store %arg10[%swap3A_482], %scan3A_458#3 {strides = array<i32>} : memref<8192xf32, #tpu.memory_space<vmem>>, vector<16xf32>,
      %add3A_484 = arith.constant 128 : i32
      %add3A_485 = arith.addi %mul3A_384, %add3A_484 : i32
      %add3A_486 = arith.constant 64 : i32
      %add3A_487 = arith.addi %add3A_485, %add3A_486 : i32
      %swap3A_488 = arith.index_cast %add3A_487 : i32 to index
      %swap3A_489 = tpu.vector_load %arg10[%swap3A_488] {strides = array<i32>} : memref<8192xf32, #tpu.memory_space<vmem>>, vector<16xf32>,
      tpu.vector_store %arg10[%swap3A_488], %scan3A_458#4 {strides = array<i32>} : memref<8192xf32, #tpu.memory_space<vmem>>, vector<16xf32>,
      %add3A_490 = arith.constant 140 : i32
      %add3A_491 = vector.broadcast %add3A_490 : i32 to vector<16xi32>
      %add3A_492 = arith.addi %add3A_491, %iota3A : vector<16xi32>
      %add3A_493 = arith.constant 156 : i32
      %add3A_494 = vector.broadcast %add3A_493 : i32 to vector<16xi32>
      %add3A_495 = arith.addi %add3A_494, %iota3A : vector<16xi32>
      %add3A_496 = arith.constant 172 : i32
      %add3A_497 = vector.broadcast %add3A_496 : i32 to vector<16xi32>
      %add3A_498 = arith.addi %add3A_497, %iota3A : vector<16xi32>
      %add3A_499 = arith.constant 188 : i32
      %add3A_500 = vector.broadcast %add3A_499 : i32 to vector<16xi32>
      %add3A_501 = arith.addi %add3A_500, %iota3A : vector<16xi32>
      %add3A_502 = arith.constant 204 : i32
      %add3A_503 = vector.broadcast %add3A_502 : i32 to vector<16xi32>
      %add3A_504 = arith.addi %add3A_503, %iota3A : vector<16xi32>
      %broadcast_in_dim3A_505 = arith.constant 0.000000e+00 : f32
      %broadcast_in_dim3A_506 = vector.broadcast %broadcast_in_dim3A_505 : f32 to vector<16xf32>
      %scan3A_507 = arith.constant 0 : i32
      %scan3A_508 = arith.constant 16 : i32
      %scan3A_509 = arith.addi %scan3A_507, %scan3A_508 : i32
      %scan3A_510 = arith.constant 1 : i32
      %scan3A_511:5 = scf.for %scan3A_602 = %scan3A_507 to %scan3A_509 step %scan3A_510 iter_args(%scan3A_603 = %broadcast_in_dim3A_506, %scan3A_604 = %broadcast_in_dim3A_506, %scan3A_605 = %broadcast_in_dim3A_506, %scan3A_606 = %broadcast_in_dim3A_506, %scan3A_607 = %broadcast_in_dim3A_506) -> (vector<16xf32>, vector<16xf32>, vector<16xf32>, vector<16xf32>, vector<16xf32>)  : i32 {
        %mul3A_608 = arith.constant 4 : i32
        %mul3A_609 = arith.muli %scan3A_602, %mul3A_608 : i32
        %add3A_610 = arith.constant 0 : i32
        %add3A_611 = arith.addi %mul3A_609, %add3A_610 : i32
        %add3A_612 = vector.broadcast %add3A_611 : i32 to vector<16xi32>
        %add3A_613 = arith.addi %iota3A, %add3A_612 : vector<16xi32>
        %and3A = arith.constant 63 : i32
        %and3A_614 = vector.broadcast %and3A : i32 to vector<16xi32>
        %and3A_615 = arith.andi %add3A_613, %and3A_614 : vector<16xi32>
        %get3A_616 = arith.constant 2 : i32
        %get3A_617 = arith.index_cast %get3A_616 : i32 to index
        %get3A_618 = arith.index_cast %add3A_611 : i32 to index
        %get3A_619 = tpu.vector_load %arg9[%get3A_617, %get3A_618] {strides = array<i32>} : memref<4x128xf32, #tpu.memory_space<vmem>>, vector<16xf32>,
        %gather3A = arith.constant 0 : i32
        %gather3A_620 = arith.constant 0 : i32
        %gather3A_621 = tpu.memref_slice %arg8[%rem3A_98, %gather3A, %gather3A_620] : memref<2x296x64xf32, #tpu.memory_space<vmem>> -> memref<1x296x64xf32, #tpu.memory_space<vmem>>
        %gather3A_622 = tpu.memref_squeeze %gather3A_621 : memref<1x296x64xf32, #tpu.memory_space<vmem>> -> memref<296x64xf32, #tpu.memory_space<vmem>>
        %gather3A_623 = tpu.vector_load_idx %gather3A_622[%add3A_492, %and3A_615] : memref<296x64xf32, #tpu.memory_space<vmem>>[vector<16xi32>, vector<16xi32>], vector<16xf32>,
        %mul3A_624 = arith.mulf %gather3A_623, %get3A_619 : vector<16xf32>
        %add3A_625 = arith.addf %scan3A_603, %mul3A_624 : vector<16xf32>
        %gather3A_626 = arith.constant 0 : i32
        %gather3A_627 = arith.constant 0 : i32
        %gather3A_628 = tpu.memref_slice %arg8[%rem3A_98, %gather3A_626, %gather3A_627] : memref<2x296x64xf32, #tpu.memory_space<vmem>> -> memref<1x296x64xf32, #tpu.memory_space<vmem>>
        %gather3A_629 = tpu.memref_squeeze %gather3A_628 : memref<1x296x64xf32, #tpu.memory_space<vmem>> -> memref<296x64xf32, #tpu.memory_space<vmem>>
        %gather3A_630 = tpu.vector_load_idx %gather3A_629[%add3A_495, %and3A_615] : memref<296x64xf32, #tpu.memory_space<vmem>>[vector<16xi32>, vector<16xi32>], vector<16xf32>,
        %mul3A_631 = arith.mulf %gather3A_630, %get3A_619 : vector<16xf32>
        %add3A_632 = arith.addf %scan3A_604, %mul3A_631 : vector<16xf32>
        %gather3A_633 = arith.constant 0 : i32
        %gather3A_634 = arith.constant 0 : i32
        %gather3A_635 = tpu.memref_slice %arg8[%rem3A_98, %gather3A_633, %gather3A_634] : memref<2x296x64xf32, #tpu.memory_space<vmem>> -> memref<1x296x64xf32, #tpu.memory_space<vmem>>
        %gather3A_636 = tpu.memref_squeeze %gather3A_635 : memref<1x296x64xf32, #tpu.memory_space<vmem>> -> memref<296x64xf32, #tpu.memory_space<vmem>>
        %gather3A_637 = tpu.vector_load_idx %gather3A_636[%add3A_498, %and3A_615] : memref<296x64xf32, #tpu.memory_space<vmem>>[vector<16xi32>, vector<16xi32>], vector<16xf32>,
        %mul3A_638 = arith.mulf %gather3A_637, %get3A_619 : vector<16xf32>
        %add3A_639 = arith.addf %scan3A_605, %mul3A_638 : vector<16xf32>
        %gather3A_640 = arith.constant 0 : i32
        %gather3A_641 = arith.constant 0 : i32
        %gather3A_642 = tpu.memref_slice %arg8[%rem3A_98, %gather3A_640, %gather3A_641] : memref<2x296x64xf32, #tpu.memory_space<vmem>> -> memref<1x296x64xf32, #tpu.memory_space<vmem>>
        %gather3A_643 = tpu.memref_squeeze %gather3A_642 : memref<1x296x64xf32, #tpu.memory_space<vmem>> -> memref<296x64xf32, #tpu.memory_space<vmem>>
        %gather3A_644 = tpu.vector_load_idx %gather3A_643[%add3A_501, %and3A_615] : memref<296x64xf32, #tpu.memory_space<vmem>>[vector<16xi32>, vector<16xi32>], vector<16xf32>,
        %mul3A_645 = arith.mulf %gather3A_644, %get3A_619 : vector<16xf32>
        %add3A_646 = arith.addf %scan3A_606, %mul3A_645 : vector<16xf32>
        %gather3A_647 = arith.constant 0 : i32
        %gather3A_648 = arith.constant 0 : i32
        %gather3A_649 = tpu.memref_slice %arg8[%rem3A_98, %gather3A_647, %gather3A_648] : memref<2x296x64xf32, #tpu.memory_space<vmem>> -> memref<1x296x64xf32, #tpu.memory_space<vmem>>
        %gather3A_650 = tpu.memref_squeeze %gather3A_649 : memref<1x296x64xf32, #tpu.memory_space<vmem>> -> memref<296x64xf32, #tpu.memory_space<vmem>>
        %gather3A_651 = tpu.vector_load_idx %gather3A_650[%add3A_504, %and3A_615] : memref<296x64xf32, #tpu.memory_space<vmem>>[vector<16xi32>, vector<16xi32>], vector<16xf32>,
        %mul3A_652 = arith.mulf %gather3A_651, %get3A_619 : vector<16xf32>
        %add3A_653 = arith.addf %scan3A_607, %mul3A_652 : vector<16xf32>
        %mul3A_654 = arith.constant 4 : i32
        %mul3A_655 = arith.muli %scan3A_602, %mul3A_654 : i32
        %add3A_656 = arith.constant 1 : i32
        %add3A_657 = arith.addi %mul3A_655, %add3A_656 : i32
        %add3A_658 = vector.broadcast %add3A_657 : i32 to vector<16xi32>
        %add3A_659 = arith.addi %iota3A, %add3A_658 : vector<16xi32>
        %and3A_660 = arith.constant 63 : i32
        %and3A_661 = vector.broadcast %and3A_660 : i32 to vector<16xi32>
        %and3A_662 = arith.andi %add3A_659, %and3A_661 : vector<16xi32>
        %get3A_663 = arith.constant 2 : i32
        %get3A_664 = arith.index_cast %get3A_663 : i32 to index
        %get3A_665 = arith.index_cast %add3A_657 : i32 to index
        %get3A_666 = tpu.vector_load %arg9[%get3A_664, %get3A_665] {strides = array<i32>} : memref<4x128xf32, #tpu.memory_space<vmem>>, vector<16xf32>,
        %gather3A_667 = arith.constant 0 : i32
        %gather3A_668 = arith.constant 0 : i32
        %gather3A_669 = tpu.memref_slice %arg8[%rem3A_98, %gather3A_667, %gather3A_668] : memref<2x296x64xf32, #tpu.memory_space<vmem>> -> memref<1x296x64xf32, #tpu.memory_space<vmem>>
        %gather3A_670 = tpu.memref_squeeze %gather3A_669 : memref<1x296x64xf32, #tpu.memory_space<vmem>> -> memref<296x64xf32, #tpu.memory_space<vmem>>
        %gather3A_671 = tpu.vector_load_idx %gather3A_670[%add3A_492, %and3A_662] : memref<296x64xf32, #tpu.memory_space<vmem>>[vector<16xi32>, vector<16xi32>], vector<16xf32>,
        %mul3A_672 = arith.mulf %gather3A_671, %get3A_666 : vector<16xf32>
        %add3A_673 = arith.addf %add3A_625, %mul3A_672 : vector<16xf32>
        %gather3A_674 = arith.constant 0 : i32
        %gather3A_675 = arith.constant 0 : i32
        %gather3A_676 = tpu.memref_slice %arg8[%rem3A_98, %gather3A_674, %gather3A_675] : memref<2x296x64xf32, #tpu.memory_space<vmem>> -> memref<1x296x64xf32, #tpu.memory_space<vmem>>
        %gather3A_677 = tpu.memref_squeeze %gather3A_676 : memref<1x296x64xf32, #tpu.memory_space<vmem>> -> memref<296x64xf32, #tpu.memory_space<vmem>>
        %gather3A_678 = tpu.vector_load_idx %gather3A_677[%add3A_495, %and3A_662] : memref<296x64xf32, #tpu.memory_space<vmem>>[vector<16xi32>, vector<16xi32>], vector<16xf32>,
        %mul3A_679 = arith.mulf %gather3A_678, %get3A_666 : vector<16xf32>
        %add3A_680 = arith.addf %add3A_632, %mul3A_679 : vector<16xf32>
        %gather3A_681 = arith.constant 0 : i32
        %gather3A_682 = arith.constant 0 : i32
        %gather3A_683 = tpu.memref_slice %arg8[%rem3A_98, %gather3A_681, %gather3A_682] : memref<2x296x64xf32, #tpu.memory_space<vmem>> -> memref<1x296x64xf32, #tpu.memory_space<vmem>>
        %gather3A_684 = tpu.memref_squeeze %gather3A_683 : memref<1x296x64xf32, #tpu.memory_space<vmem>> -> memref<296x64xf32, #tpu.memory_space<vmem>>
        %gather3A_685 = tpu.vector_load_idx %gather3A_684[%add3A_498, %and3A_662] : memref<296x64xf32, #tpu.memory_space<vmem>>[vector<16xi32>, vector<16xi32>], vector<16xf32>,
        %mul3A_686 = arith.mulf %gather3A_685, %get3A_666 : vector<16xf32>
        %add3A_687 = arith.addf %add3A_639, %mul3A_686 : vector<16xf32>
        %gather3A_688 = arith.constant 0 : i32
        %gather3A_689 = arith.constant 0 : i32
        %gather3A_690 = tpu.memref_slice %arg8[%rem3A_98, %gather3A_688, %gather3A_689] : memref<2x296x64xf32, #tpu.memory_space<vmem>> -> memref<1x296x64xf32, #tpu.memory_space<vmem>>
        %gather3A_691 = tpu.memref_squeeze %gather3A_690 : memref<1x296x64xf32, #tpu.memory_space<vmem>> -> memref<296x64xf32, #tpu.memory_space<vmem>>
        %gather3A_692 = tpu.vector_load_idx %gather3A_691[%add3A_501, %and3A_662] : memref<296x64xf32, #tpu.memory_space<vmem>>[vector<16xi32>, vector<16xi32>], vector<16xf32>,
        %mul3A_693 = arith.mulf %gather3A_692, %get3A_666 : vector<16xf32>
        %add3A_694 = arith.addf %add3A_646, %mul3A_693 : vector<16xf32>
        %gather3A_695 = arith.constant 0 : i32
        %gather3A_696 = arith.constant 0 : i32
        %gather3A_697 = tpu.memref_slice %arg8[%rem3A_98, %gather3A_695, %gather3A_696] : memref<2x296x64xf32, #tpu.memory_space<vmem>> -> memref<1x296x64xf32, #tpu.memory_space<vmem>>
        %gather3A_698 = tpu.memref_squeeze %gather3A_697 : memref<1x296x64xf32, #tpu.memory_space<vmem>> -> memref<296x64xf32, #tpu.memory_space<vmem>>
        %gather3A_699 = tpu.vector_load_idx %gather3A_698[%add3A_504, %and3A_662] : memref<296x64xf32, #tpu.memory_space<vmem>>[vector<16xi32>, vector<16xi32>], vector<16xf32>,
        %mul3A_700 = arith.mulf %gather3A_699, %get3A_666 : vector<16xf32>
        %add3A_701 = arith.addf %add3A_653, %mul3A_700 : vector<16xf32>
        %mul3A_702 = arith.constant 4 : i32
        %mul3A_703 = arith.muli %scan3A_602, %mul3A_702 : i32
        %add3A_704 = arith.constant 2 : i32
        %add3A_705 = arith.addi %mul3A_703, %add3A_704 : i32
        %add3A_706 = vector.broadcast %add3A_705 : i32 to vector<16xi32>
        %add3A_707 = arith.addi %iota3A, %add3A_706 : vector<16xi32>
        %and3A_708 = arith.constant 63 : i32
        %and3A_709 = vector.broadcast %and3A_708 : i32 to vector<16xi32>
        %and3A_710 = arith.andi %add3A_707, %and3A_709 : vector<16xi32>
        %get3A_711 = arith.constant 2 : i32
        %get3A_712 = arith.index_cast %get3A_711 : i32 to index
        %get3A_713 = arith.index_cast %add3A_705 : i32 to index
        %get3A_714 = tpu.vector_load %arg9[%get3A_712, %get3A_713] {strides = array<i32>} : memref<4x128xf32, #tpu.memory_space<vmem>>, vector<16xf32>,
        %gather3A_715 = arith.constant 0 : i32
        %gather3A_716 = arith.constant 0 : i32
        %gather3A_717 = tpu.memref_slice %arg8[%rem3A_98, %gather3A_715, %gather3A_716] : memref<2x296x64xf32, #tpu.memory_space<vmem>> -> memref<1x296x64xf32, #tpu.memory_space<vmem>>
        %gather3A_718 = tpu.memref_squeeze %gather3A_717 : memref<1x296x64xf32, #tpu.memory_space<vmem>> -> memref<296x64xf32, #tpu.memory_space<vmem>>
        %gather3A_719 = tpu.vector_load_idx %gather3A_718[%add3A_492, %and3A_710] : memref<296x64xf32, #tpu.memory_space<vmem>>[vector<16xi32>, vector<16xi32>], vector<16xf32>,
        %mul3A_720 = arith.mulf %gather3A_719, %get3A_714 : vector<16xf32>
        %add3A_721 = arith.addf %add3A_673, %mul3A_720 : vector<16xf32>
        %gather3A_722 = arith.constant 0 : i32
        %gather3A_723 = arith.constant 0 : i32
        %gather3A_724 = tpu.memref_slice %arg8[%rem3A_98, %gather3A_722, %gather3A_723] : memref<2x296x64xf32, #tpu.memory_space<vmem>> -> memref<1x296x64xf32, #tpu.memory_space<vmem>>
        %gather3A_725 = tpu.memref_squeeze %gather3A_724 : memref<1x296x64xf32, #tpu.memory_space<vmem>> -> memref<296x64xf32, #tpu.memory_space<vmem>>
        %gather3A_726 = tpu.vector_load_idx %gather3A_725[%add3A_495, %and3A_710] : memref<296x64xf32, #tpu.memory_space<vmem>>[vector<16xi32>, vector<16xi32>], vector<16xf32>,
        %mul3A_727 = arith.mulf %gather3A_726, %get3A_714 : vector<16xf32>
        %add3A_728 = arith.addf %add3A_680, %mul3A_727 : vector<16xf32>
        %gather3A_729 = arith.constant 0 : i32
        %gather3A_730 = arith.constant 0 : i32
        %gather3A_731 = tpu.memref_slice %arg8[%rem3A_98, %gather3A_729, %gather3A_730] : memref<2x296x64xf32, #tpu.memory_space<vmem>> -> memref<1x296x64xf32, #tpu.memory_space<vmem>>
        %gather3A_732 = tpu.memref_squeeze %gather3A_731 : memref<1x296x64xf32, #tpu.memory_space<vmem>> -> memref<296x64xf32, #tpu.memory_space<vmem>>
        %gather3A_733 = tpu.vector_load_idx %gather3A_732[%add3A_498, %and3A_710] : memref<296x64xf32, #tpu.memory_space<vmem>>[vector<16xi32>, vector<16xi32>], vector<16xf32>,
        %mul3A_734 = arith.mulf %gather3A_733, %get3A_714 : vector<16xf32>
        %add3A_735 = arith.addf %add3A_687, %mul3A_734 : vector<16xf32>
        %gather3A_736 = arith.constant 0 : i32
        %gather3A_737 = arith.constant 0 : i32
        %gather3A_738 = tpu.memref_slice %arg8[%rem3A_98, %gather3A_736, %gather3A_737] : memref<2x296x64xf32, #tpu.memory_space<vmem>> -> memref<1x296x64xf32, #tpu.memory_space<vmem>>
        %gather3A_739 = tpu.memref_squeeze %gather3A_738 : memref<1x296x64xf32, #tpu.memory_space<vmem>> -> memref<296x64xf32, #tpu.memory_space<vmem>>
        %gather3A_740 = tpu.vector_load_idx %gather3A_739[%add3A_501, %and3A_710] : memref<296x64xf32, #tpu.memory_space<vmem>>[vector<16xi32>, vector<16xi32>], vector<16xf32>,
        %mul3A_741 = arith.mulf %gather3A_740, %get3A_714 : vector<16xf32>
        %add3A_742 = arith.addf %add3A_694, %mul3A_741 : vector<16xf32>
        %gather3A_743 = arith.constant 0 : i32
        %gather3A_744 = arith.constant 0 : i32
        %gather3A_745 = tpu.memref_slice %arg8[%rem3A_98, %gather3A_743, %gather3A_744] : memref<2x296x64xf32, #tpu.memory_space<vmem>> -> memref<1x296x64xf32, #tpu.memory_space<vmem>>
        %gather3A_746 = tpu.memref_squeeze %gather3A_745 : memref<1x296x64xf32, #tpu.memory_space<vmem>> -> memref<296x64xf32, #tpu.memory_space<vmem>>
        %gather3A_747 = tpu.vector_load_idx %gather3A_746[%add3A_504, %and3A_710] : memref<296x64xf32, #tpu.memory_space<vmem>>[vector<16xi32>, vector<16xi32>], vector<16xf32>,
        %mul3A_748 = arith.mulf %gather3A_747, %get3A_714 : vector<16xf32>
        %add3A_749 = arith.addf %add3A_701, %mul3A_748 : vector<16xf32>
        %mul3A_750 = arith.constant 4 : i32
        %mul3A_751 = arith.muli %scan3A_602, %mul3A_750 : i32
        %add3A_752 = arith.constant 3 : i32
        %add3A_753 = arith.addi %mul3A_751, %add3A_752 : i32
        %add3A_754 = vector.broadcast %add3A_753 : i32 to vector<16xi32>
        %add3A_755 = arith.addi %iota3A, %add3A_754 : vector<16xi32>
        %and3A_756 = arith.constant 63 : i32
        %and3A_757 = vector.broadcast %and3A_756 : i32 to vector<16xi32>
        %and3A_758 = arith.andi %add3A_755, %and3A_757 : vector<16xi32>
        %get3A_759 = arith.constant 2 : i32
        %get3A_760 = arith.index_cast %get3A_759 : i32 to index
        %get3A_761 = arith.index_cast %add3A_753 : i32 to index
        %get3A_762 = tpu.vector_load %arg9[%get3A_760, %get3A_761] {strides = array<i32>} : memref<4x128xf32, #tpu.memory_space<vmem>>, vector<16xf32>,
        %gather3A_763 = arith.constant 0 : i32
        %gather3A_764 = arith.constant 0 : i32
        %gather3A_765 = tpu.memref_slice %arg8[%rem3A_98, %gather3A_763, %gather3A_764] : memref<2x296x64xf32, #tpu.memory_space<vmem>> -> memref<1x296x64xf32, #tpu.memory_space<vmem>>
        %gather3A_766 = tpu.memref_squeeze %gather3A_765 : memref<1x296x64xf32, #tpu.memory_space<vmem>> -> memref<296x64xf32, #tpu.memory_space<vmem>>
        %gather3A_767 = tpu.vector_load_idx %gather3A_766[%add3A_492, %and3A_758] : memref<296x64xf32, #tpu.memory_space<vmem>>[vector<16xi32>, vector<16xi32>], vector<16xf32>,
        %mul3A_768 = arith.mulf %gather3A_767, %get3A_762 : vector<16xf32>
        %add3A_769 = arith.addf %add3A_721, %mul3A_768 : vector<16xf32>
        %gather3A_770 = arith.constant 0 : i32
        %gather3A_771 = arith.constant 0 : i32
        %gather3A_772 = tpu.memref_slice %arg8[%rem3A_98, %gather3A_770, %gather3A_771] : memref<2x296x64xf32, #tpu.memory_space<vmem>> -> memref<1x296x64xf32, #tpu.memory_space<vmem>>
        %gather3A_773 = tpu.memref_squeeze %gather3A_772 : memref<1x296x64xf32, #tpu.memory_space<vmem>> -> memref<296x64xf32, #tpu.memory_space<vmem>>
        %gather3A_774 = tpu.vector_load_idx %gather3A_773[%add3A_495, %and3A_758] : memref<296x64xf32, #tpu.memory_space<vmem>>[vector<16xi32>, vector<16xi32>], vector<16xf32>,
        %mul3A_775 = arith.mulf %gather3A_774, %get3A_762 : vector<16xf32>
        %add3A_776 = arith.addf %add3A_728, %mul3A_775 : vector<16xf32>
        %gather3A_777 = arith.constant 0 : i32
        %gather3A_778 = arith.constant 0 : i32
        %gather3A_779 = tpu.memref_slice %arg8[%rem3A_98, %gather3A_777, %gather3A_778] : memref<2x296x64xf32, #tpu.memory_space<vmem>> -> memref<1x296x64xf32, #tpu.memory_space<vmem>>
        %gather3A_780 = tpu.memref_squeeze %gather3A_779 : memref<1x296x64xf32, #tpu.memory_space<vmem>> -> memref<296x64xf32, #tpu.memory_space<vmem>>
        %gather3A_781 = tpu.vector_load_idx %gather3A_780[%add3A_498, %and3A_758] : memref<296x64xf32, #tpu.memory_space<vmem>>[vector<16xi32>, vector<16xi32>], vector<16xf32>,
        %mul3A_782 = arith.mulf %gather3A_781, %get3A_762 : vector<16xf32>
        %add3A_783 = arith.addf %add3A_735, %mul3A_782 : vector<16xf32>
        %gather3A_784 = arith.constant 0 : i32
        %gather3A_785 = arith.constant 0 : i32
        %gather3A_786 = tpu.memref_slice %arg8[%rem3A_98, %gather3A_784, %gather3A_785] : memref<2x296x64xf32, #tpu.memory_space<vmem>> -> memref<1x296x64xf32, #tpu.memory_space<vmem>>
        %gather3A_787 = tpu.memref_squeeze %gather3A_786 : memref<1x296x64xf32, #tpu.memory_space<vmem>> -> memref<296x64xf32, #tpu.memory_space<vmem>>
        %gather3A_788 = tpu.vector_load_idx %gather3A_787[%add3A_501, %and3A_758] : memref<296x64xf32, #tpu.memory_space<vmem>>[vector<16xi32>, vector<16xi32>], vector<16xf32>,
        %mul3A_789 = arith.mulf %gather3A_788, %get3A_762 : vector<16xf32>
        %add3A_790 = arith.addf %add3A_742, %mul3A_789 : vector<16xf32>
        %gather3A_791 = arith.constant 0 : i32
        %gather3A_792 = arith.constant 0 : i32
        %gather3A_793 = tpu.memref_slice %arg8[%rem3A_98, %gather3A_791, %gather3A_792] : memref<2x296x64xf32, #tpu.memory_space<vmem>> -> memref<1x296x64xf32, #tpu.memory_space<vmem>>
        %gather3A_794 = tpu.memref_squeeze %gather3A_793 : memref<1x296x64xf32, #tpu.memory_space<vmem>> -> memref<296x64xf32, #tpu.memory_space<vmem>>
        %gather3A_795 = tpu.vector_load_idx %gather3A_794[%add3A_504, %and3A_758] : memref<296x64xf32, #tpu.memory_space<vmem>>[vector<16xi32>, vector<16xi32>], vector<16xf32>,
        %mul3A_796 = arith.mulf %gather3A_795, %get3A_762 : vector<16xf32>
        %add3A_797 = arith.addf %add3A_749, %mul3A_796 : vector<16xf32>
        scf.yield %add3A_769, %add3A_776, %add3A_783, %add3A_790, %add3A_797 : vector<16xf32>, vector<16xf32>, vector<16xf32>, vector<16xf32>, vector<16xf32>
      }
      %scan3A_512 = arith.constant 16 : i32
      %add3A_513 = arith.constant 256 : i32
      %add3A_514 = arith.addi %mul3A_384, %add3A_513 : i32
      %add3A_515 = arith.constant 0 : i32
      %add3A_516 = arith.addi %add3A_514, %add3A_515 : i32
      %swap3A_517 = arith.index_cast %add3A_516 : i32 to index
      %swap3A_518 = tpu.vector_load %arg10[%swap3A_517] {strides = array<i32>} : memref<8192xf32, #tpu.memory_space<vmem>>, vector<16xf32>,
      tpu.vector_store %arg10[%swap3A_517], %scan3A_511#0 {strides = array<i32>} : memref<8192xf32, #tpu.memory_space<vmem>>, vector<16xf32>,
      %add3A_519 = arith.constant 256 : i32
      %add3A_520 = arith.addi %mul3A_384, %add3A_519 : i32
      %add3A_521 = arith.constant 16 : i32
      %add3A_522 = arith.addi %add3A_520, %add3A_521 : i32
      %swap3A_523 = arith.index_cast %add3A_522 : i32 to index
      %swap3A_524 = tpu.vector_load %arg10[%swap3A_523] {strides = array<i32>} : memref<8192xf32, #tpu.memory_space<vmem>>, vector<16xf32>,
      tpu.vector_store %arg10[%swap3A_523], %scan3A_511#1 {strides = array<i32>} : memref<8192xf32, #tpu.memory_space<vmem>>, vector<16xf32>,
      %add3A_525 = arith.constant 256 : i32
      %add3A_526 = arith.addi %mul3A_384, %add3A_525 : i32
      %add3A_527 = arith.constant 32 : i32
      %add3A_528 = arith.addi %add3A_526, %add3A_527 : i32
      %swap3A_529 = arith.index_cast %add3A_528 : i32 to index
      %swap3A_530 = tpu.vector_load %arg10[%swap3A_529] {strides = array<i32>} : memref<8192xf32, #tpu.memory_space<vmem>>, vector<16xf32>,
      tpu.vector_store %arg10[%swap3A_529], %scan3A_511#2 {strides = array<i32>} : memref<8192xf32, #tpu.memory_space<vmem>>, vector<16xf32>,
      %add3A_531 = arith.constant 256 : i32
      %add3A_532 = arith.addi %mul3A_384, %add3A_531 : i32
      %add3A_533 = arith.constant 48 : i32
      %add3A_534 = arith.addi %add3A_532, %add3A_533 : i32
      %swap3A_535 = arith.index_cast %add3A_534 : i32 to index
      %swap3A_536 = tpu.vector_load %arg10[%swap3A_535] {strides = array<i32>} : memref<8192xf32, #tpu.memory_space<vmem>>, vector<16xf32>,
      tpu.vector_store %arg10[%swap3A_535], %scan3A_511#3 {strides = array<i32>} : memref<8192xf32, #tpu.memory_space<vmem>>, vector<16xf32>,
      %add3A_537 = arith.constant 256 : i32
      %add3A_538 = arith.addi %mul3A_384, %add3A_537 : i32
      %add3A_539 = arith.constant 64 : i32
      %add3A_540 = arith.addi %add3A_538, %add3A_539 : i32
      %swap3A_541 = arith.index_cast %add3A_540 : i32 to index
      %swap3A_542 = tpu.vector_load %arg10[%swap3A_541] {strides = array<i32>} : memref<8192xf32, #tpu.memory_space<vmem>>, vector<16xf32>,
      tpu.vector_store %arg10[%swap3A_541], %scan3A_511#4 {strides = array<i32>} : memref<8192xf32, #tpu.memory_space<vmem>>, vector<16xf32>,
      %add3A_543 = arith.constant 210 : i32
      %add3A_544 = vector.broadcast %add3A_543 : i32 to vector<16xi32>
      %add3A_545 = arith.addi %add3A_544, %iota3A : vector<16xi32>
      %add3A_546 = arith.constant 226 : i32
      %add3A_547 = vector.broadcast %add3A_546 : i32 to vector<16xi32>
      %add3A_548 = arith.addi %add3A_547, %iota3A : vector<16xi32>
      %add3A_549 = arith.constant 242 : i32
      %add3A_550 = vector.broadcast %add3A_549 : i32 to vector<16xi32>
      %add3A_551 = arith.addi %add3A_550, %iota3A : vector<16xi32>
      %add3A_552 = arith.constant 258 : i32
      %add3A_553 = vector.broadcast %add3A_552 : i32 to vector<16xi32>
      %add3A_554 = arith.addi %add3A_553, %iota3A : vector<16xi32>
      %add3A_555 = arith.constant 274 : i32
      %add3A_556 = vector.broadcast %add3A_555 : i32 to vector<16xi32>
      %add3A_557 = arith.addi %add3A_556, %iota3A : vector<16xi32>
      %broadcast_in_dim3A_558 = arith.constant 0.000000e+00 : f32
      %broadcast_in_dim3A_559 = vector.broadcast %broadcast_in_dim3A_558 : f32 to vector<16xf32>
      %scan3A_560 = arith.constant 0 : i32
      %scan3A_561 = arith.constant 16 : i32
      %scan3A_562 = arith.addi %scan3A_560, %scan3A_561 : i32
      %scan3A_563 = arith.constant 1 : i32
      %scan3A_564:5 = scf.for %scan3A_602 = %scan3A_560 to %scan3A_562 step %scan3A_563 iter_args(%scan3A_603 = %broadcast_in_dim3A_559, %scan3A_604 = %broadcast_in_dim3A_559, %scan3A_605 = %broadcast_in_dim3A_559, %scan3A_606 = %broadcast_in_dim3A_559, %scan3A_607 = %broadcast_in_dim3A_559) -> (vector<16xf32>, vector<16xf32>, vector<16xf32>, vector<16xf32>, vector<16xf32>)  : i32 {
        %mul3A_608 = arith.constant 4 : i32
        %mul3A_609 = arith.muli %scan3A_602, %mul3A_608 : i32
        %add3A_610 = arith.constant 0 : i32
        %add3A_611 = arith.addi %mul3A_609, %add3A_610 : i32
        %add3A_612 = vector.broadcast %add3A_611 : i32 to vector<16xi32>
        %add3A_613 = arith.addi %iota3A, %add3A_612 : vector<16xi32>
        %and3A = arith.constant 63 : i32
        %and3A_614 = vector.broadcast %and3A : i32 to vector<16xi32>
        %and3A_615 = arith.andi %add3A_613, %and3A_614 : vector<16xi32>
        %get3A_616 = arith.constant 3 : i32
        %get3A_617 = arith.index_cast %get3A_616 : i32 to index
        %get3A_618 = arith.index_cast %add3A_611 : i32 to index
        %get3A_619 = tpu.vector_load %arg9[%get3A_617, %get3A_618] {strides = array<i32>} : memref<4x128xf32, #tpu.memory_space<vmem>>, vector<16xf32>,
        %gather3A = arith.constant 0 : i32
        %gather3A_620 = arith.constant 0 : i32
        %gather3A_621 = tpu.memref_slice %arg8[%rem3A_98, %gather3A, %gather3A_620] : memref<2x296x64xf32, #tpu.memory_space<vmem>> -> memref<1x296x64xf32, #tpu.memory_space<vmem>>
        %gather3A_622 = tpu.memref_squeeze %gather3A_621 : memref<1x296x64xf32, #tpu.memory_space<vmem>> -> memref<296x64xf32, #tpu.memory_space<vmem>>
        %gather3A_623 = tpu.vector_load_idx %gather3A_622[%add3A_545, %and3A_615] : memref<296x64xf32, #tpu.memory_space<vmem>>[vector<16xi32>, vector<16xi32>], vector<16xf32>,
        %mul3A_624 = arith.mulf %gather3A_623, %get3A_619 : vector<16xf32>
        %add3A_625 = arith.addf %scan3A_603, %mul3A_624 : vector<16xf32>
        %gather3A_626 = arith.constant 0 : i32
        %gather3A_627 = arith.constant 0 : i32
        %gather3A_628 = tpu.memref_slice %arg8[%rem3A_98, %gather3A_626, %gather3A_627] : memref<2x296x64xf32, #tpu.memory_space<vmem>> -> memref<1x296x64xf32, #tpu.memory_space<vmem>>
        %gather3A_629 = tpu.memref_squeeze %gather3A_628 : memref<1x296x64xf32, #tpu.memory_space<vmem>> -> memref<296x64xf32, #tpu.memory_space<vmem>>
        %gather3A_630 = tpu.vector_load_idx %gather3A_629[%add3A_548, %and3A_615] : memref<296x64xf32, #tpu.memory_space<vmem>>[vector<16xi32>, vector<16xi32>], vector<16xf32>,
        %mul3A_631 = arith.mulf %gather3A_630, %get3A_619 : vector<16xf32>
        %add3A_632 = arith.addf %scan3A_604, %mul3A_631 : vector<16xf32>
        %gather3A_633 = arith.constant 0 : i32
        %gather3A_634 = arith.constant 0 : i32
        %gather3A_635 = tpu.memref_slice %arg8[%rem3A_98, %gather3A_633, %gather3A_634] : memref<2x296x64xf32, #tpu.memory_space<vmem>> -> memref<1x296x64xf32, #tpu.memory_space<vmem>>
        %gather3A_636 = tpu.memref_squeeze %gather3A_635 : memref<1x296x64xf32, #tpu.memory_space<vmem>> -> memref<296x64xf32, #tpu.memory_space<vmem>>
        %gather3A_637 = tpu.vector_load_idx %gather3A_636[%add3A_551, %and3A_615] : memref<296x64xf32, #tpu.memory_space<vmem>>[vector<16xi32>, vector<16xi32>], vector<16xf32>,
        %mul3A_638 = arith.mulf %gather3A_637, %get3A_619 : vector<16xf32>
        %add3A_639 = arith.addf %scan3A_605, %mul3A_638 : vector<16xf32>
        %gather3A_640 = arith.constant 0 : i32
        %gather3A_641 = arith.constant 0 : i32
        %gather3A_642 = tpu.memref_slice %arg8[%rem3A_98, %gather3A_640, %gather3A_641] : memref<2x296x64xf32, #tpu.memory_space<vmem>> -> memref<1x296x64xf32, #tpu.memory_space<vmem>>
        %gather3A_643 = tpu.memref_squeeze %gather3A_642 : memref<1x296x64xf32, #tpu.memory_space<vmem>> -> memref<296x64xf32, #tpu.memory_space<vmem>>
        %gather3A_644 = tpu.vector_load_idx %gather3A_643[%add3A_554, %and3A_615] : memref<296x64xf32, #tpu.memory_space<vmem>>[vector<16xi32>, vector<16xi32>], vector<16xf32>,
        %mul3A_645 = arith.mulf %gather3A_644, %get3A_619 : vector<16xf32>
        %add3A_646 = arith.addf %scan3A_606, %mul3A_645 : vector<16xf32>
        %gather3A_647 = arith.constant 0 : i32
        %gather3A_648 = arith.constant 0 : i32
        %gather3A_649 = tpu.memref_slice %arg8[%rem3A_98, %gather3A_647, %gather3A_648] : memref<2x296x64xf32, #tpu.memory_space<vmem>> -> memref<1x296x64xf32, #tpu.memory_space<vmem>>
        %gather3A_650 = tpu.memref_squeeze %gather3A_649 : memref<1x296x64xf32, #tpu.memory_space<vmem>> -> memref<296x64xf32, #tpu.memory_space<vmem>>
        %gather3A_651 = tpu.vector_load_idx %gather3A_650[%add3A_557, %and3A_615] : memref<296x64xf32, #tpu.memory_space<vmem>>[vector<16xi32>, vector<16xi32>], vector<16xf32>,
        %mul3A_652 = arith.mulf %gather3A_651, %get3A_619 : vector<16xf32>
        %add3A_653 = arith.addf %scan3A_607, %mul3A_652 : vector<16xf32>
        %mul3A_654 = arith.constant 4 : i32
        %mul3A_655 = arith.muli %scan3A_602, %mul3A_654 : i32
        %add3A_656 = arith.constant 1 : i32
        %add3A_657 = arith.addi %mul3A_655, %add3A_656 : i32
        %add3A_658 = vector.broadcast %add3A_657 : i32 to vector<16xi32>
        %add3A_659 = arith.addi %iota3A, %add3A_658 : vector<16xi32>
        %and3A_660 = arith.constant 63 : i32
        %and3A_661 = vector.broadcast %and3A_660 : i32 to vector<16xi32>
        %and3A_662 = arith.andi %add3A_659, %and3A_661 : vector<16xi32>
        %get3A_663 = arith.constant 3 : i32
        %get3A_664 = arith.index_cast %get3A_663 : i32 to index
        %get3A_665 = arith.index_cast %add3A_657 : i32 to index
        %get3A_666 = tpu.vector_load %arg9[%get3A_664, %get3A_665] {strides = array<i32>} : memref<4x128xf32, #tpu.memory_space<vmem>>, vector<16xf32>,
        %gather3A_667 = arith.constant 0 : i32
        %gather3A_668 = arith.constant 0 : i32
        %gather3A_669 = tpu.memref_slice %arg8[%rem3A_98, %gather3A_667, %gather3A_668] : memref<2x296x64xf32, #tpu.memory_space<vmem>> -> memref<1x296x64xf32, #tpu.memory_space<vmem>>
        %gather3A_670 = tpu.memref_squeeze %gather3A_669 : memref<1x296x64xf32, #tpu.memory_space<vmem>> -> memref<296x64xf32, #tpu.memory_space<vmem>>
        %gather3A_671 = tpu.vector_load_idx %gather3A_670[%add3A_545, %and3A_662] : memref<296x64xf32, #tpu.memory_space<vmem>>[vector<16xi32>, vector<16xi32>], vector<16xf32>,
        %mul3A_672 = arith.mulf %gather3A_671, %get3A_666 : vector<16xf32>
        %add3A_673 = arith.addf %add3A_625, %mul3A_672 : vector<16xf32>
        %gather3A_674 = arith.constant 0 : i32
        %gather3A_675 = arith.constant 0 : i32
        %gather3A_676 = tpu.memref_slice %arg8[%rem3A_98, %gather3A_674, %gather3A_675] : memref<2x296x64xf32, #tpu.memory_space<vmem>> -> memref<1x296x64xf32, #tpu.memory_space<vmem>>
        %gather3A_677 = tpu.memref_squeeze %gather3A_676 : memref<1x296x64xf32, #tpu.memory_space<vmem>> -> memref<296x64xf32, #tpu.memory_space<vmem>>
        %gather3A_678 = tpu.vector_load_idx %gather3A_677[%add3A_548, %and3A_662] : memref<296x64xf32, #tpu.memory_space<vmem>>[vector<16xi32>, vector<16xi32>], vector<16xf32>,
        %mul3A_679 = arith.mulf %gather3A_678, %get3A_666 : vector<16xf32>
        %add3A_680 = arith.addf %add3A_632, %mul3A_679 : vector<16xf32>
        %gather3A_681 = arith.constant 0 : i32
        %gather3A_682 = arith.constant 0 : i32
        %gather3A_683 = tpu.memref_slice %arg8[%rem3A_98, %gather3A_681, %gather3A_682] : memref<2x296x64xf32, #tpu.memory_space<vmem>> -> memref<1x296x64xf32, #tpu.memory_space<vmem>>
        %gather3A_684 = tpu.memref_squeeze %gather3A_683 : memref<1x296x64xf32, #tpu.memory_space<vmem>> -> memref<296x64xf32, #tpu.memory_space<vmem>>
        %gather3A_685 = tpu.vector_load_idx %gather3A_684[%add3A_551, %and3A_662] : memref<296x64xf32, #tpu.memory_space<vmem>>[vector<16xi32>, vector<16xi32>], vector<16xf32>,
        %mul3A_686 = arith.mulf %gather3A_685, %get3A_666 : vector<16xf32>
        %add3A_687 = arith.addf %add3A_639, %mul3A_686 : vector<16xf32>
        %gather3A_688 = arith.constant 0 : i32
        %gather3A_689 = arith.constant 0 : i32
        %gather3A_690 = tpu.memref_slice %arg8[%rem3A_98, %gather3A_688, %gather3A_689] : memref<2x296x64xf32, #tpu.memory_space<vmem>> -> memref<1x296x64xf32, #tpu.memory_space<vmem>>
        %gather3A_691 = tpu.memref_squeeze %gather3A_690 : memref<1x296x64xf32, #tpu.memory_space<vmem>> -> memref<296x64xf32, #tpu.memory_space<vmem>>
        %gather3A_692 = tpu.vector_load_idx %gather3A_691[%add3A_554, %and3A_662] : memref<296x64xf32, #tpu.memory_space<vmem>>[vector<16xi32>, vector<16xi32>], vector<16xf32>,
        %mul3A_693 = arith.mulf %gather3A_692, %get3A_666 : vector<16xf32>
        %add3A_694 = arith.addf %add3A_646, %mul3A_693 : vector<16xf32>
        %gather3A_695 = arith.constant 0 : i32
        %gather3A_696 = arith.constant 0 : i32
        %gather3A_697 = tpu.memref_slice %arg8[%rem3A_98, %gather3A_695, %gather3A_696] : memref<2x296x64xf32, #tpu.memory_space<vmem>> -> memref<1x296x64xf32, #tpu.memory_space<vmem>>
        %gather3A_698 = tpu.memref_squeeze %gather3A_697 : memref<1x296x64xf32, #tpu.memory_space<vmem>> -> memref<296x64xf32, #tpu.memory_space<vmem>>
        %gather3A_699 = tpu.vector_load_idx %gather3A_698[%add3A_557, %and3A_662] : memref<296x64xf32, #tpu.memory_space<vmem>>[vector<16xi32>, vector<16xi32>], vector<16xf32>,
        %mul3A_700 = arith.mulf %gather3A_699, %get3A_666 : vector<16xf32>
        %add3A_701 = arith.addf %add3A_653, %mul3A_700 : vector<16xf32>
        %mul3A_702 = arith.constant 4 : i32
        %mul3A_703 = arith.muli %scan3A_602, %mul3A_702 : i32
        %add3A_704 = arith.constant 2 : i32
        %add3A_705 = arith.addi %mul3A_703, %add3A_704 : i32
        %add3A_706 = vector.broadcast %add3A_705 : i32 to vector<16xi32>
        %add3A_707 = arith.addi %iota3A, %add3A_706 : vector<16xi32>
        %and3A_708 = arith.constant 63 : i32
        %and3A_709 = vector.broadcast %and3A_708 : i32 to vector<16xi32>
        %and3A_710 = arith.andi %add3A_707, %and3A_709 : vector<16xi32>
        %get3A_711 = arith.constant 3 : i32
        %get3A_712 = arith.index_cast %get3A_711 : i32 to index
        %get3A_713 = arith.index_cast %add3A_705 : i32 to index
        %get3A_714 = tpu.vector_load %arg9[%get3A_712, %get3A_713] {strides = array<i32>} : memref<4x128xf32, #tpu.memory_space<vmem>>, vector<16xf32>,
        %gather3A_715 = arith.constant 0 : i32
        %gather3A_716 = arith.constant 0 : i32
        %gather3A_717 = tpu.memref_slice %arg8[%rem3A_98, %gather3A_715, %gather3A_716] : memref<2x296x64xf32, #tpu.memory_space<vmem>> -> memref<1x296x64xf32, #tpu.memory_space<vmem>>
        %gather3A_718 = tpu.memref_squeeze %gather3A_717 : memref<1x296x64xf32, #tpu.memory_space<vmem>> -> memref<296x64xf32, #tpu.memory_space<vmem>>
        %gather3A_719 = tpu.vector_load_idx %gather3A_718[%add3A_545, %and3A_710] : memref<296x64xf32, #tpu.memory_space<vmem>>[vector<16xi32>, vector<16xi32>], vector<16xf32>,
        %mul3A_720 = arith.mulf %gather3A_719, %get3A_714 : vector<16xf32>
        %add3A_721 = arith.addf %add3A_673, %mul3A_720 : vector<16xf32>
        %gather3A_722 = arith.constant 0 : i32
        %gather3A_723 = arith.constant 0 : i32
        %gather3A_724 = tpu.memref_slice %arg8[%rem3A_98, %gather3A_722, %gather3A_723] : memref<2x296x64xf32, #tpu.memory_space<vmem>> -> memref<1x296x64xf32, #tpu.memory_space<vmem>>
        %gather3A_725 = tpu.memref_squeeze %gather3A_724 : memref<1x296x64xf32, #tpu.memory_space<vmem>> -> memref<296x64xf32, #tpu.memory_space<vmem>>
        %gather3A_726 = tpu.vector_load_idx %gather3A_725[%add3A_548, %and3A_710] : memref<296x64xf32, #tpu.memory_space<vmem>>[vector<16xi32>, vector<16xi32>], vector<16xf32>,
        %mul3A_727 = arith.mulf %gather3A_726, %get3A_714 : vector<16xf32>
        %add3A_728 = arith.addf %add3A_680, %mul3A_727 : vector<16xf32>
        %gather3A_729 = arith.constant 0 : i32
        %gather3A_730 = arith.constant 0 : i32
        %gather3A_731 = tpu.memref_slice %arg8[%rem3A_98, %gather3A_729, %gather3A_730] : memref<2x296x64xf32, #tpu.memory_space<vmem>> -> memref<1x296x64xf32, #tpu.memory_space<vmem>>
        %gather3A_732 = tpu.memref_squeeze %gather3A_731 : memref<1x296x64xf32, #tpu.memory_space<vmem>> -> memref<296x64xf32, #tpu.memory_space<vmem>>
        %gather3A_733 = tpu.vector_load_idx %gather3A_732[%add3A_551, %and3A_710] : memref<296x64xf32, #tpu.memory_space<vmem>>[vector<16xi32>, vector<16xi32>], vector<16xf32>,
        %mul3A_734 = arith.mulf %gather3A_733, %get3A_714 : vector<16xf32>
        %add3A_735 = arith.addf %add3A_687, %mul3A_734 : vector<16xf32>
        %gather3A_736 = arith.constant 0 : i32
        %gather3A_737 = arith.constant 0 : i32
        %gather3A_738 = tpu.memref_slice %arg8[%rem3A_98, %gather3A_736, %gather3A_737] : memref<2x296x64xf32, #tpu.memory_space<vmem>> -> memref<1x296x64xf32, #tpu.memory_space<vmem>>
        %gather3A_739 = tpu.memref_squeeze %gather3A_738 : memref<1x296x64xf32, #tpu.memory_space<vmem>> -> memref<296x64xf32, #tpu.memory_space<vmem>>
        %gather3A_740 = tpu.vector_load_idx %gather3A_739[%add3A_554, %and3A_710] : memref<296x64xf32, #tpu.memory_space<vmem>>[vector<16xi32>, vector<16xi32>], vector<16xf32>,
        %mul3A_741 = arith.mulf %gather3A_740, %get3A_714 : vector<16xf32>
        %add3A_742 = arith.addf %add3A_694, %mul3A_741 : vector<16xf32>
        %gather3A_743 = arith.constant 0 : i32
        %gather3A_744 = arith.constant 0 : i32
        %gather3A_745 = tpu.memref_slice %arg8[%rem3A_98, %gather3A_743, %gather3A_744] : memref<2x296x64xf32, #tpu.memory_space<vmem>> -> memref<1x296x64xf32, #tpu.memory_space<vmem>>
        %gather3A_746 = tpu.memref_squeeze %gather3A_745 : memref<1x296x64xf32, #tpu.memory_space<vmem>> -> memref<296x64xf32, #tpu.memory_space<vmem>>
        %gather3A_747 = tpu.vector_load_idx %gather3A_746[%add3A_557, %and3A_710] : memref<296x64xf32, #tpu.memory_space<vmem>>[vector<16xi32>, vector<16xi32>], vector<16xf32>,
        %mul3A_748 = arith.mulf %gather3A_747, %get3A_714 : vector<16xf32>
        %add3A_749 = arith.addf %add3A_701, %mul3A_748 : vector<16xf32>
        %mul3A_750 = arith.constant 4 : i32
        %mul3A_751 = arith.muli %scan3A_602, %mul3A_750 : i32
        %add3A_752 = arith.constant 3 : i32
        %add3A_753 = arith.addi %mul3A_751, %add3A_752 : i32
        %add3A_754 = vector.broadcast %add3A_753 : i32 to vector<16xi32>
        %add3A_755 = arith.addi %iota3A, %add3A_754 : vector<16xi32>
        %and3A_756 = arith.constant 63 : i32
        %and3A_757 = vector.broadcast %and3A_756 : i32 to vector<16xi32>
        %and3A_758 = arith.andi %add3A_755, %and3A_757 : vector<16xi32>
        %get3A_759 = arith.constant 3 : i32
        %get3A_760 = arith.index_cast %get3A_759 : i32 to index
        %get3A_761 = arith.index_cast %add3A_753 : i32 to index
        %get3A_762 = tpu.vector_load %arg9[%get3A_760, %get3A_761] {strides = array<i32>} : memref<4x128xf32, #tpu.memory_space<vmem>>, vector<16xf32>,
        %gather3A_763 = arith.constant 0 : i32
        %gather3A_764 = arith.constant 0 : i32
        %gather3A_765 = tpu.memref_slice %arg8[%rem3A_98, %gather3A_763, %gather3A_764] : memref<2x296x64xf32, #tpu.memory_space<vmem>> -> memref<1x296x64xf32, #tpu.memory_space<vmem>>
        %gather3A_766 = tpu.memref_squeeze %gather3A_765 : memref<1x296x64xf32, #tpu.memory_space<vmem>> -> memref<296x64xf32, #tpu.memory_space<vmem>>
        %gather3A_767 = tpu.vector_load_idx %gather3A_766[%add3A_545, %and3A_758] : memref<296x64xf32, #tpu.memory_space<vmem>>[vector<16xi32>, vector<16xi32>], vector<16xf32>,
        %mul3A_768 = arith.mulf %gather3A_767, %get3A_762 : vector<16xf32>
        %add3A_769 = arith.addf %add3A_721, %mul3A_768 : vector<16xf32>
        %gather3A_770 = arith.constant 0 : i32
        %gather3A_771 = arith.constant 0 : i32
        %gather3A_772 = tpu.memref_slice %arg8[%rem3A_98, %gather3A_770, %gather3A_771] : memref<2x296x64xf32, #tpu.memory_space<vmem>> -> memref<1x296x64xf32, #tpu.memory_space<vmem>>
        %gather3A_773 = tpu.memref_squeeze %gather3A_772 : memref<1x296x64xf32, #tpu.memory_space<vmem>> -> memref<296x64xf32, #tpu.memory_space<vmem>>
        %gather3A_774 = tpu.vector_load_idx %gather3A_773[%add3A_548, %and3A_758] : memref<296x64xf32, #tpu.memory_space<vmem>>[vector<16xi32>, vector<16xi32>], vector<16xf32>,
        %mul3A_775 = arith.mulf %gather3A_774, %get3A_762 : vector<16xf32>
        %add3A_776 = arith.addf %add3A_728, %mul3A_775 : vector<16xf32>
        %gather3A_777 = arith.constant 0 : i32
        %gather3A_778 = arith.constant 0 : i32
        %gather3A_779 = tpu.memref_slice %arg8[%rem3A_98, %gather3A_777, %gather3A_778] : memref<2x296x64xf32, #tpu.memory_space<vmem>> -> memref<1x296x64xf32, #tpu.memory_space<vmem>>
        %gather3A_780 = tpu.memref_squeeze %gather3A_779 : memref<1x296x64xf32, #tpu.memory_space<vmem>> -> memref<296x64xf32, #tpu.memory_space<vmem>>
        %gather3A_781 = tpu.vector_load_idx %gather3A_780[%add3A_551, %and3A_758] : memref<296x64xf32, #tpu.memory_space<vmem>>[vector<16xi32>, vector<16xi32>], vector<16xf32>,
        %mul3A_782 = arith.mulf %gather3A_781, %get3A_762 : vector<16xf32>
        %add3A_783 = arith.addf %add3A_735, %mul3A_782 : vector<16xf32>
        %gather3A_784 = arith.constant 0 : i32
        %gather3A_785 = arith.constant 0 : i32
        %gather3A_786 = tpu.memref_slice %arg8[%rem3A_98, %gather3A_784, %gather3A_785] : memref<2x296x64xf32, #tpu.memory_space<vmem>> -> memref<1x296x64xf32, #tpu.memory_space<vmem>>
        %gather3A_787 = tpu.memref_squeeze %gather3A_786 : memref<1x296x64xf32, #tpu.memory_space<vmem>> -> memref<296x64xf32, #tpu.memory_space<vmem>>
        %gather3A_788 = tpu.vector_load_idx %gather3A_787[%add3A_554, %and3A_758] : memref<296x64xf32, #tpu.memory_space<vmem>>[vector<16xi32>, vector<16xi32>], vector<16xf32>,
        %mul3A_789 = arith.mulf %gather3A_788, %get3A_762 : vector<16xf32>
        %add3A_790 = arith.addf %add3A_742, %mul3A_789 : vector<16xf32>
        %gather3A_791 = arith.constant 0 : i32
        %gather3A_792 = arith.constant 0 : i32
        %gather3A_793 = tpu.memref_slice %arg8[%rem3A_98, %gather3A_791, %gather3A_792] : memref<2x296x64xf32, #tpu.memory_space<vmem>> -> memref<1x296x64xf32, #tpu.memory_space<vmem>>
        %gather3A_794 = tpu.memref_squeeze %gather3A_793 : memref<1x296x64xf32, #tpu.memory_space<vmem>> -> memref<296x64xf32, #tpu.memory_space<vmem>>
        %gather3A_795 = tpu.vector_load_idx %gather3A_794[%add3A_557, %and3A_758] : memref<296x64xf32, #tpu.memory_space<vmem>>[vector<16xi32>, vector<16xi32>], vector<16xf32>,
        %mul3A_796 = arith.mulf %gather3A_795, %get3A_762 : vector<16xf32>
        %add3A_797 = arith.addf %add3A_749, %mul3A_796 : vector<16xf32>
        scf.yield %add3A_769, %add3A_776, %add3A_783, %add3A_790, %add3A_797 : vector<16xf32>, vector<16xf32>, vector<16xf32>, vector<16xf32>, vector<16xf32>
      }
      %scan3A_565 = arith.constant 16 : i32
      %add3A_566 = arith.constant 384 : i32
      %add3A_567 = arith.addi %mul3A_384, %add3A_566 : i32
      %add3A_568 = arith.constant 0 : i32
      %add3A_569 = arith.addi %add3A_567, %add3A_568 : i32
      %swap3A_570 = arith.index_cast %add3A_569 : i32 to index
      %swap3A_571 = tpu.vector_load %arg10[%swap3A_570] {strides = array<i32>} : memref<8192xf32, #tpu.memory_space<vmem>>, vector<16xf32>,
      tpu.vector_store %arg10[%swap3A_570], %scan3A_564#0 {strides = array<i32>} : memref<8192xf32, #tpu.memory_space<vmem>>, vector<16xf32>,
      %add3A_572 = arith.constant 384 : i32
      %add3A_573 = arith.addi %mul3A_384, %add3A_572 : i32
      %add3A_574 = arith.constant 16 : i32
      %add3A_575 = arith.addi %add3A_573, %add3A_574 : i32
      %swap3A_576 = arith.index_cast %add3A_575 : i32 to index
      %swap3A_577 = tpu.vector_load %arg10[%swap3A_576] {strides = array<i32>} : memref<8192xf32, #tpu.memory_space<vmem>>, vector<16xf32>,
      tpu.vector_store %arg10[%swap3A_576], %scan3A_564#1 {strides = array<i32>} : memref<8192xf32, #tpu.memory_space<vmem>>, vector<16xf32>,
      %add3A_578 = arith.constant 384 : i32
      %add3A_579 = arith.addi %mul3A_384, %add3A_578 : i32
      %add3A_580 = arith.constant 32 : i32
      %add3A_581 = arith.addi %add3A_579, %add3A_580 : i32
      %swap3A_582 = arith.index_cast %add3A_581 : i32 to index
      %swap3A_583 = tpu.vector_load %arg10[%swap3A_582] {strides = array<i32>} : memref<8192xf32, #tpu.memory_space<vmem>>, vector<16xf32>,
      tpu.vector_store %arg10[%swap3A_582], %scan3A_564#2 {strides = array<i32>} : memref<8192xf32, #tpu.memory_space<vmem>>, vector<16xf32>,
      %add3A_584 = arith.constant 384 : i32
      %add3A_585 = arith.addi %mul3A_384, %add3A_584 : i32
      %add3A_586 = arith.constant 48 : i32
      %add3A_587 = arith.addi %add3A_585, %add3A_586 : i32
      %swap3A_588 = arith.index_cast %add3A_587 : i32 to index
      %swap3A_589 = tpu.vector_load %arg10[%swap3A_588] {strides = array<i32>} : memref<8192xf32, #tpu.memory_space<vmem>>, vector<16xf32>,
      tpu.vector_store %arg10[%swap3A_588], %scan3A_564#3 {strides = array<i32>} : memref<8192xf32, #tpu.memory_space<vmem>>, vector<16xf32>,
      %add3A_590 = arith.constant 384 : i32
      %add3A_591 = arith.addi %mul3A_384, %add3A_590 : i32
      %add3A_592 = arith.constant 64 : i32
      %add3A_593 = arith.addi %add3A_591, %add3A_592 : i32
      %swap3A_594 = arith.index_cast %add3A_593 : i32 to index
      %swap3A_595 = tpu.vector_load %arg10[%swap3A_594] {strides = array<i32>} : memref<8192xf32, #tpu.memory_space<vmem>>, vector<16xf32>,
      tpu.vector_store %arg10[%swap3A_594], %scan3A_564#4 {strides = array<i32>} : memref<8192xf32, #tpu.memory_space<vmem>>, vector<16xf32>,
      %rem3A_596 = arith.constant 16 : i32
      %rem3A_597 = arith.remsi %scan3A_96, %rem3A_596 : i32
      %eq3A = arith.constant 15 : i32
      %eq3A_598 = arith.cmpi eq, %rem3A_597, %eq3A : i32
      %convert_element_type3A_599 = arith.extui %eq3A_598 : i1 to i32
      %cond3A_600 = arith.constant 0 : i32
      %cond3A_601 = arith.cmpi ne, %convert_element_type3A_599, %cond3A_600 : i32
      scf.if %cond3A_601 {
        %jit3A = arith.constant 16 : i32
        %div3A = arith.divsi %scan3A_96, %jit3A : i32
        %sign3A = arith.constant 0 : i32
        %sign3A_602 = arith.cmpi sgt, %scan3A_96, %sign3A : i32
        %sign3A_603 = arith.extui %sign3A_602 : i1 to i32
        %sign3A_604 = arith.constant 0 : i32
        %sign3A_605 = arith.cmpi slt, %scan3A_96, %sign3A_604 : i32
        %sign3A_606 = arith.extui %sign3A_605 : i1 to i32
        %sign3A_607 = arith.subi %sign3A_603, %sign3A_606 : i32
        %sign3A_608 = arith.constant 0 : i32
        %sign3A_609 = arith.cmpi sgt, %jit3A, %sign3A_608 : i32
        %sign3A_610 = arith.extui %sign3A_609 : i1 to i32
        %sign3A_611 = arith.constant 0 : i32
        %sign3A_612 = arith.cmpi slt, %jit3A, %sign3A_611 : i32
        %sign3A_613 = arith.extui %sign3A_612 : i1 to i32
        %sign3A_614 = arith.subi %sign3A_610, %sign3A_613 : i32
        %ne3A = arith.cmpi ne, %sign3A_607, %sign3A_614 : i32
        %rem3A_615 = arith.remsi %scan3A_96, %jit3A : i32
        %ne3A_616 = arith.constant 0 : i32
        %ne3A_617 = arith.cmpi ne, %rem3A_615, %ne3A_616 : i32
        %and3A = arith.andi %ne3A, %ne3A_617 : i1
        %sub3A_618 = arith.constant 1 : i32
        %sub3A_619 = arith.subi %div3A, %sub3A_618 : i32
        %select_n3A = arith.select %and3A, %sub3A_619, %div3A : i32
        %mul3A_620 = arith.constant 8192 : i32
        %mul3A_621 = arith.muli %select_n3A, %mul3A_620 : i32
        %add3A_622 = arith.addi %mul3A_4, %mul3A_621 : i32
        "tpu.region"() ({
          %run_scoped3A = tpu.sem_alloc : memref<!tpu.dma_semaphore, #tpu.memory_space<semaphore_mem>>
          %dma_start3A_623 = tpu.memref_slice %arg5[%add3A_622] : memref<2097152xf32, #tpu.memory_space<hbm>> -> memref<8192xf32, #tpu.memory_space<hbm>>
          %dma_start3A_624 = tpu.memref_slice %arg5[%add3A_622] : memref<2097152xf32, #tpu.memory_space<hbm>> -> memref<8192xf32, #tpu.memory_space<hbm>>
          tpu.enqueue_dma source(%arg10 : memref<8192xf32, #tpu.memory_space<vmem>>) target(%dma_start3A_624 : memref<8192xf32, #tpu.memory_space<hbm>>) target_semaphore(%run_scoped3A : memref<!tpu.dma_semaphore, #tpu.memory_space<semaphore_mem>>)
          %dma_wait3A_625 = tpu.memref_slice %arg5[%add3A_622] : memref<2097152xf32, #tpu.memory_space<hbm>> -> memref<8192xf32, #tpu.memory_space<hbm>>
          %dma_wait3A_626 = tpu.memref_slice %arg5[%add3A_622] : memref<2097152xf32, #tpu.memory_space<hbm>> -> memref<8192xf32, #tpu.memory_space<hbm>>
          tpu.wait_dma2 semaphore(%run_scoped3A : memref<!tpu.dma_semaphore, #tpu.memory_space<semaphore_mem>>) src(%arg10 : memref<8192xf32, #tpu.memory_space<vmem>>) dst(%dma_wait3A_626 : memref<8192xf32, #tpu.memory_space<hbm>>)
          tpu.yield
        }) : () -> ()
      } else {
      }
    }
    %scan3A_95 = arith.constant 128 : i32
    return
  }
}

</mosaic_0001>

<sc_bundles>
// kernel: gather_offload_async_start
scs
__scs_entry_jumppad:
0x0: {  	(pc) =	sbr.rel $0x88, $3  }
0x1: {  	(tag) =	ssettag $0x0;
	lr =	simm.s32 $0x1  }
0x2: {  	[smem:$0x3F9C] =	sst lr;
	_ =	strace $0xD0000000  }
0x3: {  	_ = 	snop  }
0x4: {  	_ = 	snop  }
0x5: {  	_ = 	snop  }
0x6: {  	_ = 	snop  }
0x7: {  	_ = 	snop  }
__scs_overlays_trampoline_lowered:
0x8: {  	[smem:$0x3FAB] =	sst s0  }
0x9: {  	[smem:$0x3FAC] =	sst s1  }
0xa: {  	[smem:$0x3FAD] =	sst s2  }
0xb: {  	[smem:$0x3FAE] =	sst s3  }
0xc: {  	[smem:$0x3FAF] =	sst s4  }
0xd: {  	[smem:$0x3FB0] =	sst s5  }
0xe: {  	[smem:$0x3FB1] =	sst s6  }
0xf: {  	[smem:$0x3FB2] =	sst s7  }
0x10: {  	[smem:$0x3FB3] =	sst s8  }
0x11: {  	[smem:$0x3FB4] =	sst s9;
	s0 =	simm.s32 @!p0 $0x0  }
0x12: {  	s1 =	sld [smem:$0x3F9A];
	s0 =	simm.s32 @p0 $0x1  }
0x13: {  	[smem:$0x3FB5] =	sst s0;
	s0 =	simm.s32 @!p1 $0x0  }
0x14: {  	s2 =	sld [smem:$0x3F99];
	s0 =	simm.s32 @p1 $0x1  }
0x15: {  	[smem:$0x3FB6] =	sst s0;
	s0 =	simm.s32 @!p2 $0x0  }
0x16: {  	s3 =	sld [smem:$0x3FDB];
	s0 =	simm.s32 @p2 $0x1  }
0x17: {  	s4 =	simm.s32 $0x1BF5;
	[smem:$0x3FB8] =	sst s0  }
0x18: {  	s0 =	sld [smem:$0x3F9B];
	_ =	swait.ge [sflag:s4], $0x0  }
0x19: {  	s7 =	sld [smem:$0x3F9C]  }
0x1a: {  	s8 =	sadd.s32 $0xFFFFE003, lr  }
0x1b: {  	s9 =	sadd.s32 $0xFFFFFEF7, lr;
	s5 =	simm.s32 $0xFFFFFFFF;
	p2 =	slt.u32 s8, $0xFFFFF086  }
0x1c: {  	p1 =	slt.u32 s9, $0xF7A;
	s5 =	simm.s32 @!p2 $0x0  }
0x1d: {  	s5 =	simm.s32 @p1 $0x1;
	p0 =	seq.s32 s7, s2  }
0x1e: {  	s7 =	smul.u32 @!p0 $0xF7A, s2;
	p2 =	seq.s32 @!p0 s5, $0x0  }
0x1f: {  	s9 =	smul.u32 $0xF7A, s1;
	s8 =	simm.s32 @!p0 $0x1BF5;
	p2 =	por !p2, p0  }
0x20: {  	[sflag:s8] =	ssyncset.s32 @!p0 $0xFFFFF086;
	s6 =	sadd.s32 @!p0 s3, s7;
	s7 =	simm.s32 @!p0 $0x108  }
0x21: {  	s3 =	sadd.s32 s3, s9;
	s6 =	sadd.s32 @!p0 $0x88, s6;
	s7 =	simm.s32 @p2 $0x1082  }
0x22: {  	[simem:s7], [sflag:s8] =	dma.local @!p0 [hbm:s6], $0xF7A  }
0x23: {  	s9 =	sor.u32 $0xD0000000, s2;
	s6 =	simm.s32 $0x108;
	_ =	swait.ge @!p0 [sflag:s8], $0x0  }
0x24: {  	s3 =	sadd.s32 $0x88, s3;
	s6 =	simm.s32 @!p1 $0x1082;
	[sflag:s4] =	ssyncset.s32 $0xFFFFF086  }
0x25: {  	[simem:s6], [sflag:s4] =	dma.local [hbm:s3], $0xF7A  }
0x26: {  	[smem:$0x3F9C] =	sst s1;
	(tag) =	ssettag s2;
	_ =	strace s9  }
0x27: {  	s1 =	sld [smem:$0x3FAC]  }
0x28: {  	s2 =	sld [smem:$0x3FAD]  }
0x29: {  	s4 =	sld [smem:$0x3FAF]  }
0x2a: {  	p0 =	seq.s32 s5, $0x0;
	s5 =	sld [smem:$0x3FB0]  }
0x2b: {  	s6 =	sld [smem:$0x3FB1]  }
0x2c: {  	s7 =	sld [smem:$0x3FB2]  }
0x2d: {  	s3 =	simm.s32 $0x108;
	s8 =	sld [smem:$0x3FB3]  }
0x2e: {  	s3 =	simm.s32 @!p0 $0x1082;
	s9 =	sld [smem:$0x3FB4]  }
0x2f: {  	lr =	sadd.s32 s0, s3;
	s0 =	sld [smem:$0x3FAB]  }
0x30: {  	s3 =	sld [smem:$0x3FAE]  }
0x31: {  	[smem:$0x3FB7] =	sst s10  }
0x32: {  	s10 =	sld [smem:$0x3FB5];
	_ =	sdelay $0x3  }
0x33: {  	p0 =	seq.s32 s10, $0x1;
	s10 =	sld [smem:$0x3FB7];
	_ =	sdelay $0x3  }
0x34: {  	[smem:$0x3FB7] =	sst s10  }
0x35: {  	s10 =	sld [smem:$0x3FB6];
	_ =	sdelay $0x3  }
0x36: {  	p1 =	seq.s32 s10, $0x1;
	s10 =	sld [smem:$0x3FB7];
	_ =	sdelay $0x3  }
0x37: {  	[smem:$0x3FB7] =	sst s10  }
0x38: {  	s10 =	sld [smem:$0x3FB8]  }
0x39: {  	_ = 	snop;
	(pc) =	sbr.ind lr, $3  }
0x3a: {  	_ = 	snop  }
0x3b: {  	_ = 	snop  }
0x3c: {  	p2 =	seq.s32 s10, $0x1;
	s10 =	sld [smem:$0x3FB7]  }
0x3d: {  	_ =	shalt  }
0x3e: {  	_ =	shalt  }
0x3f: {  	_ =	shalt  }
0x40: {  	_ =	shalt  }
0x41: {  	_ =	shalt  }
0x42: {  	_ =	shalt  }
0x43: {  	_ =	shalt  }
0x44: {  	_ =	shalt  }
0x45: {  	_ =	shalt  }
0x46: {  	_ =	shalt  }
0x47: {  	_ =	shalt  }
0x48: {  	_ =	shalt  }
0x49: {  	_ =	shalt  }
0x4a: {  	_ =	shalt  }
0x4b: {  	_ =	shalt  }
0x4c: {  	_ =	shalt  }
0x4d: {  	_ =	shalt  }
0x4e: {  	_ =	shalt  }
0x4f: {  	_ =	shalt  }
0x50: {  	_ =	shalt  }
0x51: {  	_ =	shalt  }
0x52: {  	_ =	shalt  }
0x53: {  	_ =	shalt  }
0x54: {  	_ =	shalt  }
0x55: {  	_ =	shalt  }
0x56: {  	_ =	shalt  }
0x57: {  	_ =	shalt  }
0x58: {  	_ =	shalt  }
0x59: {  	_ =	shalt  }
0x5a: {  	_ =	shalt  }
0x5b: {  	_ =	shalt  }
0x5c: {  	_ =	shalt  }
0x5d: {  	_ =	shalt  }
0x5e: {  	_ =	shalt  }
0x5f: {  	_ =	shalt  }
0x60: {  	_ =	shalt  }
0x61: {  	_ =	shalt  }
0x62: {  	_ =	shalt  }
0x63: {  	_ =	shalt  }
0x64: {  	_ =	shalt  }
0x65: {  	_ =	shalt  }
0x66: {  	_ =	shalt  }
0x67: {  	_ =	shalt  }
0x68: {  	_ =	shalt  }
0x69: {  	_ =	shalt  }
0x6a: {  	_ =	shalt  }
0x6b: {  	_ =	shalt  }
0x6c: {  	_ =	shalt  }
0x6d: {  	_ =	shalt  }
0x6e: {  	_ =	shalt  }
0x6f: {  	_ =	shalt  }
0x70: {  	_ =	shalt  }
0x71: {  	_ =	shalt  }
0x72: {  	_ =	shalt  }
0x73: {  	_ =	shalt  }
0x74: {  	_ =	shalt  }
0x75: {  	_ =	shalt  }
0x76: {  	_ =	shalt  }
0x77: {  	_ =	shalt  }
0x78: {  	_ =	shalt  }
0x79: {  	_ =	shalt  }
0x7a: {  	_ =	shalt  }
0x7b: {  	_ =	shalt  }
0x7c: {  	_ =	shalt  }
0x7d: {  	_ =	shalt  }
0x7e: {  	_ =	shalt  }
0x7f: {  	_ =	shalt  }
0x80: {  	_ =	shalt  }
0x81: {  	_ =	shalt  }
0x82: {  	_ =	shalt  }
0x83: {  	_ =	shalt  }
0x84: {  	_ =	shalt  }
0x85: {  	_ =	shalt  }
0x86: {  	_ =	shalt  }
0x87: {  	_ =	shalt  }
.Lfunc_end0:
.L_simem_size_0:
called_computation_lowered:
.L_overlay_start_0:
0x88: {  	s2 =	sld [smem:$0x3FD9]  }
0x89: {  	s3 =	sld [smem:$0x3FFE];
	_ =	sdelay $0x1  }
0x8a: {  	s1 =	srdreg.scid  }
0x8b: {  	s0 =	sand.u32 $0x1, s1  }
0x8c: {  	s14 =	sshll.u32 s0, $0xA;
	s2 =	sadd.s32 s3, s2  }
0x8d: {  	s2 =	sadd.s32 s2, s14  }
0x8e: {  	[smem:$0x3FC3] =	sst s2  }
0x8f: {  	_ = 	snop  }
0x90: {  	s2 =	sld [smem:$0x3FD0];
	_ =	sdelay $0x2  }
0x91: {  	s15 =	simm.s32 $0xA;
	s4 =	simm.s32 $0x10  }
0x92: {  	[smem:s4], [sflag:s15] =	dma.local [hbm:s2], $0x1  }
0x93: {  	_ =	swait.eq [sflag:s15], $0x1  }
0x94: {  	[sflag:s15] =	ssyncset.done $0x0  }
0x95: {  	[sflag:s15] =	ssyncadd.s32 $0xFFFFFFFF  }
0x96: {  	s16 =	sld [smem:$0x10];
	(tm) =	ssettm $0x1  }
0x97: {  	s17 =	sld [smem:$0x3FFB];
	_ =	sdelay $0x3  }
0x98: {  	_ =	strace s17  }
0x99: {  	s3 =	sld [smem:$0x3FFC];
	_ =	sdelay $0x3  }
0x9a: {  	_ =	strace s3  }
0x9b: {  	s3 =	sld [smem:$0x3FFD];
	_ =	sdelay $0x3  }
0x9c: {  	_ =	strace s3  }
0x9d: {  	_ =	strace $0x8FFFFFFF  }
0x9e: {  	s18 =	sld [smem:$0x3FDB];
	_ =	sdelay $0x1  }
0x9f: {  	s19 =	simm.s32 $_scs_section_size  }
0xa0: {  	s5 =	simm.s32 $_size__tile_overlayer_lowered;
	s6 =	simm.s32 $_tile_overlayer_lowered  }
0xa1: {  	s22 =	simm.s32 $0x1BFF;
	s21 =	sshll.u32 s6, $0x1;
	s3 =	sadd.s32 s19, s18  }
0xa2: {  	s7 =	simm.s32 $0x0;
	s20 =	sshll.u32 s5, $0x1;
	s5 =	sadd.s32 s21, s3  }
0xa3: {  	[timem:s7], [sflag:s22] =	dma.local [hbm:s5], s20  }
0xa4: {  	_ =	swait.ge [sflag:s22], s20  }
0xa5: {  	s4 =	ssub.s32 $0x0, s20;
	[sflag:s22] =	ssyncset.done $0x0  }
0xa6: {  	[sflag:s22] =	ssyncadd.s32 s4;
	_ =	sdelay $0x1  }
0xa7: {  	s23 =	simm.s32 $0x1B8B  }
0xa8: {  	_ =	swait.ge [sflag:s23], $0x1  }
0xa9: {  	[sflag:s23] =	ssyncset.done $0x0  }
0xaa: {  	s25 =	simm.s32 $0x1B8E;
	s24 =	sld [smem:$0x3FFE];
	[sflag:s23] =	ssyncadd.s32 $0xFFFFFFFF  }
0xab: {  	s26 =	simm.s32 $execute0_lowered;
	[smem:$0x3FD2] =	sst s25  }
0xac: {  	s5 =	sshll.u32 s26, $0x1;
	_ =	strace $0x80000046;
	[dreg:$0x1] =	wrdreg $0xFFFFFFFF  }
0xad: {  	s28 =	simm.s32 $_size_execute0_lowered;
	s3 =	sadd.s32 s3, s5;
	[dreg:$0x0] =	wrdreg $0x0  }
0xae: {  	s5 =	sshll.u32 s28, $0x1;
	[dreg:$0x2] =	wrdreg s3  }
0xaf: {  	[dreg:$0x3] =	wrdreg s5  }
0xb0: {  	[dreg:$0x4] =	wrdreg $0xC0  }
0xb1: {  	_ =	task [dreg:s7], $0x5FFFF  }
0xb2: {  	[dreg:$0x1] =	wrdreg $0xFFFFFFFF  }
0xb3: {  	[dreg:$0x0] =	wrdreg $0x60  }
0xb4: {  	[dreg:$0x2] =	wrdreg s24  }
0xb5: {  	[dreg:$0x3] =	wrdreg s16  }
0xb6: {  	[dreg:$0x4] =	wrdreg $0x9  }
0xb7: {  	_ =	task.clear_ibuf [dreg:s7], $0x5FFFF;
	_ =	strace $0x90000046  }
0xb8: {  	s29 =	simm.s32 $0x9;
	_ =	strace $0x80000048  }
0xb9: {  	_ =	swait.ge [sflag:s29], $0x1  }
0xba: {  	[sflag:s29] =	ssyncadd.s32 $0xFFFFFFFF  }
0xbb: {  	_ =	strace $0x90000048  }
0xbc: {  	_ =	sfence  }
0xbd: {  	s30 =	sld [smem:$0x0];
	_ =	sdelay $0x2  }
0xbe: {  	s31 =	sshll.u32 s1, $0xD;
	s1 =	sshrl.u32 s1, $0x2  }
0xbf: {  	s3 =	sand.u32 $0x4000, s31;
	s1 =	sadd.s32 s1, s30  }
0xc0: {  	s0 =	sor.u32 s3, s0;
	s1 =	sshll.u32 s1, $0x11  }
0xc1: {  	s0 =	sor.u32 s1, s0  }
0xc2: {  	s0 =	sadd.s32 $0x8F2B, s0  }
0xc3: {  	[sflag:s0] =	ssyncadd.remote.s32 $0x1  }
0xc4: {  	_ =	sfence.sel $0xFFFF  }
0xc5: {  	[dreg:$0x0] =	wrdreg $0xFFFFFFFF;
	(pc) =	sbr.abs _section_cstart, $3  }
0xc6: {  	[dreg:$0x1] =	wrdreg $0xFFFFFFFF  }
0xc7: {  	_ =	task.clear_ibuf [dreg:s7], $0x2FFFF;
	_ =	strace $0x9FFFFFFF  }
0xc8: {  	(tm) =	ssettm $0x7FFFFFFF  }
0xc9: {  	_ =	shalt  }
tec
execute0_lowered:
.L_overlay_start_1:
0x0: {  	(tag) =	ssettag $0x1  }
0x1: {  	s7 =	rddreg [dreg:$0x0]  }
0x2: {  	s2 =	rddreg [dreg:$0x1]  }
0x3: {  	s0 =	rddreg [dreg:$0x2]  }
0x4: {  	s1 =	srdreg.scid;
	_ =	strace $0x80000047;
	s4 =	simm.s32 $0x1  }
0x5: {  	s9 =	simm.s32 $0x3;
	s11 =	simm.s32 $0x0;
	s5 =	sshll.u32 s1, $0x4  }
.Ltmp0:
0x6: {  	s1 =	stileid.u32;
	s5 =	sand.u32 $0x10, s5;
	(pc) =	sbr.rel .LBB2_1-.Ltmp0, $4  }
0x7: {  	p0 =	por $0x0, $0x0;
	s3 =	sadd.s32 $0x1200, s7;
	s6 =	sor.u32 s1, s5  }
0x8: {  	[sflag:s4] =	ssyncpa.u1 $0x0;
	s5 =	simm.s32 $0x2;
	s6 =	sshll.u32 s6, $0x9  }
0x9: {  	s7 =	sadd.s32 $0xF43600, s7;
	[sflag:s5] =	ssyncpa.u1 $0x0;
	s8 =	sadd.s32 $0x200, s6  }
0xa: {  	vm0 =	vmmov $0xff;
	vm1 =	vcmask $0x3F20;
	[sflag:s9] =	ssyncpa.u1 $0x0;
	s10 =	smov.u32 s6;
	s9 =	simm.s32 $0x0  }
.LBB2_7:
0xb: {  	p1 =	slt.u32 s9, $0x2;
	s11 =	sadd.s32 $0x100, s10  }
0xc: {  	s13 =	smov.u32 s6;
	s9 =	sadd.s32 $0x1, s9;
	p2 =	slt.s32 s11, s8  }
0xd: {  	s13 =	smov.u32 @p2 s11;
	p2 =	sne.s32 s9, $0x4  }
.Ltmp1:
0xe: {  	_ = 	snop;
	(pc) =	sbr.rel @!p2 .LBB2_8-.Ltmp1, $4  }
0xf: {  	s12 =	simm.s32 @!p1 $0x3  }
0x10: {  	_ =	swait.ge @!p1 [sflag:s12], $0x8000  }
0x11: {  	p0 =	por !p0, !p0;
	[sflag:s12] =	ssyncset.done @!p1 $0x0  }
0x12: {  	s11 =	smov.u32 s10;
	s10 =	smov.u32 s13;
	[sflag:s12] =	ssyncadd.s32 @!p1 $0xFFFF8000  }
.LBB2_1:
0x13: {  	p1 =	sgt.u32 s9, $0x1  }
0x14: {  	s12 =	sshll.u32 @!p1 s9, $0x8;
	s13 =	sshrl.u32 @!p1 s10, $0x3  }
0x15: {  	s14 =	sand.u32 @!p1 $0x7, s10;
	s12 =	sxor.u32 @!p1 $0x100, s12;
	s13 =	sadd.s32 @!p1 s2, s13  }
0x16: {  	[tilespmem:s12], [sflag:$0x2] =	stream.linear.gather @!p1 [hbm4b:s13+s14], $0x100, $0x38;
	[tilespmem:$0x10200] =	vst v63  }
0x17: {  	p1 =	seq.s32 s9, $0x0  }
0x18: {  	p2 =	seq.s32 @!p1 s9, $0x3  }
0x19: {  	p1 =	por p1, p2  }
.Ltmp2:
0x1a: {  	_ = 	snop;
	(pc) =	sbr.rel @p1 .LBB2_7-.Ltmp2, $1  }
0x1b: {  	_ =	sdelay $0x3  }
0x1c: {  	s12 =	simm.s32 $0x1  }
0x1d: {  	_ =	swait.ge [sflag:s5], $0x100;
	s12 =	simm.s32 @!p0 $0x0  }
0x1e: {  	[sflag:s5] =	ssyncset.done $0x0;
	s14 =	sshll.u32 s12, $0x8  }
0x1f: {  	[sflag:s5] =	ssyncadd.s32 $0xFFFFFF00;
	s13 =	sadd.s32 $0x0, s14  }
0x20: {  	v0 =	vld.msk [tilespmem:s13+$0x0 ss:$0x1], $0xffff;
	_ =	sdelay $0x4  }
0x21: {  	vm2 =	vgt.s32 v0, $0x0  }
0x22: {  	v0 =	vnsel vm2, $0x0, v0  }
0x23: {  	v0 =	vmin.u32 v0, $0xF423F  }
0x24: {  	v0 =	vshll.u32 v0, $0x4;
	_ =	sdelay $0x2  }
0x25: {  	s12 =	sshll.u32 s12, $0xF  }
0x26: {  	s12 =	sor.u32 $0x200, s12  }
0x27: {  	[tilespmem:s12], [sflag:$0x1] =	stream.indirect_vreg.gather [hbm:s3], $0x80, v0, vm0, $0x38;
	[tilespmem:$0x10200] =	vst v63  }
0x28: {  	s15 =	sadd.s32 $0x10, s14;
	s13 =	sadd.s32 $0x400, s12  }
0x29: {  	[tilespmem:s13], [sflag:$0x1] =	stream.indirect_vreg.gather [hbm:s3], $0x80, v0, vm1, $0x38;
	[tilespmem:$0x10200] =	vst v63  }
0x2a: {  	s16 =	simm.s32 $0x80;
	v0 =	vld.msk [tilespmem:s15+$0x0 ss:$0x1], $0xffff;
	s15 =	smov.u32 s12  }
.LBB2_3:
0x2b: {  	p1 =	sne.s32 s16, $0x3C0;
	_ =	sdelay $0x4  }
0x2c: {  	vm2 =	vgt.s32 v0, $0x0  }
0x2d: {  	v0 =	vnsel vm2, $0x0, v0  }
0x2e: {  	v0 =	vmin.u32 v0, $0xF423F  }
0x2f: {  	v0 =	vshll.u32 v0, $0x4;
	_ =	sdelay $0x3  }
.Ltmp3:
0x30: {  	s17 =	sshra.s32 s16, $0x2;
	s15 =	sadd.s32 $0x800, s15;
	(pc) =	sbr.rel @p1 .LBB2_3-.Ltmp3, $4  }
0x31: {  	[tilespmem:s15], [sflag:$0x1] =	stream.indirect_vreg.gather [hbm:s3], $0x80, v0, vm0, $0x38;
	[tilespmem:$0x10200] =	vst v63  }
0x32: {  	s17 =	sadd.s32 s17, s14;
	s18 =	sadd.s32 $0x400, s15  }
0x33: {  	[tilespmem:s18], [sflag:$0x1] =	stream.indirect_vreg.gather [hbm:s3], $0x80, v0, vm1, $0x38;
	[tilespmem:$0x10200] =	vst v63  }
0x34: {  	s16 =	sadd.s32 $0x40, s16;
	v0 =	vld.msk [tilespmem:s17+$0x0 ss:$0x1], $0xffff  }
0x35: {  	_ =	sdelay $0x3  }
0x36: {  	vm2 =	vgt.s32 v0, $0x0  }
0x37: {  	v0 =	vnsel vm2, $0x0, v0  }
0x38: {  	v0 =	vmin.u32 v0, $0xF423F  }
0x39: {  	v0 =	vshll.u32 v0, $0x4;
	_ =	sdelay $0x3  }
0x3a: {  	s14 =	sadd.s32 $0x800, s15  }
0x3b: {  	[tilespmem:s14], [sflag:$0x1] =	stream.indirect_vreg.gather [hbm:s3], $0x80, v0, vm0, $0x38;
	[tilespmem:$0x10200] =	vst v63  }
0x3c: {  	s14 =	sadd.s32 $0x400, s14  }
0x3d: {  	[tilespmem:s14], [sflag:$0x1] =	stream.indirect_vreg.gather [hbm:s3], $0x80, v0, vm1, $0x38;
	[tilespmem:$0x10200] =	vst v63  }
0x3e: {  	s11 =	sshll.u32 s11, $0x4;
	_ =	swait.ge [sflag:s4], $0x8000  }
0x3f: {  	s11 =	sadd.s32 s11, s7;
	[sflag:s4] =	ssyncset.done $0x0  }
0x40: {  	s15 =	sadd.s32 $0x0, s11;
	s14 =	simm.s32 $0x80;
	[sflag:s4] =	ssyncadd.s32 $0xFFFF8000  }
.LBB2_5:
0x41: {  	[hbm:s15] =	stream.linear.scatter [tilespmem:s12], [sflag:$0x3], $0x400, $0x38;
	[tilespmem:$0x10200] =	vst v63  }
0x42: {  	s15 =	smov.u32 s14;
	s12 =	smov.u32 s13;
	p1 =	sne.s32 s14, $0xF80  }
.Ltmp4:
0x43: {  	s14 =	sadd.s32 $0x80, s14;
	(pc) =	sbr.rel @p1 .LBB2_5-.Ltmp4, $2  }
0x44: {  	_ =	sdelay $0x2  }
0x45: {  	s13 =	sadd.s32 $0x400, s13;
	s15 =	sadd.s32 s15, s11  }
.Ltmp5:
0x46: {  	(pc) =	sbr.rel .LBB2_7-.Ltmp5, $2  }
0x47: {  	_ =	sdelay $0x2  }
0x48: {  	[hbm:s15] =	stream.linear.scatter [tilespmem:s12], [sflag:$0x3], $0x400, $0x38;
	[tilespmem:$0x10200] =	vst v63  }
.LBB2_8:
0x49: {  	_ =	sfence.sel $0x180000  }
0x4a: {  	s2 =	simm.s32 $0x2;
	[bflag:$0x0] =	sbarrier.arrive $0xFFFF  }
0x4b: {  	s30 =	simm.s32 $0x3;
	[sflag:s2] =	ssyncpa.u1 $0x1  }
0x4c: {  	s31 =	simm.s32 $0x1;
	[sflag:s30] =	ssyncpa.u1 $0x1  }
0x4d: {  	[sflag:s31] =	ssyncpa.u1 $0x1  }
0x4e: {  	p0 =	sne.s32 s1, $0x0;
	_ =	strace $0x90000047  }
0x4f: {  	s0 =	sadd.s32 @!p0 $0x100000, s0;
	[bflag:$0x2] =	sbarrier.arrive $0xFFFF  }
0x50: {  	[sflag:s0] =	ssyncadd.tile.s32 @!p0 $0x1;
	_ =	shalt  }
.Lfunc_end2:
_tile_overlayer_lowered:
.L_overlay_start_2:
0x51: {  	(tag) =	ssettag $0x2  }
0x52: {  	s0 =	rddreg [dreg:$0x0];
	s2 =	stileid.u32  }
0x53: {  	s1 =	rddreg [dreg:$0x1];
	p0 =	sne.s32 s2, $0x0  }
0x54: {  	s3 =	rddreg [dreg:$0x2];
	[bflag:$0x3] =	sbarrier.arrive $0xFFFF;
	s2 =	simm.s32 @!p0 $0x1C01  }
0x55: {  	[timem:s3], [sflag:s2] =	dma.local @!p0 [hbm:s0], s1  }
0x56: {  	s0 =	simm.s32 @!p0 $0x1  }
0x57: {  	_ =	swait.ge @!p0 [sflag:s0], s1  }
0x58: {  	s1 =	ssub.s32 @!p0 $0x0, s1;
	[sflag:s0] =	ssyncset.done @!p0 $0x0  }
0x59: {  	[sflag:s0] =	ssyncadd.s32 @!p0 s1  }
0x5a: {  	[bflag:$0x3] =	sbarrier.arrive $0xFFFF  }
0x5b: {  	_ =	shalt  }

// kernel: kernel.3.cloned.1.call-start
scs
__scs_entry_jumppad:
0x0: {  	(pc) =	sbr.rel $0x88, $3  }
0x1: {  	(tag) =	ssettag $0x0;
	lr =	simm.s32 $0x1  }
0x2: {  	[smem:$0x3F9C] =	sst lr;
	_ =	strace $0xD0000000  }
0x3: {  	_ = 	snop  }
0x4: {  	_ = 	snop  }
0x5: {  	_ = 	snop  }
0x6: {  	_ = 	snop  }
0x7: {  	_ = 	snop  }
__scs_overlays_trampoline_lowered:
0x8: {  	[smem:$0x3FAB] =	sst s0  }
0x9: {  	[smem:$0x3FAC] =	sst s1  }
0xa: {  	[smem:$0x3FAD] =	sst s2  }
0xb: {  	[smem:$0x3FAE] =	sst s3  }
0xc: {  	[smem:$0x3FAF] =	sst s4  }
0xd: {  	[smem:$0x3FB0] =	sst s5  }
0xe: {  	[smem:$0x3FB1] =	sst s6  }
0xf: {  	[smem:$0x3FB2] =	sst s7  }
0x10: {  	[smem:$0x3FB3] =	sst s8  }
0x11: {  	[smem:$0x3FB4] =	sst s9;
	s0 =	simm.s32 @!p0 $0x0  }
0x12: {  	s1 =	sld [smem:$0x3F9A];
	s0 =	simm.s32 @p0 $0x1  }
0x13: {  	[smem:$0x3FB5] =	sst s0;
	s0 =	simm.s32 @!p1 $0x0  }
0x14: {  	s2 =	sld [smem:$0x3F99];
	s0 =	simm.s32 @p1 $0x1  }
0x15: {  	[smem:$0x3FB6] =	sst s0;
	s0 =	simm.s32 @!p2 $0x0  }
0x16: {  	s3 =	sld [smem:$0x3FDB];
	s0 =	simm.s32 @p2 $0x1  }
0x17: {  	s4 =	simm.s32 $0x1BF5;
	[smem:$0x3FB8] =	sst s0  }
0x18: {  	s0 =	sld [smem:$0x3F9B];
	_ =	swait.ge [sflag:s4], $0x0  }
0x19: {  	s7 =	sld [smem:$0x3F9C]  }
0x1a: {  	s8 =	sadd.s32 $0xFFFFE003, lr  }
0x1b: {  	s9 =	sadd.s32 $0xFFFFFEF7, lr;
	s5 =	simm.s32 $0xFFFFFFFF;
	p2 =	slt.u32 s8, $0xFFFFF086  }
0x1c: {  	p1 =	slt.u32 s9, $0xF7A;
	s5 =	simm.s32 @!p2 $0x0  }
0x1d: {  	s5 =	simm.s32 @p1 $0x1;
	p0 =	seq.s32 s7, s2  }
0x1e: {  	s7 =	smul.u32 @!p0 $0xF7A, s2;
	p2 =	seq.s32 @!p0 s5, $0x0  }
0x1f: {  	s9 =	smul.u32 $0xF7A, s1;
	s8 =	simm.s32 @!p0 $0x1BF5;
	p2 =	por !p2, p0  }
0x20: {  	[sflag:s8] =	ssyncset.s32 @!p0 $0xFFFFF086;
	s6 =	sadd.s32 @!p0 s3, s7;
	s7 =	simm.s32 @!p0 $0x108  }
0x21: {  	s3 =	sadd.s32 s3, s9;
	s6 =	sadd.s32 @!p0 $0x88, s6;
	s7 =	simm.s32 @p2 $0x1082  }
0x22: {  	[simem:s7], [sflag:s8] =	dma.local @!p0 [hbm:s6], $0xF7A  }
0x23: {  	s9 =	sor.u32 $0xD0000000, s2;
	s6 =	simm.s32 $0x108;
	_ =	swait.ge @!p0 [sflag:s8], $0x0  }
0x24: {  	s3 =	sadd.s32 $0x88, s3;
	s6 =	simm.s32 @!p1 $0x1082;
	[sflag:s4] =	ssyncset.s32 $0xFFFFF086  }
0x25: {  	[simem:s6], [sflag:s4] =	dma.local [hbm:s3], $0xF7A  }
0x26: {  	[smem:$0x3F9C] =	sst s1;
	(tag) =	ssettag s2;
	_ =	strace s9  }
0x27: {  	s1 =	sld [smem:$0x3FAC]  }
0x28: {  	s2 =	sld [smem:$0x3FAD]  }
0x29: {  	s4 =	sld [smem:$0x3FAF]  }
0x2a: {  	p0 =	seq.s32 s5, $0x0;
	s5 =	sld [smem:$0x3FB0]  }
0x2b: {  	s6 =	sld [smem:$0x3FB1]  }
0x2c: {  	s7 =	sld [smem:$0x3FB2]  }
0x2d: {  	s3 =	simm.s32 $0x108;
	s8 =	sld [smem:$0x3FB3]  }
0x2e: {  	s3 =	simm.s32 @!p0 $0x1082;
	s9 =	sld [smem:$0x3FB4]  }
0x2f: {  	lr =	sadd.s32 s0, s3;
	s0 =	sld [smem:$0x3FAB]  }
0x30: {  	s3 =	sld [smem:$0x3FAE]  }
0x31: {  	[smem:$0x3FB7] =	sst s10  }
0x32: {  	s10 =	sld [smem:$0x3FB5];
	_ =	sdelay $0x3  }
0x33: {  	p0 =	seq.s32 s10, $0x1;
	s10 =	sld [smem:$0x3FB7];
	_ =	sdelay $0x3  }
0x34: {  	[smem:$0x3FB7] =	sst s10  }
0x35: {  	s10 =	sld [smem:$0x3FB6];
	_ =	sdelay $0x3  }
0x36: {  	p1 =	seq.s32 s10, $0x1;
	s10 =	sld [smem:$0x3FB7];
	_ =	sdelay $0x3  }
0x37: {  	[smem:$0x3FB7] =	sst s10  }
0x38: {  	s10 =	sld [smem:$0x3FB8]  }
0x39: {  	_ = 	snop;
	(pc) =	sbr.ind lr, $3  }
0x3a: {  	_ = 	snop  }
0x3b: {  	_ = 	snop  }
0x3c: {  	p2 =	seq.s32 s10, $0x1;
	s10 =	sld [smem:$0x3FB7]  }
0x3d: {  	_ =	shalt  }
0x3e: {  	_ =	shalt  }
0x3f: {  	_ =	shalt  }
0x40: {  	_ =	shalt  }
0x41: {  	_ =	shalt  }
0x42: {  	_ =	shalt  }
0x43: {  	_ =	shalt  }
0x44: {  	_ =	shalt  }
0x45: {  	_ =	shalt  }
0x46: {  	_ =	shalt  }
0x47: {  	_ =	shalt  }
0x48: {  	_ =	shalt  }
0x49: {  	_ =	shalt  }
0x4a: {  	_ =	shalt  }
0x4b: {  	_ =	shalt  }
0x4c: {  	_ =	shalt  }
0x4d: {  	_ =	shalt  }
0x4e: {  	_ =	shalt  }
0x4f: {  	_ =	shalt  }
0x50: {  	_ =	shalt  }
0x51: {  	_ =	shalt  }
0x52: {  	_ =	shalt  }
0x53: {  	_ =	shalt  }
0x54: {  	_ =	shalt  }
0x55: {  	_ =	shalt  }
0x56: {  	_ =	shalt  }
0x57: {  	_ =	shalt  }
0x58: {  	_ =	shalt  }
0x59: {  	_ =	shalt  }
0x5a: {  	_ =	shalt  }
0x5b: {  	_ =	shalt  }
0x5c: {  	_ =	shalt  }
0x5d: {  	_ =	shalt  }
0x5e: {  	_ =	shalt  }
0x5f: {  	_ =	shalt  }
0x60: {  	_ =	shalt  }
0x61: {  	_ =	shalt  }
0x62: {  	_ =	shalt  }
0x63: {  	_ =	shalt  }
0x64: {  	_ =	shalt  }
0x65: {  	_ =	shalt  }
0x66: {  	_ =	shalt  }
0x67: {  	_ =	shalt  }
0x68: {  	_ =	shalt  }
0x69: {  	_ =	shalt  }
0x6a: {  	_ =	shalt  }
0x6b: {  	_ =	shalt  }
0x6c: {  	_ =	shalt  }
0x6d: {  	_ =	shalt  }
0x6e: {  	_ =	shalt  }
0x6f: {  	_ =	shalt  }
0x70: {  	_ =	shalt  }
0x71: {  	_ =	shalt  }
0x72: {  	_ =	shalt  }
0x73: {  	_ =	shalt  }
0x74: {  	_ =	shalt  }
0x75: {  	_ =	shalt  }
0x76: {  	_ =	shalt  }
0x77: {  	_ =	shalt  }
0x78: {  	_ =	shalt  }
0x79: {  	_ =	shalt  }
0x7a: {  	_ =	shalt  }
0x7b: {  	_ =	shalt  }
0x7c: {  	_ =	shalt  }
0x7d: {  	_ =	shalt  }
0x7e: {  	_ =	shalt  }
0x7f: {  	_ =	shalt  }
0x80: {  	_ =	shalt  }
0x81: {  	_ =	shalt  }
0x82: {  	_ =	shalt  }
0x83: {  	_ =	shalt  }
0x84: {  	_ =	shalt  }
0x85: {  	_ =	shalt  }
0x86: {  	_ =	shalt  }
0x87: {  	_ =	shalt  }
.Lfunc_end0:
.L_simem_size_0:
called_computation.1_lowered:
.L_overlay_start_0:
0x88: {  	s2 =	sld [smem:$0x3FD9]  }
0x89: {  	s3 =	sld [smem:$0x3FFE];
	_ =	sdelay $0x1  }
0x8a: {  	s1 =	srdreg.scid  }
0x8b: {  	s0 =	sand.u32 $0x1, s1  }
0x8c: {  	s16 =	sshll.u32 s0, $0xA;
	s2 =	sadd.s32 s3, s2  }
0x8d: {  	s2 =	sadd.s32 s2, s16  }
0x8e: {  	[smem:$0x3FC3] =	sst s2  }
0x8f: {  	_ = 	snop  }
0x90: {  	(tm) =	ssettm $0x1  }
0x91: {  	s17 =	sld [smem:$0x3FFB];
	_ =	sdelay $0x3  }
0x92: {  	_ =	strace s17  }
0x93: {  	s2 =	sld [smem:$0x3FFC];
	_ =	sdelay $0x3  }
0x94: {  	_ =	strace s2  }
0x95: {  	s2 =	sld [smem:$0x3FFD];
	_ =	sdelay $0x3  }
0x96: {  	_ =	strace s2  }
0x97: {  	_ =	strace $0x8FFFFFFF  }
0x98: {  	s18 =	sld [smem:$0x3FDB];
	_ =	sdelay $0x1  }
0x99: {  	s19 =	simm.s32 $_scs_section_size  }
0x9a: {  	s4 =	simm.s32 $_size__tile_overlayer_lowered;
	s5 =	simm.s32 $_tile_overlayer_lowered  }
0x9b: {  	s22 =	simm.s32 $0x1BFF;
	s21 =	sshll.u32 s5, $0x1;
	s2 =	sadd.s32 s19, s18  }
0x9c: {  	s6 =	simm.s32 $0x0;
	s20 =	sshll.u32 s4, $0x1;
	s4 =	sadd.s32 s21, s2  }
0x9d: {  	[timem:s6], [sflag:s22] =	dma.local [hbm:s4], s20  }
0x9e: {  	_ =	swait.ge [sflag:s22], s20  }
0x9f: {  	s3 =	ssub.s32 $0x0, s20;
	[sflag:s22] =	ssyncset.done $0x0  }
0xa0: {  	[sflag:s22] =	ssyncadd.s32 s3;
	_ =	sdelay $0x1  }
0xa1: {  	s23 =	simm.s32 $0x1B8B  }
0xa2: {  	_ =	swait.ge [sflag:s23], $0x1  }
0xa3: {  	[sflag:s23] =	ssyncset.done $0x0  }
0xa4: {  	s25 =	simm.s32 $0x1B8E;
	s24 =	sld [smem:$0x3FFE];
	[sflag:s23] =	ssyncadd.s32 $0xFFFFFFFF  }
0xa5: {  	s26 =	simm.s32 $execute0_lowered;
	[smem:$0x3FD2] =	sst s25  }
0xa6: {  	s4 =	sshll.u32 s26, $0x1;
	_ =	strace $0x80000049;
	[dreg:$0x1] =	wrdreg $0xFFFFFFFF  }
0xa7: {  	s28 =	simm.s32 $_size_execute0_lowered;
	s2 =	sadd.s32 s2, s4;
	[dreg:$0x0] =	wrdreg $0x0  }
0xa8: {  	s4 =	sshll.u32 s28, $0x1;
	[dreg:$0x2] =	wrdreg s2  }
0xa9: {  	[dreg:$0x3] =	wrdreg s4  }
0xaa: {  	[dreg:$0x4] =	wrdreg $0xC0  }
0xab: {  	_ =	task [dreg:s6], $0x5FFFF  }
0xac: {  	[dreg:$0x1] =	wrdreg $0xFFFFFFFF  }
0xad: {  	[dreg:$0x0] =	wrdreg $0x60  }
0xae: {  	[dreg:$0x2] =	wrdreg s24  }
0xaf: {  	[dreg:$0x3] =	wrdreg $0x9  }
0xb0: {  	_ =	task.clear_ibuf [dreg:s6], $0x4FFFF;
	_ =	strace $0x90000049  }
0xb1: {  	s29 =	simm.s32 $0x9;
	_ =	strace $0x8000004B  }
0xb2: {  	_ =	swait.ge [sflag:s29], $0x1  }
0xb3: {  	[sflag:s29] =	ssyncadd.s32 $0xFFFFFFFF  }
0xb4: {  	_ =	strace $0x9000004B  }
0xb5: {  	_ =	sfence  }
0xb6: {  	s30 =	sld [smem:$0x0];
	_ =	sdelay $0x2  }
0xb7: {  	s31 =	sshll.u32 s1, $0xD;
	s1 =	sshrl.u32 s1, $0x2  }
0xb8: {  	s3 =	sand.u32 $0x4000, s31;
	s1 =	sadd.s32 s1, s30  }
0xb9: {  	s0 =	sor.u32 s3, s0;
	s1 =	sshll.u32 s1, $0x11  }
0xba: {  	s0 =	sor.u32 s1, s0  }
0xbb: {  	s0 =	sadd.s32 $0x8F2B, s0  }
0xbc: {  	[sflag:s0] =	ssyncadd.remote.s32 $0x1  }
0xbd: {  	_ =	sfence.sel $0xFFFF  }
0xbe: {  	[dreg:$0x0] =	wrdreg $0xFFFFFFFF;
	(pc) =	sbr.abs _section_cstart, $3  }
0xbf: {  	[dreg:$0x1] =	wrdreg $0xFFFFFFFF  }
0xc0: {  	_ =	task.clear_ibuf [dreg:s6], $0x2FFFF;
	_ =	strace $0x9FFFFFFF  }
0xc1: {  	(tm) =	ssettm $0x7FFFFFFF  }
tec
execute0_lowered:
.L_overlay_start_1:
0x0: {  	(tag) =	ssettag $0x1  }
0x1: {  	s0 =	rddreg [dreg:$0x0]  }
0x2: {  	s1 =	simm.s32 $0x0;
	s2 =	srdreg.scid;
	s5 =	stileid.u32  }
0x3: {  	s15 =	simm.s32 $0x2;
	s18 =	simm.s32 $0x46;
	s24 =	simm.s32 $0x180  }
0x4: {  	v0 =	vlaneseq.u32;
	s25 =	simm.s32 $0x3C80;
	s26 =	simm.s32 $0x1;
	[smem:$0x7FF] =	sst s1  }
0x5: {  	s28 =	simm.s32 $0x0;
	s3 =	sadd.s32 $0x1F05A00, s0;
	s4 =	sadd.s32 $0xF83600, s0;
	v1 =	vmul.u32 $0x40, v0  }
0x6: {  	s2 =	sand.u32 $0x1, s2;
	s6 =	sshll.u32 s5, $0x11;
	s5 =	sadd.s32 $0xFC3600, s0  }
0x7: {  	s7 =	sadd.s32 $0x1003600, s0;
	s8 =	ssub.s32 $0x2, s2;
	s2 =	sshll.u32 s2, $0x10;
	v2 =	vor.u32 $0x400, v1;
	v3 =	vor.u32 $0x800, v1  }
0x8: {  	_ =	strace $0x8000004A;
	s9 =	sshrl.u32 s8, $0x1;
	s6 =	sor.u32 s2, s6;
	v4 =	vor.u32 $0xC00, v1;
	v5 =	vor.u32 $0x1000, v1;
	v6 =	vadd.s32 $0x1180, v1  }
0x9: {  	v7 =	vadd.s32 $0x1580, v1;
	v8 =	vadd.s32 $0x1980, v1;
	v9 =	vadd.s32 $0x1D80, v1;
	s31 =	ssub.s32 s8, s9;
	s2 =	sshrl.u32 s6, $0x3;
	s12 =	sor.u32 $0x400, s6  }
0xa: {  	v10 =	vadd.s32 $0x2180, v1;
	v11 =	vadd.s32 $0x2300, v1;
	v12 =	vadd.s32 $0x2700, v1;
	s8 =	sadd.s32 s4, s2;
	s9 =	sadd.s32 s5, s2;
	s2 =	sor.u32 $0x40, s2  }
0xb: {  	v13 =	vadd.s32 $0x2B00, v1;
	v14 =	vadd.s32 $0x2F00, v1;
	v15 =	vadd.s32 $0x3300, v1;
	s13 =	smax.u32 s31, $0x1;
	s10 =	sadd.s32 s4, s2;
	s11 =	sadd.s32 s5, s2  }
.LBB2_1:
0xc: {  	[tilespmem:s1], [sflag:$0x2] =	stream.linear.gather [hbm4b:s8+s1], $0x200, $0x38;
	[tilespmem:$0xBE00] =	vst v63  }
0xd: {  	s0 =	simm.s32 $0x400  }
0xe: {  	[tilespmem:s0], [sflag:$0x2] =	stream.linear.gather [hbm4b:s9+s1], $0x200, $0x38;
	[tilespmem:$0xBE00] =	vst v63  }
0xf: {  	_ =	swait.ge [sflag:s15], $0x200  }
0x10: {  	[sflag:s15] =	ssyncset.done $0x0  }
0x11: {  	[sflag:s15] =	ssyncadd.s32 $0xFFFFFE00  }
0x12: {  	_ =	swait.ge [sflag:s15], $0x200  }
0x13: {  	[sflag:s15] =	ssyncset.done $0x0  }
0x14: {  	s20 =	simm.s32 $0x200;
	[sflag:s15] =	ssyncadd.s32 $0xFFFFFE00  }
0x15: {  	[tilespmem:s20], [sflag:$0x2] =	stream.linear.gather [hbm4b:s10+s1], $0x200, $0x38;
	[tilespmem:$0xBE00] =	vst v63  }
0x16: {  	s21 =	simm.s32 $0x600  }
0x17: {  	[tilespmem:s21], [sflag:$0x2] =	stream.linear.gather [hbm4b:s11+s1], $0x200, $0x38;
	[tilespmem:$0xBE00] =	vst v63  }
0x18: {  	s22 =	simm.s32 $0x800  }
0x19: {  	[tilespmem:s22], [sflag:$0x1] =	stream.indirect.gather [hbm4b:s3+s18], $0x40, s1, s18, $0xb8;
	[tilespmem:$0xBE00] =	vst v63  }
0x1a: {  	s23 =	simm.s32 $0x80;
	s2 =	simm.s32 $0x1980  }
0x1b: {  	[tilespmem:s2], [sflag:$0x1] =	stream.indirect.gather [hbm4b:s3+s18], $0x40, s23, s18, $0xb8;
	[tilespmem:$0xBE00] =	vst v63  }
0x1c: {  	s29 =	simm.s32 $0x100;
	s31 =	simm.s32 $0x2B00  }
0x1d: {  	[tilespmem:s31], [sflag:$0x1] =	stream.indirect.gather [hbm4b:s3+s18], $0x40, s29, s18, $0xb8;
	[tilespmem:$0xBE00] =	vst v63  }
0x1e: {  	s30 =	simm.s32 $0x0  }
0x1f: {  	[tilespmem:s25], [sflag:$0x1] =	stream.indirect.gather [hbm4b:s3+s18], $0x40, s24, s18, $0xb8;
	[tilespmem:$0xBE00] =	vst v63  }
.LBB2_2:
0x20: {  	p0 =	seq.s32 s30, $0x7F  }
0x21: {  	s2 =	simm.s32 @!p0 $0x2  }
0x22: {  	s0 =	sand.u32 $0x1, s30;
	_ =	swait.ge @!p0 [sflag:s2], $0x200  }
0x23: {  	s14 =	sxor.u32 @!p0 $0x1, s0;
	[sflag:s2] =	ssyncset.done @!p0 $0x0  }
0x24: {  	s29 =	sadd.s32 $0x1, s30;
	s14 =	smul.u32 @!p0 $0x12800, s14;
	[sflag:s2] =	ssyncadd.s32 @!p0 $0xFFFFFE00  }
0x25: {  	s16 =	sshll.u32 @!p0 s29, $0x9;
	_ =	swait.ge @!p0 [sflag:s2], $0x200  }
0x26: {  	s17 =	simm.s32 @!p0 $0x46;
	s14 =	sshrl.u32 @!p0 s14, $0x2;
	[sflag:s2] =	ssyncset.done @!p0 $0x0  }
0x27: {  	s16 =	sand.u32 @!p0 $0x200, s16;
	[sflag:s2] =	ssyncadd.s32 @!p0 $0xFFFFFE00;
	s2 =	sadd.s32 @!p0 $0x800, s14  }
0x28: {  	[tilespmem:s2], [sflag:$0x1] =	stream.indirect.gather @!p0 [hbm4b:s3+s17], $0x40, s16, s17, $0xb8;
	[tilespmem:$0xBE00] =	vst v63  }
0x29: {  	s19 =	sor.u32 @!p0 $0x80, s16;
	s2 =	sadd.s32 @!p0 $0x1980, s14  }
0x2a: {  	[tilespmem:s2], [sflag:$0x1] =	stream.indirect.gather @!p0 [hbm4b:s3+s17], $0x40, s19, s17, $0xb8;
	[tilespmem:$0xBE00] =	vst v63  }
0x2b: {  	s2 =	sadd.s32 @!p0 $0x2B00, s14;
	s19 =	sor.u32 @!p0 $0x100, s16  }
0x2c: {  	[tilespmem:s2], [sflag:$0x1] =	stream.indirect.gather @!p0 [hbm4b:s3+s17], $0x40, s19, s17, $0xb8;
	[tilespmem:$0xBE00] =	vst v63  }
0x2d: {  	s2 =	sadd.s32 @!p0 $0x3C80, s14;
	s14 =	sor.u32 @!p0 $0x180, s16  }
0x2e: {  	[tilespmem:s2], [sflag:$0x1] =	stream.indirect.gather @!p0 [hbm4b:s3+s17], $0x40, s14, s17, $0xb8;
	[tilespmem:$0xBE00] =	vst v63  }
0x2f: {  	_ =	swait.ge [sflag:s26], $0x1180  }
0x30: {  	[sflag:s26] =	ssyncset.done $0x0  }
0x31: {  	[sflag:s26] =	ssyncadd.s32 $0xFFFFEE80  }
0x32: {  	_ =	swait.ge [sflag:s26], $0x1180  }
0x33: {  	[sflag:s26] =	ssyncset.done $0x0  }
0x34: {  	[sflag:s26] =	ssyncadd.s32 $0xFFFFEE80  }
0x35: {  	_ =	swait.ge [sflag:s26], $0x1180  }
0x36: {  	[sflag:s26] =	ssyncset.done $0x0  }
0x37: {  	[sflag:s26] =	ssyncadd.s32 $0xFFFFEE80  }
0x38: {  	_ =	swait.ge [sflag:s26], $0x1180  }
0x39: {  	[sflag:s26] =	ssyncset.done $0x0  }
0x3a: {  	s2 =	sshll.u32 s0, $0x9;
	[sflag:s26] =	ssyncadd.s32 $0xFFFFEE80  }
0x3b: {  	v16 =	vld [tilespmem:s2+$0x400];
	_ =	sdelay $0x4  }
0x3c: {  	[tilespmem:$0x9C00] =	vst v16  }
0x3d: {  	[tilespmem:$0x9C40] =	vst v16  }
0x3e: {  	v16 =	vld [tilespmem:s2+$0x410];
	_ =	sdelay $0x4  }
0x3f: {  	[tilespmem:$0x9C10] =	vst v16  }
0x40: {  	[tilespmem:$0x9C50] =	vst v16  }
0x41: {  	v16 =	vld [tilespmem:s2+$0x420];
	_ =	sdelay $0x4  }
0x42: {  	[tilespmem:$0x9C20] =	vst v16  }
0x43: {  	[tilespmem:$0x9C60] =	vst v16  }
0x44: {  	v16 =	vld [tilespmem:s2+$0x430];
	_ =	sdelay $0x4  }
0x45: {  	[tilespmem:$0x9C30] =	vst v16  }
0x46: {  	[tilespmem:$0x9C70] =	vst v16  }
0x47: {  	v16 =	vld [tilespmem:s2+$0x480];
	_ =	sdelay $0x4  }
0x48: {  	[tilespmem:$0x9C80] =	vst v16  }
0x49: {  	[tilespmem:$0x9CC0] =	vst v16  }
0x4a: {  	v16 =	vld [tilespmem:s2+$0x490];
	_ =	sdelay $0x4  }
0x4b: {  	[tilespmem:$0x9C90] =	vst v16  }
0x4c: {  	[tilespmem:$0x9CD0] =	vst v16  }
0x4d: {  	v16 =	vld [tilespmem:s2+$0x4A0];
	_ =	sdelay $0x4  }
0x4e: {  	[tilespmem:$0x9CA0] =	vst v16  }
0x4f: {  	[tilespmem:$0x9CE0] =	vst v16  }
0x50: {  	v16 =	vld [tilespmem:s2+$0x4B0];
	_ =	sdelay $0x4  }
0x51: {  	[tilespmem:$0x9CB0] =	vst v16  }
0x52: {  	[tilespmem:$0x9CF0] =	vst v16  }
0x53: {  	v16 =	vld [tilespmem:s2+$0x500];
	_ =	sdelay $0x4  }
0x54: {  	[tilespmem:$0x9D00] =	vst v16  }
0x55: {  	[tilespmem:$0x9D40] =	vst v16  }
0x56: {  	v16 =	vld [tilespmem:s2+$0x510];
	_ =	sdelay $0x4  }
0x57: {  	[tilespmem:$0x9D10] =	vst v16  }
0x58: {  	[tilespmem:$0x9D50] =	vst v16  }
0x59: {  	v16 =	vld [tilespmem:s2+$0x520];
	_ =	sdelay $0x4  }
0x5a: {  	[tilespmem:$0x9D20] =	vst v16  }
0x5b: {  	[tilespmem:$0x9D60] =	vst v16  }
0x5c: {  	v16 =	vld [tilespmem:s2+$0x530];
	_ =	sdelay $0x4  }
0x5d: {  	[tilespmem:$0x9D30] =	vst v16  }
0x5e: {  	[tilespmem:$0x9D70] =	vst v16  }
0x5f: {  	v16 =	vld [tilespmem:s2+$0x580];
	_ =	sdelay $0x4  }
0x60: {  	[tilespmem:$0x9D80] =	vst v16  }
0x61: {  	[tilespmem:$0x9DC0] =	vst v16  }
0x62: {  	v16 =	vld [tilespmem:s2+$0x590];
	_ =	sdelay $0x4  }
0x63: {  	[tilespmem:$0x9D90] =	vst v16  }
0x64: {  	[tilespmem:$0x9DD0] =	vst v16  }
0x65: {  	v16 =	vld [tilespmem:s2+$0x5A0];
	_ =	sdelay $0x4  }
0x66: {  	[tilespmem:$0x9DA0] =	vst v16  }
0x67: {  	[tilespmem:$0x9DE0] =	vst v16  }
0x68: {  	v16 =	vld [tilespmem:s2+$0x5B0];
	_ =	sdelay $0x1  }
0x69: {  	p0 =	sgt.u32 s30, $0x7D  }
0x6a: {  	s14 =	sshll.u32 @!p0 s30, $0x9  }
0x6b: {  	s23 =	simm.s32 $0x1;
	s14 =	sadd.s32 @!p0 s14, s12  }
0x6c: {  	s20 =	simm.s32 $0x0;
	s22 =	simm.s32 $0x2;
	s14 =	sshrl.u32 @!p0 s14, $0x3;
	[tilespmem:$0x9DB0] =	vst v16  }
0x6d: {  	s21 =	simm.s32 $0x9C02;
	v25 =	vadd.s32 s22, v0;
	s17 =	simm.s32 @!p0 $0x0;
	s16 =	sadd.s32 @!p0 s4, s14;
	[tilespmem:$0x9DF0] =	vst v16  }
0x6e: {  	v29 =	vand.u32 $0x3F, v25;
	v16 =	vadd.s32 s23, v0;
	[tilespmem:s2], [sflag:$0x2] =	stream.linear.gather @!p0 [hbm4b:s16+s17], $0x200, $0x38;
	[tilespmem:$0xBE00] =	vst v63  }
0x6f: {  	v25 =	vor.u32 v3, v29;
	s0 =	smul.u32 $0x12800, s0;
	s14 =	sadd.s32 @!p0 s5, s14;
	s2 =	sor.u32 $0x400, s2;
	v20 =	vand.u32 $0x3F, v16  }
0x70: {  	v16 =	vadd.s32 s20, v0;
	v19 =	vor.u32 v1, v20;
	[tilespmem:s2], [sflag:$0x2] =	stream.linear.gather @!p0 [hbm4b:s14+s17], $0x200, $0x38;
	[tilespmem:$0xBE00] =	vst v63  }
0x71: {  	v21 =	vand.u32 $0x3F, v16;
	v16 =	vld [tilespmem:s21+$0x1]  }
0x72: {  	s0 =	sshrl.u32 s0, $0x2;
	v24 =	vor.u32 v5, v20;
	v17 =	vld [tilespmem:s21+$0x0]  }
0x73: {  	s31 =	sadd.s32 $0x800, s0;
	v22 =	vor.u32 v1, v21;
	v18 =	vld [tilespmem:s21+$0xFFFFFFFF]  }
0x74: {  	v26 =	vor.u32 v4, v20;
	v25 =	vld.idx.msk [tilespmem:v25+s31+$0x0], $0xffff  }
0x75: {  	v31 =	vor.u32 v3, v20;
	v27 =	vld.idx.msk [tilespmem:v19+s31+$0x0], $0xffff  }
0x76: {  	v28 =	vor.u32 v5, v21;
	v19 =	vld [tilespmem:s21+$0xFFFFFFFE]  }
0x77: {  	v23 =	vor.u32 v3, v21;
	v24 =	vld.idx.msk [tilespmem:v24+s31+$0x0], $0xffff  }
0x78: {  	v30 =	vor.u32 v4, v21;
	v22 =	vld.idx.msk [tilespmem:v22+s31+$0x0], $0xffff  }
0x79: {  	v38 =	vor.u32 v1, v29;
	v26 =	vld.idx.msk [tilespmem:v26+s31+$0x0], $0xffff  }
0x7a: {  	v20 =	vor.u32 v2, v20;
	v42 =	vld.idx.msk [tilespmem:v31+s31+$0x0], $0xffff  }
0x7b: {  	v32 =	vor.u32 v4, v29;
	s23 =	simm.s32 $0x3;
	v28 =	vld.idx.msk [tilespmem:v28+s31+$0x0], $0xffff  }
0x7c: {  	v41 =	vor.u32 v5, v29;
	v35 =	vor.u32 v2, v21;
	v21 =	vadd.s32 s23, v0;
	v33 =	vld.idx.msk [tilespmem:v23+s31+$0x0], $0xffff  }
0x7d: {  	v40 =	vand.u32 $0x3F, v21;
	v21 =	vor.u32 v2, v29;
	v39 =	vld.idx.msk [tilespmem:v30+s31+$0x0], $0xffff;
	v22 =	vmul.f32 v22, v19  }
0x7e: {  	v29 =	vld.idx.msk [tilespmem:v38+s31+$0x0], $0xffff;
	v43 =	vor.u32 v4, v40;
	v23 =	vimm.f32 $0.0e+00;
	v30 =	vor.u32 v2, v40  }
0x7f: {  	v34 =	vld.idx.msk [tilespmem:v20+s31+$0x0], $0xffff;
	v37 =	vmul.f32 v27, v18;
	v36 =	vmul.f32 v24, v18;
	v22 =	vadd.f32 v22, v23  }
0x80: {  	v31 =	vld.idx.msk [tilespmem:v32+s31+$0x0], $0xffff;
	v27 =	vor.u32 v3, v40;
	v26 =	vmul.f32 v26, v18;
	v24 =	vmul.f32 v28, v19  }
0x81: {  	v32 =	vld.idx.msk [tilespmem:v35+s31+$0x0], $0xffff;
	v28 =	vmul.f32 v33, v19;
	v20 =	vadd.f32 v37, v22;
	v37 =	vor.u32 v1, v40  }
0x82: {  	v33 =	vor.u32 v5, v40;
	v35 =	vmul.f32 v39, v19;
	v39 =	vmul.f32 v42, v18;
	v22 =	vld.idx.msk [tilespmem:v41+s31+$0x0], $0xffff  }
0x83: {  	s0 =	simm.s32 $0x9C06;
	s16 =	simm.s32 $0x4;
	v38 =	vadd.f32 v28, v23;
	v28 =	vimm.f32 $0.0e+00;
	v40 =	vadd.f32 v24, v23;
	v24 =	vld.idx.msk [tilespmem:v43+s31+$0x0], $0xffff  }
.LBB2_3:
0x84: {  	s17 =	sadd.s32 $0x1, s16  }
0x85: {  	s19 =	sadd.s32 $0x2, s16;
	v34 =	vmul.f32 v34, v18;
	v36 =	vadd.f32 v36, v40;
	v18 =	vmul.f32 v25, v17;
	v25 =	vld.idx.msk [tilespmem:v30+s31+$0x0], $0xffff;
	s14 =	smov.u32 s16;
	s2 =	sadd.s32 $0x4, s16  }
0x86: {  	p0 =	sne.s32 s16, $0x3C;
	v31 =	vmul.f32 v31, v17;
	v30 =	vadd.s32 s17, v0;
	v40 =	vadd.s32 s19, v0;
	v37 =	vld.idx.msk [tilespmem:v37+s31+$0x0], $0xffff  }
0x87: {  	v23 =	vadd.f32 v35, v23;
	v19 =	vmul.f32 v32, v19;
	v30 =	vand.u32 $0x3F, v30;
	v32 =	vld.idx.msk [tilespmem:v33+s31+$0x0], $0xffff  }
0x88: {  	v38 =	vadd.f32 v39, v38;
	v33 =	vadd.s32 s14, v0;
	v35 =	vor.u32 v1, v30;
	v27 =	vld.idx.msk [tilespmem:v27+s31+$0x0], $0xffff  }
0x89: {  	v29 =	vmul.f32 v29, v17;
	v33 =	vand.u32 $0x3F, v33;
	v28 =	vadd.f32 v19, v28;
	v21 =	vld.idx.msk [tilespmem:v21+s31+$0x0], $0xffff  }
0x8a: {  	v38 =	vadd.f32 v18, v38;
	v39 =	vor.u32 v1, v33;
	v41 =	vor.u32 v2, v33;
	v42 =	vld [tilespmem:s0+$0x1]  }
0x8b: {  	v43 =	vor.u32 v3, v33;
	v44 =	vor.u32 v4, v33;
	v46 =	vmul.f32 v25, v16;
	v45 =	vld [tilespmem:s0+$0x0]  }
0x8c: {  	v47 =	vor.u32 v5, v30;
	v25 =	vor.u32 v4, v30;
	v37 =	vmul.f32 v37, v16;
	v18 =	vld [tilespmem:s0+$0xFFFFFFFF]  }
0x8d: {  	v40 =	vand.u32 $0x3F, v40;
	v23 =	vadd.f32 v26, v23;
	v33 =	vor.u32 v5, v33;
	v35 =	vld.idx.msk [tilespmem:v35+s31+$0x0], $0xffff  }
0x8e: {  	v26 =	vor.u32 v1, v40;
	v48 =	vor.u32 v5, v40;
	v27 =	vmul.f32 v27, v16;
	v19 =	vld [tilespmem:s0+$0xFFFFFFFE]  }
0x8f: {  	v49 =	vor.u32 v3, v40;
	v24 =	vmul.f32 v24, v16;
	v50 =	vmul.f32 v21, v17;
	v39 =	vld.idx.msk [tilespmem:v39+s31+$0x0], $0xffff  }
0x90: {  	v51 =	vor.u32 v3, v30;
	v28 =	vadd.f32 v34, v28;
	v21 =	vor.u32 v2, v40;
	v43 =	vld.idx.msk [tilespmem:v43+s31+$0x0], $0xffff  }
0x91: {  	v20 =	vadd.f32 v29, v20;
	v23 =	vadd.f32 v31, v23;
	v40 =	vor.u32 v4, v40;
	v47 =	vld.idx.msk [tilespmem:v47+s31+$0x0], $0xffff  }
0x92: {  	s14 =	sadd.s32 $0x3, s14;
	v29 =	vor.u32 v2, v30;
	v34 =	vmul.f32 v22, v17;
	v28 =	vadd.f32 v50, v28;
	v52 =	vld.idx.msk [tilespmem:v25+s31+$0x0], $0xffff  }
0x93: {  	v30 =	vadd.s32 s14, v0;
	v31 =	vmul.f32 v32, v16;
	v38 =	vadd.f32 v27, v38;
	v16 =	vmovc v42;
	v22 =	vld.idx.msk [tilespmem:v33+s31+$0x0], $0xffff  }
0x94: {  	v23 =	vadd.f32 v24, v23;
	v32 =	vadd.f32 v34, v36;
	v17 =	vmovc v45;
	v33 =	vand.u32 $0x3F, v30;
	v25 =	vld.idx.msk [tilespmem:v49+s31+$0x0], $0xffff  }
0x95: {  	v20 =	vadd.f32 v37, v20;
	v24 =	vmul.f32 v39, v19;
	v42 =	vor.u32 v4, v33;
	v39 =	vld.idx.msk [tilespmem:v44+s31+$0x0], $0xffff  }
0x96: {  	v28 =	vadd.f32 v46, v28;
	v30 =	vor.u32 v2, v33;
	v27 =	vor.u32 v3, v33;
	v44 =	vld.idx.msk [tilespmem:v51+s31+$0x0], $0xffff  }
0x97: {  	v45 =	vadd.f32 v31, v32;
	v20 =	vadd.f32 v24, v20;
	v24 =	vmul.f32 v35, v18;
	v34 =	vld.idx.msk [tilespmem:v29+s31+$0x0], $0xffff  }
.Ltmp0:
0x98: {  	v36 =	vmul.f32 v47, v18;
	v31 =	vld.idx.msk [tilespmem:v40+s31+$0x0], $0xffff;
	(pc) =	sbr.rel @p0 .LBB2_3-.Ltmp0, $4  }
0x99: {  	v37 =	vor.u32 v1, v33;
	v22 =	vmul.f32 v22, v19;
	v20 =	vadd.f32 v24, v20;
	v32 =	vld.idx.msk [tilespmem:v41+s31+$0x0], $0xffff  }
0x9a: {  	v33 =	vor.u32 v5, v33;
	v24 =	vmul.f32 v43, v19;
	v29 =	vld.idx.msk [tilespmem:v26+s31+$0x0], $0xffff  }
0x9b: {  	v35 =	vmul.f32 v39, v19;
	v40 =	vadd.f32 v22, v45;
	v26 =	vmul.f32 v52, v18;
	v22 =	vld.idx.msk [tilespmem:v48+s31+$0x0], $0xffff  }
0x9c: {  	s16 =	smov.u32 s2;
	s0 =	sadd.s32 $0x4, s0;
	v38 =	vadd.f32 v24, v38;
	v39 =	vmul.f32 v44, v18;
	v24 =	vld.idx.msk [tilespmem:v42+s31+$0x0], $0xffff  }
0x9d: {  	_ =	sdelay $0x3  }
0x9e: {  	v21 =	vld.idx.msk [tilespmem:v21+s31+$0x0], $0xffff  }
0x9f: {  	v37 =	vld.idx.msk [tilespmem:v37+s31+$0x0], $0xffff;
	v19 =	vmul.f32 v32, v19  }
0xa0: {  	v18 =	vmul.f32 v34, v18;
	v30 =	vld.idx.msk [tilespmem:v30+s31+$0x0], $0xffff  }
0xa1: {  	v54 =	vadd.f32 v36, v40;
	v25 =	vmul.f32 v25, v17;
	v27 =	vld.idx.msk [tilespmem:v27+s31+$0x0], $0xffff;
	v19 =	vadd.f32 v19, v28  }
0xa2: {  	v29 =	vmul.f32 v29, v17;
	v28 =	vmul.f32 v31, v17;
	v31 =	vadd.f32 v39, v38  }
0xa3: {  	v23 =	vadd.f32 v35, v23;
	v33 =	vld.idx.msk [tilespmem:v33+s31+$0x0], $0xffff;
	v21 =	vmul.f32 v21, v17;
	v18 =	vadd.f32 v18, v19  }
0xa4: {  	v20 =	vadd.f32 v29, v20;
	v19 =	vadd.f32 v25, v31;
	v25 =	vmul.f32 v37, v16  }
0xa5: {  	v23 =	vadd.f32 v26, v23;
	v29 =	vmul.f32 v30, v16;
	v18 =	vadd.f32 v21, v18  }
0xa6: {  	s2 =	sand.u32 $0xF, s30;
	v17 =	vmul.f32 v22, v17;
	v21 =	vmul.f32 v27, v16;
	v20 =	vadd.f32 v25, v20  }
0xa7: {  	s0 =	sshll.u32 s2, $0x9;
	v22 =	vmul.f32 v24, v16;
	v23 =	vadd.f32 v28, v23;
	v18 =	vadd.f32 v29, v18  }
0xa8: {  	v16 =	vmul.f32 v33, v16;
	v17 =	vadd.f32 v17, v54;
	v19 =	vadd.f32 v21, v19;
	[tilespmem:s0+$0x9E00] =	vst v20  }
0xa9: {  	s16 =	simm.s32 $0x0;
	s20 =	simm.s32 $0x2;
	v20 =	vadd.f32 v22, v23;
	[tilespmem:s0+$0x9E10] =	vst v18  }
0xaa: {  	s17 =	simm.s32 $0x3;
	s19 =	sand.u32 $0x38, s16;
	v16 =	vadd.f32 v16, v17;
	v21 =	vadd.s32 s20, v0;
	[tilespmem:s0+$0x9E20] =	vst v19  }
0xab: {  	s14 =	simm.s32 $0x1;
	s21 =	sand.u32 $0x7, s17;
	s19 =	sor.u32 $0x9C80, s19;
	v28 =	vand.u32 $0x3F, v21;
	[tilespmem:s0+$0x9E30] =	vst v20  }
0xac: {  	s22 =	sand.u32 $0x6, s20;
	s21 =	sor.u32 s21, s19;
	v18 =	vadd.s32 s14, v0;
	[tilespmem:s0+$0x9E40] =	vst v16;
	v16 =	vadd.s32 s16, v0;
	v29 =	vor.u32 v6, v28  }
0xad: {  	s22 =	sor.u32 s22, s19;
	s14 =	sand.u32 $0x5, s14;
	v60 =	vor.u32 v10, v28;
	v19 =	vand.u32 $0x3F, v18;
	v22 =	vand.u32 $0x3F, v16;
	v16 =	vld [tilespmem:s21+$0x0]  }
0xae: {  	s16 =	sand.u32 $0x4, s16;
	s14 =	sor.u32 s14, s19;
	v18 =	vld [tilespmem:s22+$0x0];
	v20 =	vor.u32 v6, v19  }
0xaf: {  	s23 =	sor.u32 s16, s19;
	v24 =	vor.u32 v6, v22;
	v17 =	vld [tilespmem:s14+$0x0]  }
0xb0: {  	v23 =	vor.u32 v7, v19;
	v21 =	vld [tilespmem:s23+$0x0]  }
0xb1: {  	v25 =	vor.u32 v10, v22;
	v59 =	vld.idx.msk [tilespmem:v29+s31+$0x0], $0xffff  }
0xb2: {  	v30 =	vor.u32 v7, v22;
	v33 =	vld.idx.msk [tilespmem:v60+s31+$0x0], $0xffff  }
0xb3: {  	v27 =	vld.idx.msk [tilespmem:v20+s31+$0x0], $0xffff;
	v20 =	vor.u32 v10, v19  }
0xb4: {  	v55 =	vor.u32 v9, v22;
	v31 =	vld.idx.msk [tilespmem:v24+s31+$0x0], $0xffff  }
0xb5: {  	v22 =	vor.u32 v8, v22;
	v23 =	vld.idx.msk [tilespmem:v23+s31+$0x0], $0xffff  }
0xb6: {  	v43 =	vor.u32 v8, v19;
	v24 =	vadd.s32 s17, v0;
	v25 =	vld.idx.msk [tilespmem:v25+s31+$0x0], $0xffff  }
0xb7: {  	v26 =	vor.u32 v9, v19;
	v62 =	vld.idx.msk [tilespmem:v30+s31+$0x0], $0xffff;
	v56 =	vand.u32 $0x3F, v24  }
0xb8: {  	v36 =	vimm.f32 $0.0e+00;
	v32 =	vor.u32 v7, v28;
	v57 =	vor.u32 v7, v56;
	v58 =	vld.idx.msk [tilespmem:v20+s31+$0x0], $0xffff  }
0xb9: {  	v37 =	vor.u32 v8, v28;
	v41 =	vld.idx.msk [tilespmem:v55+s31+$0x0], $0xffff;
	v42 =	vor.u32 v10, v56;
	v30 =	vmul.f32 v31, v21  }
0xba: {  	v29 =	vimm.f32 $0.0e+00;
	v35 =	vld.idx.msk [tilespmem:v22+s31+$0x0], $0xffff;
	v61 =	vor.u32 v8, v56;
	v27 =	vmul.f32 v27, v17  }
0xbb: {  	v34 =	vld.idx.msk [tilespmem:v43+s31+$0x0], $0xffff;
	v22 =	vmul.f32 v25, v21;
	v19 =	vmul.f32 v23, v17;
	v23 =	vadd.f32 v30, v29  }
0xbc: {  	v24 =	vld.idx.msk [tilespmem:v26+s31+$0x0], $0xffff;
	v26 =	vor.u32 v6, v56;
	v44 =	vmul.f32 v59, v18;
	v20 =	vor.u32 v9, v56  }
0xbd: {  	v30 =	vld.idx.msk [tilespmem:v57+s31+$0x0], $0xffff;
	v22 =	vadd.f32 v22, v29;
	v63 =	vadd.f32 v27, v23;
	v25 =	vmul.f32 v58, v17  }
0xbe: {  	v31 =	vor.u32 v9, v28;
	v39 =	vmul.f32 v62, v21;
	v38 =	vmul.f32 v41, v21;
	v28 =	vld.idx.msk [tilespmem:v42+s31+$0x0], $0xffff  }
0xbf: {  	s16 =	simm.s32 $0x4;
	v23 =	vld.idx.msk [tilespmem:v61+s31+$0x0], $0xffff;
	v27 =	vadd.f32 v25, v22;
	v22 =	vadd.f32 v44, v63;
	v25 =	vimm.f32 $0.0e+00  }
.LBB2_5:
0xc0: {  	s14 =	sadd.s32 $0x1, s16  }
0xc1: {  	s17 =	sadd.s32 $0x2, s16;
	s19 =	sadd.s32 $0x3, s16;
	v29 =	vadd.f32 v39, v29;
	v35 =	vmul.f32 v35, v21;
	v24 =	vmul.f32 v24, v17;
	v21 =	vld.idx.msk [tilespmem:v26+s31+$0x0], $0xffff;
	s20 =	smov.u32 s16  }
0xc2: {  	s21 =	sand.u32 $0x38, s20;
	v26 =	vadd.s32 s14, v0;
	s22 =	sand.u32 $0x5, s14;
	v39 =	vadd.s32 s17, v0;
	s14 =	sadd.s32 $0x4, s16;
	v36 =	vadd.f32 v38, v36;
	v32 =	vld.idx.msk [tilespmem:v32+s31+$0x0], $0xffff  }
0xc3: {  	p0 =	sne.s32 s16, $0x3C;
	s21 =	sor.u32 $0x9C80, s21;
	v38 =	vand.u32 $0x3F, v26;
	v39 =	vand.u32 $0x3F, v39;
	v37 =	vld.idx.msk [tilespmem:v37+s31+$0x0], $0xffff;
	v26 =	vmul.f32 v33, v18  }
0xc4: {  	v30 =	vmul.f32 v30, v16;
	v33 =	vadd.s32 s20, v0;
	s16 =	sor.u32 s22, s21;
	v40 =	vor.u32 v6, v38;
	s22 =	sand.u32 $0x7, s19;
	v31 =	vld.idx.msk [tilespmem:v31+s31+$0x0], $0xffff  }
0xc5: {  	s17 =	sand.u32 $0x6, s17;
	v42 =	vadd.s32 s19, v0;
	v33 =	vand.u32 $0x3F, v33;
	v41 =	vor.u32 v7, v38;
	s19 =	sor.u32 s22, s21;
	v43 =	vld.idx.msk [tilespmem:v20+s31+$0x0], $0xffff  }
0xc6: {  	s17 =	sor.u32 s17, s21;
	v20 =	vor.u32 v6, v33;
	v44 =	vor.u32 v7, v33;
	v34 =	vmul.f32 v34, v17;
	v45 =	vld [tilespmem:s19+$0x0]  }
0xc7: {  	v46 =	vor.u32 v8, v33;
	v47 =	vor.u32 v9, v33;
	v49 =	vmul.f32 v21, v16;
	v48 =	vld [tilespmem:s17+$0x0]  }
0xc8: {  	v50 =	vor.u32 v9, v38;
	v33 =	vor.u32 v10, v33;
	s17 =	sand.u32 $0x4, s20;
	v32 =	vmul.f32 v32, v18;
	v17 =	vld [tilespmem:s16+$0x0]  }
0xc9: {  	v51 =	vor.u32 v10, v38;
	v26 =	vadd.f32 v26, v27;
	v27 =	vmul.f32 v28, v16;
	s16 =	sor.u32 s17, s21;
	v40 =	vld.idx.msk [tilespmem:v40+s31+$0x0], $0xffff  }
0xca: {  	v19 =	vadd.f32 v19, v29;
	v23 =	vmul.f32 v23, v16;
	v28 =	vor.u32 v6, v39;
	v21 =	vld [tilespmem:s16+$0x0]  }
0xcb: {  	v42 =	vand.u32 $0x3F, v42;
	v27 =	vadd.f32 v27, v26;
	v29 =	vmul.f32 v31, v18;
	v41 =	vld.idx.msk [tilespmem:v41+s31+$0x0], $0xffff  }
0xcc: {  	v25 =	vadd.f32 v35, v25;
	v52 =	vor.u32 v7, v42;
	v26 =	vor.u32 v6, v42;
	v31 =	vld.idx.msk [tilespmem:v20+s31+$0x0], $0xffff  }
0xcd: {  	v53 =	vor.u32 v8, v42;
	v35 =	vadd.f32 v24, v36;
	v20 =	vor.u32 v9, v42;
	v33 =	vld.idx.msk [tilespmem:v33+s31+$0x0], $0xffff  }
0xce: {  	v54 =	vor.u32 v8, v38;
	v19 =	vadd.f32 v32, v19;
	v18 =	vmul.f32 v37, v18;
	v24 =	vld.idx.msk [tilespmem:v50+s31+$0x0], $0xffff  }
0xcf: {  	v22 =	vadd.f32 v49, v22;
	v35 =	vadd.f32 v29, v35;
	v37 =	vmul.f32 v40, v17;
	v38 =	vld.idx.msk [tilespmem:v51+s31+$0x0], $0xffff  }
0xd0: {  	v16 =	vmul.f32 v43, v16;
	v29 =	vadd.f32 v30, v19;
	v40 =	vor.u32 v10, v39;
	v28 =	vld.idx.msk [tilespmem:v28+s31+$0x0], $0xffff  }
0xd1: {  	v25 =	vadd.f32 v34, v25;
	v32 =	vor.u32 v7, v39;
	v19 =	vmul.f32 v41, v17;
	v43 =	vld.idx.msk [tilespmem:v44+s31+$0x0], $0xffff  }
0xd2: {  	v36 =	vadd.f32 v16, v35;
	v41 =	vor.u32 v10, v42;
	v30 =	vmul.f32 v31, v21;
	v34 =	vld.idx.msk [tilespmem:v47+s31+$0x0], $0xffff  }
0xd3: {  	v25 =	vadd.f32 v18, v25;
	v31 =	vor.u32 v9, v39;
	v33 =	vmul.f32 v33, v21;
	v35 =	vld.idx.msk [tilespmem:v46+s31+$0x0], $0xffff  }
.Ltmp1:
0xd4: {  	v18 =	vmov v48;
	v16 =	vmov v45;
	v22 =	vadd.f32 v30, v22;
	v30 =	vld.idx.msk [tilespmem:v52+s31+$0x0], $0xffff;
	(pc) =	sbr.rel @p0 .LBB2_5-.Ltmp1, $4  }
0xd5: {  	v25 =	vadd.f32 v23, v25;
	v27 =	vadd.f32 v33, v27;
	v38 =	vmul.f32 v38, v17;
	v33 =	vld.idx.msk [tilespmem:v40+s31+$0x0], $0xffff  }
0xd6: {  	v22 =	vadd.f32 v37, v22;
	v40 =	vmul.f32 v28, v18;
	v37 =	vor.u32 v8, v39;
	v23 =	vld.idx.msk [tilespmem:v53+s31+$0x0], $0xffff  }
0xd7: {  	v39 =	vmul.f32 v43, v21;
	v27 =	vadd.f32 v38, v27;
	v28 =	vld.idx.msk [tilespmem:v41+s31+$0x0], $0xffff  }
0xd8: {  	s16 =	smov.u32 s14;
	v38 =	vmul.f32 v34, v21;
	v22 =	vadd.f32 v40, v22;
	v34 =	vld.idx.msk [tilespmem:v54+s31+$0x0], $0xffff  }
0xd9: {  	_ =	sdelay $0x3  }
0xda: {  	v26 =	vld.idx.msk [tilespmem:v26+s31+$0x0], $0xffff  }
0xdb: {  	v32 =	vld.idx.msk [tilespmem:v32+s31+$0x0], $0xffff  }
0xdc: {  	v37 =	vld.idx.msk [tilespmem:v37+s31+$0x0], $0xffff  }
0xdd: {  	v21 =	vmul.f32 v35, v21;
	v31 =	vld.idx.msk [tilespmem:v31+s31+$0x0], $0xffff  }
0xde: {  	v29 =	vadd.f32 v39, v29;
	v24 =	vmul.f32 v24, v17;
	v55 =	vadd.f32 v38, v36  }
0xdf: {  	v20 =	vld.idx.msk [tilespmem:v20+s31+$0x0], $0xffff;
	v33 =	vmul.f32 v33, v18;
	v21 =	vadd.f32 v21, v25;
	v17 =	vmul.f32 v34, v17  }
0xe0: {  	v25 =	vmul.f32 v30, v16;
	v19 =	vadd.f32 v19, v29;
	v30 =	vmul.f32 v32, v18  }
0xe1: {  	v26 =	vmul.f32 v26, v16;
	v29 =	vmul.f32 v37, v18;
	v17 =	vadd.f32 v17, v21  }
0xe2: {  	v18 =	vmul.f32 v31, v18;
	v21 =	vadd.f32 v24, v55;
	v19 =	vadd.f32 v30, v19  }
0xe3: {  	v23 =	vmul.f32 v23, v16;
	v22 =	vadd.f32 v26, v22;
	v17 =	vadd.f32 v29, v17  }
0xe4: {  	v20 =	vmul.f32 v20, v16;
	v18 =	vadd.f32 v18, v21;
	v19 =	vadd.f32 v25, v19  }
0xe5: {  	v16 =	vmul.f32 v28, v16;
	v21 =	vadd.f32 v33, v27;
	[tilespmem:s0+$0x9E80] =	vst v22;
	v17 =	vadd.f32 v23, v17  }
0xe6: {  	s16 =	simm.s32 $0x0;
	s20 =	simm.s32 $0x2;
	v18 =	vadd.f32 v20, v18;
	[tilespmem:s0+$0x9E90] =	vst v19  }
0xe7: {  	s17 =	simm.s32 $0x3;
	s19 =	sand.u32 $0x38, s16;
	v16 =	vadd.f32 v16, v21;
	v21 =	vadd.s32 s20, v0;
	[tilespmem:s0+$0x9EA0] =	vst v17  }
0xe8: {  	s14 =	simm.s32 $0x1;
	s21 =	sand.u32 $0x7, s17;
	s19 =	sor.u32 $0x9D00, s19;
	v28 =	vand.u32 $0x3F, v21;
	[tilespmem:s0+$0x9EB0] =	vst v18  }
0xe9: {  	s22 =	sand.u32 $0x6, s20;
	s21 =	sor.u32 s21, s19;
	v19 =	vadd.s32 s14, v0;
	[tilespmem:s0+$0x9EC0] =	vst v16;
	v16 =	vadd.s32 s16, v0;
	v29 =	vor.u32 v11, v28  }
0xea: {  	s22 =	sor.u32 s22, s19;
	s14 =	sand.u32 $0x5, s14;
	v19 =	vand.u32 $0x3F, v19;
	v61 =	vor.u32 v15, v28;
	v22 =	vand.u32 $0x3F, v16;
	v16 =	vld [tilespmem:s21+$0x0]  }
0xeb: {  	s14 =	sor.u32 s14, s19;
	s16 =	sand.u32 $0x4, s16;
	v20 =	vor.u32 v11, v19;
	v18 =	vld [tilespmem:s22+$0x0]  }
0xec: {  	v17 =	vld [tilespmem:s14+$0x0];
	s23 =	sor.u32 s16, s19;
	v24 =	vor.u32 v11, v22  }
0xed: {  	v23 =	vor.u32 v12, v19;
	v21 =	vld [tilespmem:s23+$0x0]  }
0xee: {  	v25 =	vor.u32 v15, v22;
	v60 =	vld.idx.msk [tilespmem:v29+s31+$0x0], $0xffff  }
0xef: {  	v30 =	vor.u32 v12, v22;
	v33 =	vld.idx.msk [tilespmem:v61+s31+$0x0], $0xffff  }
0xf0: {  	v27 =	vld.idx.msk [tilespmem:v20+s31+$0x0], $0xffff;
	v20 =	vor.u32 v15, v19  }
0xf1: {  	v56 =	vor.u32 v14, v22;
	v31 =	vld.idx.msk [tilespmem:v24+s31+$0x0], $0xffff  }
0xf2: {  	v43 =	vor.u32 v13, v19;
	v23 =	vld.idx.msk [tilespmem:v23+s31+$0x0], $0xffff  }
0xf3: {  	v22 =	vor.u32 v13, v22;
	v24 =	vadd.s32 s17, v0;
	v25 =	vld.idx.msk [tilespmem:v25+s31+$0x0], $0xffff  }
0xf4: {  	v26 =	vor.u32 v14, v19;
	v40 =	vld.idx.msk [tilespmem:v30+s31+$0x0], $0xffff;
	v57 =	vand.u32 $0x3F, v24  }
0xf5: {  	v36 =	vimm.f32 $0.0e+00;
	v32 =	vor.u32 v12, v28;
	v58 =	vor.u32 v12, v57;
	v59 =	vld.idx.msk [tilespmem:v20+s31+$0x0], $0xffff  }
0xf6: {  	v37 =	vor.u32 v13, v28;
	v41 =	vld.idx.msk [tilespmem:v56+s31+$0x0], $0xffff;
	v42 =	vor.u32 v15, v57;
	v30 =	vmul.f32 v31, v21  }
0xf7: {  	v29 =	vimm.f32 $0.0e+00;
	v34 =	vld.idx.msk [tilespmem:v43+s31+$0x0], $0xffff;
	v62 =	vor.u32 v13, v57;
	v27 =	vmul.f32 v27, v17  }
0xf8: {  	v35 =	vld.idx.msk [tilespmem:v22+s31+$0x0], $0xffff;
	v19 =	vmul.f32 v23, v17;
	v22 =	vmul.f32 v25, v21;
	v23 =	vadd.f32 v30, v29  }
0xf9: {  	v24 =	vld.idx.msk [tilespmem:v26+s31+$0x0], $0xffff;
	v26 =	vor.u32 v11, v57;
	v44 =	vmul.f32 v60, v18;
	v20 =	vor.u32 v14, v57  }
0xfa: {  	v30 =	vld.idx.msk [tilespmem:v58+s31+$0x0], $0xffff;
	v22 =	vadd.f32 v22, v29;
	v25 =	vmul.f32 v59, v17;
	v63 =	vadd.f32 v27, v23  }
0xfb: {  	v31 =	vor.u32 v14, v28;
	v39 =	vmul.f32 v40, v21;
	v38 =	vmul.f32 v41, v21;
	v28 =	vld.idx.msk [tilespmem:v42+s31+$0x0], $0xffff  }
0xfc: {  	s16 =	simm.s32 $0x4;
	v23 =	vld.idx.msk [tilespmem:v62+s31+$0x0], $0xffff;
	v27 =	vadd.f32 v25, v22;
	v22 =	vadd.f32 v44, v63;
	v25 =	vimm.f32 $0.0e+00  }
.LBB2_7:
0xfd: {  	s14 =	sadd.s32 $0x1, s16  }
0xfe: {  	s17 =	sadd.s32 $0x2, s16;
	s19 =	sadd.s32 $0x3, s16;
	v29 =	vadd.f32 v39, v29;
	v35 =	vmul.f32 v35, v21;
	v24 =	vmul.f32 v24, v17;
	v21 =	vld.idx.msk [tilespmem:v26+s31+$0x0], $0xffff;
	s20 =	smov.u32 s16  }
0xff: {  	s21 =	sand.u32 $0x38, s20;
	v26 =	vadd.s32 s14, v0;
	s22 =	sand.u32 $0x5, s14;
	v39 =	vadd.s32 s17, v0;
	s14 =	sadd.s32 $0x4, s16;
	v36 =	vadd.f32 v38, v36;
	v32 =	vld.idx.msk [tilespmem:v32+s31+$0x0], $0xffff  }
0x100: {  	p0 =	sne.s32 s16, $0x3C;
	s21 =	sor.u32 $0x9D00, s21;
	v38 =	vand.u32 $0x3F, v26;
	v39 =	vand.u32 $0x3F, v39;
	v37 =	vld.idx.msk [tilespmem:v37+s31+$0x0], $0xffff;
	v26 =	vmul.f32 v33, v18  }
0x101: {  	v30 =	vmul.f32 v30, v16;
	v33 =	vadd.s32 s20, v0;
	s16 =	sor.u32 s22, s21;
	v40 =	vor.u32 v11, v38;
	s22 =	sand.u32 $0x7, s19;
	v31 =	vld.idx.msk [tilespmem:v31+s31+$0x0], $0xffff  }
0x102: {  	s17 =	sand.u32 $0x6, s17;
	v42 =	vadd.s32 s19, v0;
	v33 =	vand.u32 $0x3F, v33;
	v41 =	vor.u32 v12, v38;
	s19 =	sor.u32 s22, s21;
	v43 =	vld.idx.msk [tilespmem:v20+s31+$0x0], $0xffff  }
0x103: {  	s17 =	sor.u32 s17, s21;
	v20 =	vor.u32 v11, v33;
	v44 =	vor.u32 v12, v33;
	v34 =	vmul.f32 v34, v17;
	v45 =	vld [tilespmem:s19+$0x0]  }
0x104: {  	v46 =	vor.u32 v13, v33;
	v47 =	vor.u32 v14, v33;
	v49 =	vmul.f32 v21, v16;
	v48 =	vld [tilespmem:s17+$0x0]  }
0x105: {  	v50 =	vor.u32 v14, v38;
	v33 =	vor.u32 v15, v33;
	s17 =	sand.u32 $0x4, s20;
	v32 =	vmul.f32 v32, v18;
	v17 =	vld [tilespmem:s16+$0x0]  }
0x106: {  	v51 =	vor.u32 v15, v38;
	v26 =	vadd.f32 v26, v27;
	v27 =	vmul.f32 v28, v16;
	s16 =	sor.u32 s17, s21;
	v40 =	vld.idx.msk [tilespmem:v40+s31+$0x0], $0xffff  }
0x107: {  	v19 =	vadd.f32 v19, v29;
	v23 =	vmul.f32 v23, v16;
	v28 =	vor.u32 v11, v39;
	v21 =	vld [tilespmem:s16+$0x0]  }
0x108: {  	v42 =	vand.u32 $0x3F, v42;
	v27 =	vadd.f32 v27, v26;
	v29 =	vmul.f32 v31, v18;
	v41 =	vld.idx.msk [tilespmem:v41+s31+$0x0], $0xffff  }
0x109: {  	v25 =	vadd.f32 v35, v25;
	v52 =	vor.u32 v12, v42;
	v26 =	vor.u32 v11, v42;
	v31 =	vld.idx.msk [tilespmem:v20+s31+$0x0], $0xffff  }
0x10a: {  	v53 =	vor.u32 v13, v42;
	v35 =	vadd.f32 v24, v36;
	v20 =	vor.u32 v14, v42;
	v33 =	vld.idx.msk [tilespmem:v33+s31+$0x0], $0xffff  }
0x10b: {  	v54 =	vor.u32 v13, v38;
	v19 =	vadd.f32 v32, v19;
	v18 =	vmul.f32 v37, v18;
	v24 =	vld.idx.msk [tilespmem:v50+s31+$0x0], $0xffff  }
0x10c: {  	v22 =	vadd.f32 v49, v22;
	v35 =	vadd.f32 v29, v35;
	v37 =	vmul.f32 v40, v17;
	v38 =	vld.idx.msk [tilespmem:v51+s31+$0x0], $0xffff  }
0x10d: {  	v16 =	vmul.f32 v43, v16;
	v29 =	vadd.f32 v30, v19;
	v40 =	vor.u32 v15, v39;
	v28 =	vld.idx.msk [tilespmem:v28+s31+$0x0], $0xffff  }
0x10e: {  	v25 =	vadd.f32 v34, v25;
	v32 =	vor.u32 v12, v39;
	v19 =	vmul.f32 v41, v17;
	v43 =	vld.idx.msk [tilespmem:v44+s31+$0x0], $0xffff  }
0x10f: {  	v36 =	vadd.f32 v16, v35;
	v41 =	vor.u32 v15, v42;
	v30 =	vmul.f32 v31, v21;
	v34 =	vld.idx.msk [tilespmem:v47+s31+$0x0], $0xffff  }
0x110: {  	v25 =	vadd.f32 v18, v25;
	v31 =	vor.u32 v14, v39;
	v33 =	vmul.f32 v33, v21;
	v35 =	vld.idx.msk [tilespmem:v46+s31+$0x0], $0xffff  }
.Ltmp2:
0x111: {  	v18 =	vmov v48;
	v16 =	vmov v45;
	v22 =	vadd.f32 v30, v22;
	v30 =	vld.idx.msk [tilespmem:v52+s31+$0x0], $0xffff;
	(pc) =	sbr.rel @p0 .LBB2_7-.Ltmp2, $4  }
0x112: {  	v25 =	vadd.f32 v23, v25;
	v27 =	vadd.f32 v33, v27;
	v38 =	vmul.f32 v38, v17;
	v33 =	vld.idx.msk [tilespmem:v40+s31+$0x0], $0xffff  }
0x113: {  	v22 =	vadd.f32 v37, v22;
	v40 =	vmul.f32 v28, v18;
	v37 =	vor.u32 v13, v39;
	v23 =	vld.idx.msk [tilespmem:v53+s31+$0x0], $0xffff  }
0x114: {  	v39 =	vmul.f32 v43, v21;
	v27 =	vadd.f32 v38, v27;
	v28 =	vld.idx.msk [tilespmem:v41+s31+$0x0], $0xffff  }
0x115: {  	s16 =	smov.u32 s14;
	v38 =	vmul.f32 v34, v21;
	v22 =	vadd.f32 v40, v22;
	v34 =	vld.idx.msk [tilespmem:v54+s31+$0x0], $0xffff  }
0x116: {  	_ =	sdelay $0x3  }
0x117: {  	v26 =	vld.idx.msk [tilespmem:v26+s31+$0x0], $0xffff  }
0x118: {  	v32 =	vld.idx.msk [tilespmem:v32+s31+$0x0], $0xffff  }
0x119: {  	v37 =	vld.idx.msk [tilespmem:v37+s31+$0x0], $0xffff  }
0x11a: {  	v21 =	vmul.f32 v35, v21;
	v31 =	vld.idx.msk [tilespmem:v31+s31+$0x0], $0xffff  }
0x11b: {  	v29 =	vadd.f32 v39, v29;
	v24 =	vmul.f32 v24, v17;
	v54 =	vadd.f32 v38, v36  }
0x11c: {  	v20 =	vld.idx.msk [tilespmem:v20+s31+$0x0], $0xffff;
	v33 =	vmul.f32 v33, v18;
	v21 =	vadd.f32 v21, v25;
	v17 =	vmul.f32 v34, v17  }
0x11d: {  	v25 =	vmul.f32 v30, v16;
	v19 =	vadd.f32 v19, v29;
	v30 =	vmul.f32 v32, v18  }
0x11e: {  	v26 =	vmul.f32 v26, v16;
	v29 =	vmul.f32 v37, v18;
	v17 =	vadd.f32 v17, v21  }
0x11f: {  	v18 =	vmul.f32 v31, v18;
	v21 =	vadd.f32 v24, v54;
	v19 =	vadd.f32 v30, v19  }
0x120: {  	v23 =	vmul.f32 v23, v16;
	v22 =	vadd.f32 v26, v22;
	v17 =	vadd.f32 v29, v17  }
0x121: {  	v20 =	vmul.f32 v20, v16;
	v18 =	vadd.f32 v18, v21;
	v19 =	vadd.f32 v25, v19  }
0x122: {  	s16 =	simm.s32 $0x0;
	v16 =	vmul.f32 v28, v16;
	v21 =	vadd.f32 v33, v27;
	[tilespmem:s0+$0x9F00] =	vst v22;
	v17 =	vadd.f32 v23, v17  }
0x123: {  	v18 =	vadd.f32 v20, v18;
	[tilespmem:s0+$0x9F10] =	vst v19;
	v19 =	vadd.s32 s16, v0  }
0x124: {  	s17 =	simm.s32 $0x1;
	s19 =	simm.s32 $0x2;
	s14 =	sand.u32 $0x38, s16;
	v20 =	vadd.f32 v16, v21;
	v16 =	vadd.s32 $0x3480, v1;
	[tilespmem:s0+$0x9F20] =	vst v17;
	v24 =	vand.u32 $0x3F, v19  }
0x125: {  	s20 =	sand.u32 $0x6, s19;
	s14 =	sor.u32 $0x9D80, s14;
	[tilespmem:s0+$0x9F30] =	vst v18;
	v18 =	vadd.s32 s17, v0;
	v17 =	vadd.s32 $0x4080, v1;
	v22 =	vor.u32 v16, v24  }
0x126: {  	s20 =	sor.u32 s20, s14;
	s16 =	sand.u32 $0x4, s16;
	[tilespmem:s0+$0x9F40] =	vst v20;
	v25 =	vand.u32 $0x3F, v18;
	v26 =	vor.u32 v17, v24  }
0x127: {  	s17 =	sand.u32 $0x5, s17;
	s16 =	sor.u32 s16, s14;
	v18 =	vadd.s32 $0x4480, v1;
	v21 =	vld [tilespmem:s20+$0x0];
	v27 =	vor.u32 v17, v25  }
0x128: {  	s17 =	sor.u32 s17, s14;
	v23 =	vld [tilespmem:s16+$0x0];
	v28 =	vor.u32 v18, v25  }
0x129: {  	v19 =	vld [tilespmem:s17+$0x0];
	v29 =	vor.u32 v18, v24  }
0x12a: {  	v20 =	vadd.s32 $0x3880, v1;
	v30 =	vor.u32 v16, v25;
	v31 =	vld.idx.msk [tilespmem:v22+s31+$0x0], $0xffff  }
0x12b: {  	v58 =	vor.u32 v20, v24;
	v22 =	vadd.s32 s19, v0;
	v26 =	vld.idx.msk [tilespmem:v26+s31+$0x0], $0xffff  }
0x12c: {  	v55 =	vor.u32 v20, v25;
	v56 =	vand.u32 $0x3F, v22;
	v57 =	vld.idx.msk [tilespmem:v27+s31+$0x0], $0xffff  }
0x12d: {  	s16 =	simm.s32 $0x3;
	v59 =	vld.idx.msk [tilespmem:v28+s31+$0x0], $0xffff;
	v27 =	vor.u32 v17, v56  }
0x12e: {  	v60 =	vadd.s32 s16, v0;
	v22 =	vadd.s32 $0x3C80, v1;
	v29 =	vld.idx.msk [tilespmem:v29+s31+$0x0], $0xffff;
	v28 =	vor.u32 v18, v56  }
0x12f: {  	v37 =	vand.u32 $0x3F, v60;
	v43 =	vld.idx.msk [tilespmem:v30+s31+$0x0], $0xffff;
	v61 =	vor.u32 v22, v24  }
0x130: {  	v34 =	vor.u32 v20, v37;
	v38 =	vld.idx.msk [tilespmem:v58+s31+$0x0], $0xffff;
	v47 =	vor.u32 v20, v56  }
0x131: {  	v44 =	vld.idx.msk [tilespmem:v55+s31+$0x0], $0xffff;
	v30 =	vor.u32 v16, v37;
	v41 =	vor.u32 v16, v56;
	v26 =	vmul.f32 v26, v23  }
0x132: {  	v24 =	vimm.f32 $0.0e+00;
	v25 =	vor.u32 v22, v25;
	v45 =	vor.u32 v22, v56;
	v46 =	vld.idx.msk [tilespmem:v27+s31+$0x0], $0xffff  }
0x133: {  	v62 =	vmul.f32 v31, v23;
	v63 =	vmul.f32 v57, v19;
	v26 =	vadd.f32 v26, v24;
	v32 =	vld.idx.msk [tilespmem:v28+s31+$0x0], $0xffff  }
0x134: {  	v31 =	vor.u32 v17, v37;
	v43 =	vmul.f32 v43, v19;
	v39 =	vld.idx.msk [tilespmem:v61+s31+$0x0], $0xffff;
	v28 =	vmul.f32 v29, v23  }
0x135: {  	v27 =	vor.u32 v18, v37;
	v40 =	vadd.f32 v62, v24;
	v35 =	vld.idx.msk [tilespmem:v47+s31+$0x0], $0xffff;
	v33 =	vadd.f32 v63, v26  }
0x136: {  	v26 =	vld.idx.msk [tilespmem:v41+s31+$0x0], $0xffff;
	v41 =	vor.u32 v22, v37;
	v42 =	vadd.f32 v28, v24;
	v28 =	vmul.f32 v44, v19  }
0x137: {  	s17 =	simm.s32 $0x4;
	v29 =	vimm.f32 $0.0e+00;
	v44 =	vmul.f32 v59, v19;
	v37 =	vld.idx.msk [tilespmem:v45+s31+$0x0], $0xffff;
	v36 =	vmul.f32 v46, v21  }
.LBB2_9:
0x138: {  	s20 =	sadd.s32 $0x1, s17  }
0x139: {  	s21 =	sadd.s32 $0x3, s17;
	v38 =	vmul.f32 v38, v23;
	v45 =	vld.idx.msk [tilespmem:v25+s31+$0x0], $0xffff;
	v42 =	vadd.f32 v44, v42;
	s22 =	smov.u32 s17;
	s19 =	sadd.s32 $0x4, s17  }
0x13a: {  	p0 =	sne.s32 s17, $0x3C;
	v25 =	vadd.s32 s20, v0;
	v44 =	vadd.s32 s21, v0;
	v40 =	vadd.f32 v43, v40;
	v43 =	vld.idx.msk [tilespmem:v30+s31+$0x0], $0xffff  }
0x13b: {  	s23 =	sand.u32 $0x7, s16;
	s17 =	sadd.s32 $0x2, s22;
	v39 =	vmul.f32 v39, v23;
	s16 =	smov.u32 s21;
	v30 =	vand.u32 $0x3F, v25;
	v41 =	vld.idx.msk [tilespmem:v41+s31+$0x0], $0xffff  }
0x13c: {  	v32 =	vmul.f32 v32, v21;
	s14 =	sor.u32 s23, s14;
	s21 =	sand.u32 $0x6, s17;
	v44 =	vand.u32 $0x3F, v44;
	v23 =	vld.idx.msk [tilespmem:v34+s31+$0x0], $0xffff  }
0x13d: {  	v33 =	vadd.f32 v36, v33;
	v25 =	vadd.s32 s22, v0;
	v34 =	vld [tilespmem:s14+$0x0]  }
0x13e: {  	v36 =	vand.u32 $0x3F, v25;
	v37 =	vmul.f32 v37, v21;
	s14 =	sand.u32 $0x38, s22;
	v31 =	vld.idx.msk [tilespmem:v31+s31+$0x0], $0xffff  }
0x13f: {  	v46 =	vor.u32 v16, v36;
	v47 =	vor.u32 v17, v36;
	v35 =	vmul.f32 v35, v21;
	s14 =	sor.u32 $0x9D80, s14;
	v27 =	vld.idx.msk [tilespmem:v27+s31+$0x0], $0xffff  }
0x140: {  	s20 =	sand.u32 $0x5, s20;
	v48 =	vor.u32 v20, v30;
	v25 =	vor.u32 v22, v30;
	v45 =	vmul.f32 v45, v19;
	s21 =	sor.u32 s21, s14  }
0x141: {  	v50 =	vor.u32 v17, v30;
	v51 =	vor.u32 v18, v30;
	s22 =	sand.u32 $0x4, s22;
	v49 =	vor.u32 v20, v36;
	s20 =	sor.u32 s20, s14;
	v52 =	vld [tilespmem:s21+$0x0]  }
0x142: {  	v54 =	vor.u32 v16, v30;
	v53 =	vor.u32 v18, v36;
	s21 =	sor.u32 s22, s14;
	v19 =	vld [tilespmem:s20+$0x0];
	v55 =	vmul.f32 v23, v34  }
0x143: {  	v30 =	vor.u32 v16, v44;
	v36 =	vor.u32 v22, v36;
	v41 =	vmul.f32 v41, v34;
	v23 =	vld [tilespmem:s21+$0x0]  }
0x144: {  	v56 =	vadd.s32 s17, v0;
	v24 =	vadd.f32 v39, v24;
	v31 =	vmul.f32 v31, v34;
	v46 =	vld.idx.msk [tilespmem:v46+s31+$0x0], $0xffff  }
0x145: {  	v29 =	vadd.f32 v38, v29;
	v38 =	vmul.f32 v27, v34;
	v39 =	vld.idx.msk [tilespmem:v47+s31+$0x0], $0xffff;
	v47 =	vand.u32 $0x3F, v56  }
0x146: {  	v33 =	vadd.f32 v31, v33;
	v50 =	vld.idx.msk [tilespmem:v50+s31+$0x0], $0xffff;
	v56 =	vor.u32 v17, v47;
	v57 =	vor.u32 v18, v47  }
0x147: {  	v28 =	vadd.f32 v28, v29;
	v21 =	vmul.f32 v26, v21;
	v58 =	vor.u32 v16, v47;
	v51 =	vld.idx.msk [tilespmem:v51+s31+$0x0], $0xffff  }
0x148: {  	v29 =	vadd.f32 v32, v42;
	v24 =	vadd.f32 v45, v24;
	v32 =	vmul.f32 v43, v34;
	v26 =	vld.idx.msk [tilespmem:v53+s31+$0x0], $0xffff  }
0x149: {  	v21 =	vadd.f32 v21, v40;
	v28 =	vadd.f32 v35, v28;
	v27 =	vor.u32 v18, v44;
	v43 =	vld.idx.msk [tilespmem:v54+s31+$0x0], $0xffff  }
0x14a: {  	v24 =	vadd.f32 v37, v24;
	v45 =	vor.u32 v22, v47;
	v37 =	vadd.f32 v38, v29;
	v35 =	vld.idx.msk [tilespmem:v48+s31+$0x0], $0xffff  }
0x14b: {  	v47 =	vor.u32 v20, v47;
	v29 =	vadd.f32 v55, v28;
	v34 =	vmul.f32 v39, v23;
	v48 =	vld.idx.msk [tilespmem:v56+s31+$0x0], $0xffff  }
0x14c: {  	v31 =	vor.u32 v17, v44;
	v28 =	vmul.f32 v46, v23;
	v46 =	vadd.f32 v32, v21;
	v38 =	vld.idx.msk [tilespmem:v49+s31+$0x0], $0xffff  }
.Ltmp3:
0x14d: {  	v24 =	vadd.f32 v41, v24;
	v42 =	vmul.f32 v50, v19;
	v33 =	vadd.f32 v34, v33;
	v32 =	vld.idx.msk [tilespmem:v57+s31+$0x0], $0xffff;
	(pc) =	sbr.rel @p0 .LBB2_9-.Ltmp3, $4  }
0x14e: {  	v40 =	vadd.f32 v28, v46;
	v34 =	vor.u32 v20, v44;
	v28 =	vmul.f32 v26, v23;
	v39 =	vld.idx.msk [tilespmem:v36+s31+$0x0], $0xffff  }
0x14f: {  	v41 =	vor.u32 v22, v44;
	v21 =	vmov v52;
	v33 =	vadd.f32 v42, v33;
	v26 =	vld.idx.msk [tilespmem:v58+s31+$0x0], $0xffff  }
0x150: {  	v44 =	vmul.f32 v51, v19;
	v42 =	vadd.f32 v28, v37;
	v28 =	vmul.f32 v35, v19;
	v37 =	vld.idx.msk [tilespmem:v45+s31+$0x0], $0xffff  }
0x151: {  	s17 =	smov.u32 s19;
	v43 =	vmul.f32 v43, v19;
	v36 =	vmul.f32 v48, v21;
	v35 =	vld.idx.msk [tilespmem:v47+s31+$0x0], $0xffff  }
0x152: {  	_ =	sdelay $0x3  }
0x153: {  	v16 =	vld.idx.msk [tilespmem:v25+s31+$0x0], $0xffff  }
0x154: {  	v17 =	vld.idx.msk [tilespmem:v30+s31+$0x0], $0xffff  }
0x155: {  	s16 =	sand.u32 $0x7, s16;
	v49 =	vld.idx.msk [tilespmem:v34+s31+$0x0], $0xffff  }
0x156: {  	v18 =	vmul.f32 v38, v23;
	v51 =	vld.idx.msk [tilespmem:v41+s31+$0x0], $0xffff;
	s14 =	sor.u32 s16, s14  }
0x157: {  	v20 =	vld [tilespmem:s14+$0x0]  }
0x158: {  	v22 =	vadd.f32 v44, v42;
	v52 =	vld.idx.msk [tilespmem:v31+s31+$0x0], $0xffff;
	v48 =	vmul.f32 v39, v23;
	v18 =	vadd.f32 v18, v29  }
0x159: {  	v27 =	vld.idx.msk [tilespmem:v27+s31+$0x0], $0xffff;
	v58 =	vmul.f32 v32, v21;
	v50 =	vadd.f32 v43, v40;
	v54 =	vmul.f32 v26, v21  }
0x15a: {  	v53 =	vadd.f32 v48, v24;
	v56 =	vmul.f32 v35, v21;
	v18 =	vadd.f32 v28, v18  }
0x15b: {  	v55 =	vmul.f32 v37, v21;
	v57 =	vadd.f32 v54, v50;
	v16 =	vmul.f32 v16, v19  }
0x15c: {  	v21 =	vadd.f32 v58, v22;
	v18 =	vadd.f32 v56, v18;
	v17 =	vmul.f32 v17, v20  }
0x15d: {  	v16 =	vadd.f32 v16, v53;
	v59 =	vmul.f32 v49, v20;
	v60 =	vmul.f32 v51, v20  }
0x15e: {  	v62 =	vmul.f32 v52, v20;
	v20 =	vmul.f32 v27, v20;
	v17 =	vadd.f32 v17, v57  }
0x15f: {  	p0 =	sne.s32 s2, $0xF;
	v16 =	vadd.f32 v55, v16;
	v18 =	vadd.f32 v59, v18  }
0x160: {  	v61 =	vadd.f32 v36, v33;
	s2 =	sshll.u32 @!p0 s30, $0x9;
	v63 =	vadd.f32 v20, v21;
	[tilespmem:s0+$0x9F80] =	vst v17  }
0x161: {  	s2 =	sand.u32 @!p0 $0xE000, s2;
	v16 =	vadd.f32 v60, v16;
	[tilespmem:s0+$0x9F90] =	vst v18  }
0x162: {  	s2 =	sor.u32 @!p0 s6, s2;
	v17 =	vadd.f32 v62, v61;
	[tilespmem:s0+$0x9FC0] =	vst v63  }
0x163: {  	p1 =	sne.s32 s29, $0x80;
	s2 =	sshrl.u32 @!p0 s2, $0x3;
	[tilespmem:s0+$0x9FA0] =	vst v16  }
0x164: {  	s14 =	simm.s32 @!p0 $0x9E00;
	[tilespmem:s0+$0x9FB0] =	vst v17;
	s0 =	sadd.s32 @!p0 s7, s2;
	s2 =	simm.s32 @!p0 $0x0  }
0x165: {  	[hbm4b:s0+s2] =	stream.linear.scatter @!p0 [tilespmem:s14], [sflag:$0x3], $0x2000, $0x38;
	[tilespmem:$0xBE00] =	vst v63  }
.Ltmp4:
0x166: {  	_ = 	snop;
	(pc) =	sbr.rel @p1 .LBB2_2-.Ltmp4, $4  }
0x167: {  	s0 =	simm.s32 @!p0 $0x3  }
0x168: {  	_ =	swait.ge @!p0 [sflag:s0], $0x2000  }
0x169: {  	[sflag:s0] =	ssyncset.done @!p0 $0x0  }
0x16a: {  	s30 =	smov.u32 s29;
	[sflag:s0] =	ssyncadd.s32 @!p0 $0xFFFFE000  }
0x16b: {  	s28 =	sadd.s32 $0x1, s28  }
0x16c: {  	p0 =	sne.s32 s28, s13  }
.Ltmp5:
0x16d: {  	_ = 	snop;
	(pc) =	sbr.rel @p0 .LBB2_1-.Ltmp5, $1  }
0x16e: {  	_ =	sdelay $0x3  }
0x16f: {  	_ =	sfence.sel $0x180000  }
0x170: {  	[bflag:$0x0] =	sbarrier.arrive $0xFFFF  }
0x171: {  	_ =	strace $0x9000004A  }
0x172: {  	s0 =	stileid.u32;
	[bflag:$0x2] =	sbarrier.arrive $0xFFFF  }
0x173: {  	p0 =	sne.s32 s0, $0x0;
	s0 =	rddreg [dreg:$0x1]  }
0x174: {  	s0 =	sadd.s32 @!p0 $0x100000, s0  }
0x175: {  	[sflag:s0] =	ssyncadd.tile.s32 @!p0 $0x1;
	_ =	shalt  }
.Lfunc_end2:
_tile_overlayer_lowered:
.L_overlay_start_2:
0x176: {  	(tag) =	ssettag $0x2  }
0x177: {  	s0 =	rddreg [dreg:$0x0];
	s2 =	stileid.u32  }
0x178: {  	s1 =	rddreg [dreg:$0x1];
	p0 =	sne.s32 s2, $0x0  }
0x179: {  	s3 =	rddreg [dreg:$0x2];
	[bflag:$0x3] =	sbarrier.arrive $0xFFFF;
	s2 =	simm.s32 @!p0 $0x1C03  }
0x17a: {  	[timem:s3], [sflag:s2] =	dma.local @!p0 [hbm:s0], s1  }
0x17b: {  	s0 =	simm.s32 @!p0 $0x3  }
0x17c: {  	_ =	swait.ge @!p0 [sflag:s0], s1  }
0x17d: {  	s1 =	ssub.s32 @!p0 $0x0, s1;
	[sflag:s0] =	ssyncset.done @!p0 $0x0  }
0x17e: {  	[sflag:s0] =	ssyncadd.s32 @!p0 s1  }
0x17f: {  	[bflag:$0x3] =	sbarrier.arrive $0xFFFF  }
0x180: {  	_ =	shalt  }

</sc_bundles>
